<compile_context>
chip_gen: v7x
topology: tpu7x:2x2x1
jax: 0.10.2.dev20260603
libtpu: 0.0.44.dev20260713+nightly
codegen_flags: <defaults>
</compile_context>

<pallas_src>
import functools

import jax
import jax.numpy as jnp
from jax import lax
from jax.experimental import pallas as pl
from jax.experimental.pallas import tpu as pltpu
from jax.experimental.pallas import tpu_sc as plsc

NUM_EMBEDDINGS = 100000
NUM_FEATURES = 128
BATCH = 4096
SEQ = 50

_INFO = plsc.get_sparse_core_info()
_NC = _INFO.num_cores
_NS = _INFO.num_subcores
_NW = _NC * _NS
_TOTAL = BATCH * SEQ
_PER_W = _TOTAL // _NW
_CHUNK = 64
_NCHUNK = _PER_W // _CHUNK
_NBUF = 14
_NGROUP = _NCHUNK // _NBUF
_NTAIL = _NCHUNK % _NBUF


def _make_kernel():
  mesh = plsc.VectorSubcoreMesh(core_axis_name="c", subcore_axis_name="s")

  @functools.partial(
      pl.kernel,
      mesh=mesh,
      out_type=jax.ShapeDtypeStruct((_NW, _NCHUNK, _CHUNK, NUM_FEATURES),
                                    jnp.float32),
      scratch_types=[
          pltpu.VMEM((_PER_W,), jnp.int32),
          pltpu.VMEM((_NBUF, _CHUNK, NUM_FEATURES), jnp.float32),
          pltpu.SemaphoreType.DMA((_NBUF,)),
          pltpu.SemaphoreType.DMA((_NBUF,)),
      ],
  )
  def k(idx_hbm, table_hbm, out_hbm, idx_v, rows_v, sem_g, sem_s):
    wid = lax.axis_index("s") * _NC + lax.axis_index("c")
    pltpu.sync_copy(idx_hbm.at[wid], idx_v)

    def g_start(j, b):
      pltpu.async_copy(
          table_hbm.at[idx_v.at[pl.ds(j * _CHUNK, _CHUNK)]],
          rows_v.at[b], sem_g.at[b])

    def g_wait(b):
      pltpu.make_async_copy(
          table_hbm.at[pl.ds(0, _CHUNK)], rows_v.at[b], sem_g.at[b]).wait()

    def s_start(j, b):
      pltpu.async_copy(rows_v.at[b], out_hbm.at[wid].at[j], sem_s.at[b])

    def s_wait(b):
      pltpu.make_async_copy(
          rows_v.at[b], out_hbm.at[wid].at[0], sem_s.at[b]).wait()

    for b in range(min(_NBUF, _NCHUNK)):
      g_start(b, b)

    def body(i, _):
      base = i * _NBUF
      for b in range(_NBUF):
        g_wait(b)
        s_start(base + b, b)
      for b in range(_NBUF):
        s_wait(b)

        @pl.when(base + _NBUF + b < _NCHUNK)
        def _():
          g_start(base + _NBUF + b, b)

      return _

    lax.fori_loop(0, _NGROUP, body, None)

    for b in range(_NTAIL):
      g_wait(b)
      s_start(_NGROUP * _NBUF + b, b)
    for b in range(_NTAIL):
      s_wait(b)

  return k


_kernel_call = _make_kernel()


def kernel(inputs, embedding):
  idx = inputs.reshape(_NW, _PER_W).astype(jnp.int32)
  out = _kernel_call(idx, embedding)
  return out.reshape(BATCH, SEQ, NUM_FEATURES)

# --- scband reference (transcript-rebuilt; emitter-appended) ---
"""Pipeline reference for scband-embed-6408091205920 (READ-ONLY COPY).

The authoritative reference and input builder live on the scoring server;
editing this copy changes nothing except your own understanding.
"""

import jax, jax.numpy as jnp
import numpy as np

NUM_EMBEDDINGS = 100000
NUM_FEATURES = 128
BATCH = 4096
SEQ = 50

def setup_inputs(seed: int = 0) -> dict:
    key = jax.random.key(seed)
    k_idx, k_emb = jax.random.split(key)
    inputs = jax.random.randint(k_idx, (BATCH, SEQ), 0, NUM_EMBEDDINGS, dtype=jnp.int64 if jax.config.jax_enable_x64 else jnp.int32)
    embedding = jax.random.normal(k_emb, (NUM_EMBEDDINGS, NUM_FEATURES), dtype=jnp.float32) * 0.02
    return {"inputs": inputs, "embedding": embedding}

def reference(inputs, embedding):
    # Embed.__call__ with use_iota_embed=False, dtype=float32, no input cast.
    # output = jnp.asarray(embedding, self.dtype)[inputs]
    if not jnp.issubdtype(inputs.dtype, jnp.integer):
        raise ValueError('Input type must be an integer or unsigned integer.')
    output = jnp.asarray(embedding, jnp.float32)[inputs]
    return output

if __name__ == "__main__":
    import jax
    _d = setup_inputs()
    print(jax.jit(kernel)(*tuple(_d.values())))

</pallas_src>

<mosaic_0001>
#map = affine_map<(d0, d1) -> (0, 0)>
#map1 = affine_map<(d0, d1) -> (0, 0, 0, 0)>
module attributes {stable_mosaic.version = 14 : i64} {
  func.func @k(%arg0: i32, %arg1: i32, %arg2: memref<32x6400xi32, #tpu.memory_space<hbm>>, %arg3: memref<100000x128xf32, #tpu.memory_space<hbm>>, %arg4: memref<32x100x64x128xf32, #tpu.memory_space<hbm>>, %arg5: memref<6400xi32, #tpu.memory_space<vmem>>, %arg6: memref<14x64x128xf32, #tpu.memory_space<vmem>>, %arg7: memref<14x!tpu.dma_semaphore, #tpu.memory_space<semaphore_mem>>, %arg8: memref<14x!tpu.dma_semaphore, #tpu.memory_space<semaphore_mem>>) attributes {dimension_semantics = [#tpu.dimension_semantics<core_parallel>, #tpu.dimension_semantics<subcore_parallel>], iteration_bounds = array<i64: 2, 16>, scalar_prefetch = 0 : i64, scratch_operands = 4 : i64, tpu.core_type = #tpu.core_type<sc_vector_subcore>, window_params = [{transform_indices = #map}, {transform_indices = #map}, {transform_indices = #map1}]} {
    %mul3A = arith.constant 2 : i32
    %mul3A_0 = arith.muli %arg1, %mul3A : i32
    %add3A = arith.addi %mul3A_0, %arg0 : i32
    "tpu.region"() ({
      %run_scoped3A = tpu.sem_alloc : memref<!tpu.dma_semaphore, #tpu.memory_space<semaphore_mem>>
      %dma_start3A_345 = arith.constant 0 : i32
      %dma_start3A_346 = tpu.memref_slice %arg2[%add3A, %dma_start3A_345] : memref<32x6400xi32, #tpu.memory_space<hbm>> -> memref<1x6400xi32, #tpu.memory_space<hbm>>
      %dma_start3A_347 = tpu.memref_squeeze %dma_start3A_346 : memref<1x6400xi32, #tpu.memory_space<hbm>> -> memref<6400xi32, #tpu.memory_space<hbm>>
      %dma_start3A_348 = arith.constant 0 : i32
      %dma_start3A_349 = tpu.memref_slice %arg2[%add3A, %dma_start3A_348] : memref<32x6400xi32, #tpu.memory_space<hbm>> -> memref<1x6400xi32, #tpu.memory_space<hbm>>
      %dma_start3A_350 = tpu.memref_squeeze %dma_start3A_349 : memref<1x6400xi32, #tpu.memory_space<hbm>> -> memref<6400xi32, #tpu.memory_space<hbm>>
      tpu.enqueue_dma source(%dma_start3A_350 : memref<6400xi32, #tpu.memory_space<hbm>>) target(%arg5 : memref<6400xi32, #tpu.memory_space<vmem>>) target_semaphore(%run_scoped3A : memref<!tpu.dma_semaphore, #tpu.memory_space<semaphore_mem>>)
      %dma_wait3A_351 = arith.constant 0 : i32
      %dma_wait3A_352 = tpu.memref_slice %arg2[%add3A, %dma_wait3A_351] : memref<32x6400xi32, #tpu.memory_space<hbm>> -> memref<1x6400xi32, #tpu.memory_space<hbm>>
      %dma_wait3A_353 = tpu.memref_squeeze %dma_wait3A_352 : memref<1x6400xi32, #tpu.memory_space<hbm>> -> memref<6400xi32, #tpu.memory_space<hbm>>
      %dma_wait3A_354 = arith.constant 0 : i32
      %dma_wait3A_355 = tpu.memref_slice %arg2[%add3A, %dma_wait3A_354] : memref<32x6400xi32, #tpu.memory_space<hbm>> -> memref<1x6400xi32, #tpu.memory_space<hbm>>
      %dma_wait3A_356 = tpu.memref_squeeze %dma_wait3A_355 : memref<1x6400xi32, #tpu.memory_space<hbm>> -> memref<6400xi32, #tpu.memory_space<hbm>>
      tpu.wait_dma2 semaphore(%run_scoped3A : memref<!tpu.dma_semaphore, #tpu.memory_space<semaphore_mem>>) src(%dma_wait3A_356 : memref<6400xi32, #tpu.memory_space<hbm>>) dst(%arg5 : memref<6400xi32, #tpu.memory_space<vmem>>)
      tpu.yield
    }) : () -> ()
    %dma_start3A = arith.constant 0 : i32
    %dma_start3A_1 = arith.constant 0 : i32
    %dma_start3A_2 = arith.constant 0 : i32
    %dma_start3A_3 = arith.constant 0 : i32
    %dma_start3A_4 = tpu.memref_slice %arg6[%dma_start3A, %dma_start3A_2, %dma_start3A_3] : memref<14x64x128xf32, #tpu.memory_space<vmem>> -> memref<1x64x128xf32, #tpu.memory_space<vmem>>
    %dma_start3A_5 = tpu.memref_squeeze %dma_start3A_4 : memref<1x64x128xf32, #tpu.memory_space<vmem>> -> memref<64x128xf32, #tpu.memory_space<vmem>>
    %dma_start3A_6 = arith.constant 0 : i32
    %dma_start3A_7 = tpu.memref_slice %arg5[%dma_start3A_6] : memref<6400xi32, #tpu.memory_space<vmem>> -> memref<64xi32, #tpu.memory_space<vmem>>
    %dma_start3A_8 = arith.constant 0 : i32
    %dma_start3A_9 = arith.constant 0 : i32
    %dma_start3A_10 = tpu.memref_slice %arg3[%dma_start3A_8, %dma_start3A_9] : memref<100000x128xf32, #tpu.memory_space<hbm>> -> memref<100000x128xf32, #tpu.memory_space<hbm>>
    %dma_start3A_11 = tpu.memref_slice %arg7[%dma_start3A_1] : memref<14x!tpu.dma_semaphore, #tpu.memory_space<semaphore_mem>> -> memref<1x!tpu.dma_semaphore, #tpu.memory_space<semaphore_mem>>
    %dma_start3A_12 = tpu.memref_squeeze %dma_start3A_11 : memref<1x!tpu.dma_semaphore, #tpu.memory_space<semaphore_mem>> -> memref<!tpu.dma_semaphore, #tpu.memory_space<semaphore_mem>>
    tpu.enqueue_indirect_dma source(%dma_start3A_10 : memref<100000x128xf32, #tpu.memory_space<hbm>>) target(%dma_start3A_5 : memref<64x128xf32, #tpu.memory_space<vmem>>) offsets(%dma_start3A_7 : memref<64xi32, #tpu.memory_space<vmem>>) semaphore(%dma_start3A_12 : memref<!tpu.dma_semaphore, #tpu.memory_space<semaphore_mem>>)
    %dma_start3A_13 = arith.constant 1 : i32
    %dma_start3A_14 = arith.constant 1 : i32
    %dma_start3A_15 = arith.constant 0 : i32
    %dma_start3A_16 = arith.constant 0 : i32
    %dma_start3A_17 = tpu.memref_slice %arg6[%dma_start3A_13, %dma_start3A_15, %dma_start3A_16] : memref<14x64x128xf32, #tpu.memory_space<vmem>> -> memref<1x64x128xf32, #tpu.memory_space<vmem>>
    %dma_start3A_18 = tpu.memref_squeeze %dma_start3A_17 : memref<1x64x128xf32, #tpu.memory_space<vmem>> -> memref<64x128xf32, #tpu.memory_space<vmem>>
    %dma_start3A_19 = arith.constant 64 : i32
    %dma_start3A_20 = tpu.memref_slice %arg5[%dma_start3A_19] : memref<6400xi32, #tpu.memory_space<vmem>> -> memref<64xi32, #tpu.memory_space<vmem>>
    %dma_start3A_21 = arith.constant 0 : i32
    %dma_start3A_22 = arith.constant 0 : i32
    %dma_start3A_23 = tpu.memref_slice %arg3[%dma_start3A_21, %dma_start3A_22] : memref<100000x128xf32, #tpu.memory_space<hbm>> -> memref<100000x128xf32, #tpu.memory_space<hbm>>
    %dma_start3A_24 = tpu.memref_slice %arg7[%dma_start3A_14] : memref<14x!tpu.dma_semaphore, #tpu.memory_space<semaphore_mem>> -> memref<1x!tpu.dma_semaphore, #tpu.memory_space<semaphore_mem>>
    %dma_start3A_25 = tpu.memref_squeeze %dma_start3A_24 : memref<1x!tpu.dma_semaphore, #tpu.memory_space<semaphore_mem>> -> memref<!tpu.dma_semaphore, #tpu.memory_space<semaphore_mem>>
    tpu.enqueue_indirect_dma source(%dma_start3A_23 : memref<100000x128xf32, #tpu.memory_space<hbm>>) target(%dma_start3A_18 : memref<64x128xf32, #tpu.memory_space<vmem>>) offsets(%dma_start3A_20 : memref<64xi32, #tpu.memory_space<vmem>>) semaphore(%dma_start3A_25 : memref<!tpu.dma_semaphore, #tpu.memory_space<semaphore_mem>>)
    %dma_start3A_26 = arith.constant 2 : i32
    %dma_start3A_27 = arith.constant 2 : i32
    %dma_start3A_28 = arith.constant 0 : i32
    %dma_start3A_29 = arith.constant 0 : i32
    %dma_start3A_30 = tpu.memref_slice %arg6[%dma_start3A_26, %dma_start3A_28, %dma_start3A_29] : memref<14x64x128xf32, #tpu.memory_space<vmem>> -> memref<1x64x128xf32, #tpu.memory_space<vmem>>
    %dma_start3A_31 = tpu.memref_squeeze %dma_start3A_30 : memref<1x64x128xf32, #tpu.memory_space<vmem>> -> memref<64x128xf32, #tpu.memory_space<vmem>>
    %dma_start3A_32 = arith.constant 128 : i32
    %dma_start3A_33 = tpu.memref_slice %arg5[%dma_start3A_32] : memref<6400xi32, #tpu.memory_space<vmem>> -> memref<64xi32, #tpu.memory_space<vmem>>
    %dma_start3A_34 = arith.constant 0 : i32
    %dma_start3A_35 = arith.constant 0 : i32
    %dma_start3A_36 = tpu.memref_slice %arg3[%dma_start3A_34, %dma_start3A_35] : memref<100000x128xf32, #tpu.memory_space<hbm>> -> memref<100000x128xf32, #tpu.memory_space<hbm>>
    %dma_start3A_37 = tpu.memref_slice %arg7[%dma_start3A_27] : memref<14x!tpu.dma_semaphore, #tpu.memory_space<semaphore_mem>> -> memref<1x!tpu.dma_semaphore, #tpu.memory_space<semaphore_mem>>
    %dma_start3A_38 = tpu.memref_squeeze %dma_start3A_37 : memref<1x!tpu.dma_semaphore, #tpu.memory_space<semaphore_mem>> -> memref<!tpu.dma_semaphore, #tpu.memory_space<semaphore_mem>>
    tpu.enqueue_indirect_dma source(%dma_start3A_36 : memref<100000x128xf32, #tpu.memory_space<hbm>>) target(%dma_start3A_31 : memref<64x128xf32, #tpu.memory_space<vmem>>) offsets(%dma_start3A_33 : memref<64xi32, #tpu.memory_space<vmem>>) semaphore(%dma_start3A_38 : memref<!tpu.dma_semaphore, #tpu.memory_space<semaphore_mem>>)
    %dma_start3A_39 = arith.constant 3 : i32
    %dma_start3A_40 = arith.constant 3 : i32
    %dma_start3A_41 = arith.constant 0 : i32
    %dma_start3A_42 = arith.constant 0 : i32
    %dma_start3A_43 = tpu.memref_slice %arg6[%dma_start3A_39, %dma_start3A_41, %dma_start3A_42] : memref<14x64x128xf32, #tpu.memory_space<vmem>> -> memref<1x64x128xf32, #tpu.memory_space<vmem>>
    %dma_start3A_44 = tpu.memref_squeeze %dma_start3A_43 : memref<1x64x128xf32, #tpu.memory_space<vmem>> -> memref<64x128xf32, #tpu.memory_space<vmem>>
    %dma_start3A_45 = arith.constant 192 : i32
    %dma_start3A_46 = tpu.memref_slice %arg5[%dma_start3A_45] : memref<6400xi32, #tpu.memory_space<vmem>> -> memref<64xi32, #tpu.memory_space<vmem>>
    %dma_start3A_47 = arith.constant 0 : i32
    %dma_start3A_48 = arith.constant 0 : i32
    %dma_start3A_49 = tpu.memref_slice %arg3[%dma_start3A_47, %dma_start3A_48] : memref<100000x128xf32, #tpu.memory_space<hbm>> -> memref<100000x128xf32, #tpu.memory_space<hbm>>
    %dma_start3A_50 = tpu.memref_slice %arg7[%dma_start3A_40] : memref<14x!tpu.dma_semaphore, #tpu.memory_space<semaphore_mem>> -> memref<1x!tpu.dma_semaphore, #tpu.memory_space<semaphore_mem>>
    %dma_start3A_51 = tpu.memref_squeeze %dma_start3A_50 : memref<1x!tpu.dma_semaphore, #tpu.memory_space<semaphore_mem>> -> memref<!tpu.dma_semaphore, #tpu.memory_space<semaphore_mem>>
    tpu.enqueue_indirect_dma source(%dma_start3A_49 : memref<100000x128xf32, #tpu.memory_space<hbm>>) target(%dma_start3A_44 : memref<64x128xf32, #tpu.memory_space<vmem>>) offsets(%dma_start3A_46 : memref<64xi32, #tpu.memory_space<vmem>>) semaphore(%dma_start3A_51 : memref<!tpu.dma_semaphore, #tpu.memory_space<semaphore_mem>>)
    %dma_start3A_52 = arith.constant 4 : i32
    %dma_start3A_53 = arith.constant 4 : i32
    %dma_start3A_54 = arith.constant 0 : i32
    %dma_start3A_55 = arith.constant 0 : i32
    %dma_start3A_56 = tpu.memref_slice %arg6[%dma_start3A_52, %dma_start3A_54, %dma_start3A_55] : memref<14x64x128xf32, #tpu.memory_space<vmem>> -> memref<1x64x128xf32, #tpu.memory_space<vmem>>
    %dma_start3A_57 = tpu.memref_squeeze %dma_start3A_56 : memref<1x64x128xf32, #tpu.memory_space<vmem>> -> memref<64x128xf32, #tpu.memory_space<vmem>>
    %dma_start3A_58 = arith.constant 256 : i32
    %dma_start3A_59 = tpu.memref_slice %arg5[%dma_start3A_58] : memref<6400xi32, #tpu.memory_space<vmem>> -> memref<64xi32, #tpu.memory_space<vmem>>
    %dma_start3A_60 = arith.constant 0 : i32
    %dma_start3A_61 = arith.constant 0 : i32
    %dma_start3A_62 = tpu.memref_slice %arg3[%dma_start3A_60, %dma_start3A_61] : memref<100000x128xf32, #tpu.memory_space<hbm>> -> memref<100000x128xf32, #tpu.memory_space<hbm>>
    %dma_start3A_63 = tpu.memref_slice %arg7[%dma_start3A_53] : memref<14x!tpu.dma_semaphore, #tpu.memory_space<semaphore_mem>> -> memref<1x!tpu.dma_semaphore, #tpu.memory_space<semaphore_mem>>
    %dma_start3A_64 = tpu.memref_squeeze %dma_start3A_63 : memref<1x!tpu.dma_semaphore, #tpu.memory_space<semaphore_mem>> -> memref<!tpu.dma_semaphore, #tpu.memory_space<semaphore_mem>>
    tpu.enqueue_indirect_dma source(%dma_start3A_62 : memref<100000x128xf32, #tpu.memory_space<hbm>>) target(%dma_start3A_57 : memref<64x128xf32, #tpu.memory_space<vmem>>) offsets(%dma_start3A_59 : memref<64xi32, #tpu.memory_space<vmem>>) semaphore(%dma_start3A_64 : memref<!tpu.dma_semaphore, #tpu.memory_space<semaphore_mem>>)
    %dma_start3A_65 = arith.constant 5 : i32
    %dma_start3A_66 = arith.constant 5 : i32
    %dma_start3A_67 = arith.constant 0 : i32
    %dma_start3A_68 = arith.constant 0 : i32
    %dma_start3A_69 = tpu.memref_slice %arg6[%dma_start3A_65, %dma_start3A_67, %dma_start3A_68] : memref<14x64x128xf32, #tpu.memory_space<vmem>> -> memref<1x64x128xf32, #tpu.memory_space<vmem>>
    %dma_start3A_70 = tpu.memref_squeeze %dma_start3A_69 : memref<1x64x128xf32, #tpu.memory_space<vmem>> -> memref<64x128xf32, #tpu.memory_space<vmem>>
    %dma_start3A_71 = arith.constant 320 : i32
    %dma_start3A_72 = tpu.memref_slice %arg5[%dma_start3A_71] : memref<6400xi32, #tpu.memory_space<vmem>> -> memref<64xi32, #tpu.memory_space<vmem>>
    %dma_start3A_73 = arith.constant 0 : i32
    %dma_start3A_74 = arith.constant 0 : i32
    %dma_start3A_75 = tpu.memref_slice %arg3[%dma_start3A_73, %dma_start3A_74] : memref<100000x128xf32, #tpu.memory_space<hbm>> -> memref<100000x128xf32, #tpu.memory_space<hbm>>
    %dma_start3A_76 = tpu.memref_slice %arg7[%dma_start3A_66] : memref<14x!tpu.dma_semaphore, #tpu.memory_space<semaphore_mem>> -> memref<1x!tpu.dma_semaphore, #tpu.memory_space<semaphore_mem>>
    %dma_start3A_77 = tpu.memref_squeeze %dma_start3A_76 : memref<1x!tpu.dma_semaphore, #tpu.memory_space<semaphore_mem>> -> memref<!tpu.dma_semaphore, #tpu.memory_space<semaphore_mem>>
    tpu.enqueue_indirect_dma source(%dma_start3A_75 : memref<100000x128xf32, #tpu.memory_space<hbm>>) target(%dma_start3A_70 : memref<64x128xf32, #tpu.memory_space<vmem>>) offsets(%dma_start3A_72 : memref<64xi32, #tpu.memory_space<vmem>>) semaphore(%dma_start3A_77 : memref<!tpu.dma_semaphore, #tpu.memory_space<semaphore_mem>>)
    %dma_start3A_78 = arith.constant 6 : i32
    %dma_start3A_79 = arith.constant 6 : i32
    %dma_start3A_80 = arith.constant 0 : i32
    %dma_start3A_81 = arith.constant 0 : i32
    %dma_start3A_82 = tpu.memref_slice %arg6[%dma_start3A_78, %dma_start3A_80, %dma_start3A_81] : memref<14x64x128xf32, #tpu.memory_space<vmem>> -> memref<1x64x128xf32, #tpu.memory_space<vmem>>
    %dma_start3A_83 = tpu.memref_squeeze %dma_start3A_82 : memref<1x64x128xf32, #tpu.memory_space<vmem>> -> memref<64x128xf32, #tpu.memory_space<vmem>>
    %dma_start3A_84 = arith.constant 384 : i32
    %dma_start3A_85 = tpu.memref_slice %arg5[%dma_start3A_84] : memref<6400xi32, #tpu.memory_space<vmem>> -> memref<64xi32, #tpu.memory_space<vmem>>
    %dma_start3A_86 = arith.constant 0 : i32
    %dma_start3A_87 = arith.constant 0 : i32
    %dma_start3A_88 = tpu.memref_slice %arg3[%dma_start3A_86, %dma_start3A_87] : memref<100000x128xf32, #tpu.memory_space<hbm>> -> memref<100000x128xf32, #tpu.memory_space<hbm>>
    %dma_start3A_89 = tpu.memref_slice %arg7[%dma_start3A_79] : memref<14x!tpu.dma_semaphore, #tpu.memory_space<semaphore_mem>> -> memref<1x!tpu.dma_semaphore, #tpu.memory_space<semaphore_mem>>
    %dma_start3A_90 = tpu.memref_squeeze %dma_start3A_89 : memref<1x!tpu.dma_semaphore, #tpu.memory_space<semaphore_mem>> -> memref<!tpu.dma_semaphore, #tpu.memory_space<semaphore_mem>>
    tpu.enqueue_indirect_dma source(%dma_start3A_88 : memref<100000x128xf32, #tpu.memory_space<hbm>>) target(%dma_start3A_83 : memref<64x128xf32, #tpu.memory_space<vmem>>) offsets(%dma_start3A_85 : memref<64xi32, #tpu.memory_space<vmem>>) semaphore(%dma_start3A_90 : memref<!tpu.dma_semaphore, #tpu.memory_space<semaphore_mem>>)
    %dma_start3A_91 = arith.constant 7 : i32
    %dma_start3A_92 = arith.constant 7 : i32
    %dma_start3A_93 = arith.constant 0 : i32
    %dma_start3A_94 = arith.constant 0 : i32
    %dma_start3A_95 = tpu.memref_slice %arg6[%dma_start3A_91, %dma_start3A_93, %dma_start3A_94] : memref<14x64x128xf32, #tpu.memory_space<vmem>> -> memref<1x64x128xf32, #tpu.memory_space<vmem>>
    %dma_start3A_96 = tpu.memref_squeeze %dma_start3A_95 : memref<1x64x128xf32, #tpu.memory_space<vmem>> -> memref<64x128xf32, #tpu.memory_space<vmem>>
    %dma_start3A_97 = arith.constant 448 : i32
    %dma_start3A_98 = tpu.memref_slice %arg5[%dma_start3A_97] : memref<6400xi32, #tpu.memory_space<vmem>> -> memref<64xi32, #tpu.memory_space<vmem>>
    %dma_start3A_99 = arith.constant 0 : i32
    %dma_start3A_100 = arith.constant 0 : i32
    %dma_start3A_101 = tpu.memref_slice %arg3[%dma_start3A_99, %dma_start3A_100] : memref<100000x128xf32, #tpu.memory_space<hbm>> -> memref<100000x128xf32, #tpu.memory_space<hbm>>
    %dma_start3A_102 = tpu.memref_slice %arg7[%dma_start3A_92] : memref<14x!tpu.dma_semaphore, #tpu.memory_space<semaphore_mem>> -> memref<1x!tpu.dma_semaphore, #tpu.memory_space<semaphore_mem>>
    %dma_start3A_103 = tpu.memref_squeeze %dma_start3A_102 : memref<1x!tpu.dma_semaphore, #tpu.memory_space<semaphore_mem>> -> memref<!tpu.dma_semaphore, #tpu.memory_space<semaphore_mem>>
    tpu.enqueue_indirect_dma source(%dma_start3A_101 : memref<100000x128xf32, #tpu.memory_space<hbm>>) target(%dma_start3A_96 : memref<64x128xf32, #tpu.memory_space<vmem>>) offsets(%dma_start3A_98 : memref<64xi32, #tpu.memory_space<vmem>>) semaphore(%dma_start3A_103 : memref<!tpu.dma_semaphore, #tpu.memory_space<semaphore_mem>>)
    %dma_start3A_104 = arith.constant 8 : i32
    %dma_start3A_105 = arith.constant 8 : i32
    %dma_start3A_106 = arith.constant 0 : i32
    %dma_start3A_107 = arith.constant 0 : i32
    %dma_start3A_108 = tpu.memref_slice %arg6[%dma_start3A_104, %dma_start3A_106, %dma_start3A_107] : memref<14x64x128xf32, #tpu.memory_space<vmem>> -> memref<1x64x128xf32, #tpu.memory_space<vmem>>
    %dma_start3A_109 = tpu.memref_squeeze %dma_start3A_108 : memref<1x64x128xf32, #tpu.memory_space<vmem>> -> memref<64x128xf32, #tpu.memory_space<vmem>>
    %dma_start3A_110 = arith.constant 512 : i32
    %dma_start3A_111 = tpu.memref_slice %arg5[%dma_start3A_110] : memref<6400xi32, #tpu.memory_space<vmem>> -> memref<64xi32, #tpu.memory_space<vmem>>
    %dma_start3A_112 = arith.constant 0 : i32
    %dma_start3A_113 = arith.constant 0 : i32
    %dma_start3A_114 = tpu.memref_slice %arg3[%dma_start3A_112, %dma_start3A_113] : memref<100000x128xf32, #tpu.memory_space<hbm>> -> memref<100000x128xf32, #tpu.memory_space<hbm>>
    %dma_start3A_115 = tpu.memref_slice %arg7[%dma_start3A_105] : memref<14x!tpu.dma_semaphore, #tpu.memory_space<semaphore_mem>> -> memref<1x!tpu.dma_semaphore, #tpu.memory_space<semaphore_mem>>
    %dma_start3A_116 = tpu.memref_squeeze %dma_start3A_115 : memref<1x!tpu.dma_semaphore, #tpu.memory_space<semaphore_mem>> -> memref<!tpu.dma_semaphore, #tpu.memory_space<semaphore_mem>>
    tpu.enqueue_indirect_dma source(%dma_start3A_114 : memref<100000x128xf32, #tpu.memory_space<hbm>>) target(%dma_start3A_109 : memref<64x128xf32, #tpu.memory_space<vmem>>) offsets(%dma_start3A_111 : memref<64xi32, #tpu.memory_space<vmem>>) semaphore(%dma_start3A_116 : memref<!tpu.dma_semaphore, #tpu.memory_space<semaphore_mem>>)
    %dma_start3A_117 = arith.constant 9 : i32
    %dma_start3A_118 = arith.constant 9 : i32
    %dma_start3A_119 = arith.constant 0 : i32
    %dma_start3A_120 = arith.constant 0 : i32
    %dma_start3A_121 = tpu.memref_slice %arg6[%dma_start3A_117, %dma_start3A_119, %dma_start3A_120] : memref<14x64x128xf32, #tpu.memory_space<vmem>> -> memref<1x64x128xf32, #tpu.memory_space<vmem>>
    %dma_start3A_122 = tpu.memref_squeeze %dma_start3A_121 : memref<1x64x128xf32, #tpu.memory_space<vmem>> -> memref<64x128xf32, #tpu.memory_space<vmem>>
    %dma_start3A_123 = arith.constant 576 : i32
    %dma_start3A_124 = tpu.memref_slice %arg5[%dma_start3A_123] : memref<6400xi32, #tpu.memory_space<vmem>> -> memref<64xi32, #tpu.memory_space<vmem>>
    %dma_start3A_125 = arith.constant 0 : i32
    %dma_start3A_126 = arith.constant 0 : i32
    %dma_start3A_127 = tpu.memref_slice %arg3[%dma_start3A_125, %dma_start3A_126] : memref<100000x128xf32, #tpu.memory_space<hbm>> -> memref<100000x128xf32, #tpu.memory_space<hbm>>
    %dma_start3A_128 = tpu.memref_slice %arg7[%dma_start3A_118] : memref<14x!tpu.dma_semaphore, #tpu.memory_space<semaphore_mem>> -> memref<1x!tpu.dma_semaphore, #tpu.memory_space<semaphore_mem>>
    %dma_start3A_129 = tpu.memref_squeeze %dma_start3A_128 : memref<1x!tpu.dma_semaphore, #tpu.memory_space<semaphore_mem>> -> memref<!tpu.dma_semaphore, #tpu.memory_space<semaphore_mem>>
    tpu.enqueue_indirect_dma source(%dma_start3A_127 : memref<100000x128xf32, #tpu.memory_space<hbm>>) target(%dma_start3A_122 : memref<64x128xf32, #tpu.memory_space<vmem>>) offsets(%dma_start3A_124 : memref<64xi32, #tpu.memory_space<vmem>>) semaphore(%dma_start3A_129 : memref<!tpu.dma_semaphore, #tpu.memory_space<semaphore_mem>>)
    %dma_start3A_130 = arith.constant 10 : i32
    %dma_start3A_131 = arith.constant 10 : i32
    %dma_start3A_132 = arith.constant 0 : i32
    %dma_start3A_133 = arith.constant 0 : i32
    %dma_start3A_134 = tpu.memref_slice %arg6[%dma_start3A_130, %dma_start3A_132, %dma_start3A_133] : memref<14x64x128xf32, #tpu.memory_space<vmem>> -> memref<1x64x128xf32, #tpu.memory_space<vmem>>
    %dma_start3A_135 = tpu.memref_squeeze %dma_start3A_134 : memref<1x64x128xf32, #tpu.memory_space<vmem>> -> memref<64x128xf32, #tpu.memory_space<vmem>>
    %dma_start3A_136 = arith.constant 640 : i32
    %dma_start3A_137 = tpu.memref_slice %arg5[%dma_start3A_136] : memref<6400xi32, #tpu.memory_space<vmem>> -> memref<64xi32, #tpu.memory_space<vmem>>
    %dma_start3A_138 = arith.constant 0 : i32
    %dma_start3A_139 = arith.constant 0 : i32
    %dma_start3A_140 = tpu.memref_slice %arg3[%dma_start3A_138, %dma_start3A_139] : memref<100000x128xf32, #tpu.memory_space<hbm>> -> memref<100000x128xf32, #tpu.memory_space<hbm>>
    %dma_start3A_141 = tpu.memref_slice %arg7[%dma_start3A_131] : memref<14x!tpu.dma_semaphore, #tpu.memory_space<semaphore_mem>> -> memref<1x!tpu.dma_semaphore, #tpu.memory_space<semaphore_mem>>
    %dma_start3A_142 = tpu.memref_squeeze %dma_start3A_141 : memref<1x!tpu.dma_semaphore, #tpu.memory_space<semaphore_mem>> -> memref<!tpu.dma_semaphore, #tpu.memory_space<semaphore_mem>>
    tpu.enqueue_indirect_dma source(%dma_start3A_140 : memref<100000x128xf32, #tpu.memory_space<hbm>>) target(%dma_start3A_135 : memref<64x128xf32, #tpu.memory_space<vmem>>) offsets(%dma_start3A_137 : memref<64xi32, #tpu.memory_space<vmem>>) semaphore(%dma_start3A_142 : memref<!tpu.dma_semaphore, #tpu.memory_space<semaphore_mem>>)
    %dma_start3A_143 = arith.constant 11 : i32
    %dma_start3A_144 = arith.constant 11 : i32
    %dma_start3A_145 = arith.constant 0 : i32
    %dma_start3A_146 = arith.constant 0 : i32
    %dma_start3A_147 = tpu.memref_slice %arg6[%dma_start3A_143, %dma_start3A_145, %dma_start3A_146] : memref<14x64x128xf32, #tpu.memory_space<vmem>> -> memref<1x64x128xf32, #tpu.memory_space<vmem>>
    %dma_start3A_148 = tpu.memref_squeeze %dma_start3A_147 : memref<1x64x128xf32, #tpu.memory_space<vmem>> -> memref<64x128xf32, #tpu.memory_space<vmem>>
    %dma_start3A_149 = arith.constant 704 : i32
    %dma_start3A_150 = tpu.memref_slice %arg5[%dma_start3A_149] : memref<6400xi32, #tpu.memory_space<vmem>> -> memref<64xi32, #tpu.memory_space<vmem>>
    %dma_start3A_151 = arith.constant 0 : i32
    %dma_start3A_152 = arith.constant 0 : i32
    %dma_start3A_153 = tpu.memref_slice %arg3[%dma_start3A_151, %dma_start3A_152] : memref<100000x128xf32, #tpu.memory_space<hbm>> -> memref<100000x128xf32, #tpu.memory_space<hbm>>
    %dma_start3A_154 = tpu.memref_slice %arg7[%dma_start3A_144] : memref<14x!tpu.dma_semaphore, #tpu.memory_space<semaphore_mem>> -> memref<1x!tpu.dma_semaphore, #tpu.memory_space<semaphore_mem>>
    %dma_start3A_155 = tpu.memref_squeeze %dma_start3A_154 : memref<1x!tpu.dma_semaphore, #tpu.memory_space<semaphore_mem>> -> memref<!tpu.dma_semaphore, #tpu.memory_space<semaphore_mem>>
    tpu.enqueue_indirect_dma source(%dma_start3A_153 : memref<100000x128xf32, #tpu.memory_space<hbm>>) target(%dma_start3A_148 : memref<64x128xf32, #tpu.memory_space<vmem>>) offsets(%dma_start3A_150 : memref<64xi32, #tpu.memory_space<vmem>>) semaphore(%dma_start3A_155 : memref<!tpu.dma_semaphore, #tpu.memory_space<semaphore_mem>>)
    %dma_start3A_156 = arith.constant 12 : i32
    %dma_start3A_157 = arith.constant 12 : i32
    %dma_start3A_158 = arith.constant 0 : i32
    %dma_start3A_159 = arith.constant 0 : i32
    %dma_start3A_160 = tpu.memref_slice %arg6[%dma_start3A_156, %dma_start3A_158, %dma_start3A_159] : memref<14x64x128xf32, #tpu.memory_space<vmem>> -> memref<1x64x128xf32, #tpu.memory_space<vmem>>
    %dma_start3A_161 = tpu.memref_squeeze %dma_start3A_160 : memref<1x64x128xf32, #tpu.memory_space<vmem>> -> memref<64x128xf32, #tpu.memory_space<vmem>>
    %dma_start3A_162 = arith.constant 768 : i32
    %dma_start3A_163 = tpu.memref_slice %arg5[%dma_start3A_162] : memref<6400xi32, #tpu.memory_space<vmem>> -> memref<64xi32, #tpu.memory_space<vmem>>
    %dma_start3A_164 = arith.constant 0 : i32
    %dma_start3A_165 = arith.constant 0 : i32
    %dma_start3A_166 = tpu.memref_slice %arg3[%dma_start3A_164, %dma_start3A_165] : memref<100000x128xf32, #tpu.memory_space<hbm>> -> memref<100000x128xf32, #tpu.memory_space<hbm>>
    %dma_start3A_167 = tpu.memref_slice %arg7[%dma_start3A_157] : memref<14x!tpu.dma_semaphore, #tpu.memory_space<semaphore_mem>> -> memref<1x!tpu.dma_semaphore, #tpu.memory_space<semaphore_mem>>
    %dma_start3A_168 = tpu.memref_squeeze %dma_start3A_167 : memref<1x!tpu.dma_semaphore, #tpu.memory_space<semaphore_mem>> -> memref<!tpu.dma_semaphore, #tpu.memory_space<semaphore_mem>>
    tpu.enqueue_indirect_dma source(%dma_start3A_166 : memref<100000x128xf32, #tpu.memory_space<hbm>>) target(%dma_start3A_161 : memref<64x128xf32, #tpu.memory_space<vmem>>) offsets(%dma_start3A_163 : memref<64xi32, #tpu.memory_space<vmem>>) semaphore(%dma_start3A_168 : memref<!tpu.dma_semaphore, #tpu.memory_space<semaphore_mem>>)
    %dma_start3A_169 = arith.constant 13 : i32
    %dma_start3A_170 = arith.constant 13 : i32
    %dma_start3A_171 = arith.constant 0 : i32
    %dma_start3A_172 = arith.constant 0 : i32
    %dma_start3A_173 = tpu.memref_slice %arg6[%dma_start3A_169, %dma_start3A_171, %dma_start3A_172] : memref<14x64x128xf32, #tpu.memory_space<vmem>> -> memref<1x64x128xf32, #tpu.memory_space<vmem>>
    %dma_start3A_174 = tpu.memref_squeeze %dma_start3A_173 : memref<1x64x128xf32, #tpu.memory_space<vmem>> -> memref<64x128xf32, #tpu.memory_space<vmem>>
    %dma_start3A_175 = arith.constant 832 : i32
    %dma_start3A_176 = tpu.memref_slice %arg5[%dma_start3A_175] : memref<6400xi32, #tpu.memory_space<vmem>> -> memref<64xi32, #tpu.memory_space<vmem>>
    %dma_start3A_177 = arith.constant 0 : i32
    %dma_start3A_178 = arith.constant 0 : i32
    %dma_start3A_179 = tpu.memref_slice %arg3[%dma_start3A_177, %dma_start3A_178] : memref<100000x128xf32, #tpu.memory_space<hbm>> -> memref<100000x128xf32, #tpu.memory_space<hbm>>
    %dma_start3A_180 = tpu.memref_slice %arg7[%dma_start3A_170] : memref<14x!tpu.dma_semaphore, #tpu.memory_space<semaphore_mem>> -> memref<1x!tpu.dma_semaphore, #tpu.memory_space<semaphore_mem>>
    %dma_start3A_181 = tpu.memref_squeeze %dma_start3A_180 : memref<1x!tpu.dma_semaphore, #tpu.memory_space<semaphore_mem>> -> memref<!tpu.dma_semaphore, #tpu.memory_space<semaphore_mem>>
    tpu.enqueue_indirect_dma source(%dma_start3A_179 : memref<100000x128xf32, #tpu.memory_space<hbm>>) target(%dma_start3A_174 : memref<64x128xf32, #tpu.memory_space<vmem>>) offsets(%dma_start3A_176 : memref<64xi32, #tpu.memory_space<vmem>>) semaphore(%dma_start3A_181 : memref<!tpu.dma_semaphore, #tpu.memory_space<semaphore_mem>>)
    %scan3A = arith.constant 0 : i32
    %scan3A_182 = arith.constant 7 : i32
    %scan3A_183 = arith.addi %scan3A, %scan3A_182 : i32
    %scan3A_184 = arith.constant 1 : i32
    scf.for %scan3A_345 = %scan3A to %scan3A_183 step %scan3A_184  : i32 {
      %mul3A_346 = arith.constant 14 : i32
      %mul3A_347 = arith.muli %scan3A_345, %mul3A_346 : i32
      %dma_wait3A_348 = arith.constant 0 : i32
      %dma_wait3A_349 = arith.constant 0 : i32
      %dma_wait3A_350 = arith.constant 0 : i32
      %dma_wait3A_351 = arith.constant 0 : i32
      %dma_wait3A_352 = tpu.memref_slice %arg6[%dma_wait3A_348, %dma_wait3A_350, %dma_wait3A_351] : memref<14x64x128xf32, #tpu.memory_space<vmem>> -> memref<1x64x128xf32, #tpu.memory_space<vmem>>
      %dma_wait3A_353 = tpu.memref_squeeze %dma_wait3A_352 : memref<1x64x128xf32, #tpu.memory_space<vmem>> -> memref<64x128xf32, #tpu.memory_space<vmem>>
      %dma_wait3A_354 = arith.constant 0 : i32
      %dma_wait3A_355 = arith.constant 0 : i32
      %dma_wait3A_356 = tpu.memref_slice %arg3[%dma_wait3A_354, %dma_wait3A_355] : memref<100000x128xf32, #tpu.memory_space<hbm>> -> memref<64x128xf32, #tpu.memory_space<hbm>>
      %dma_wait3A_357 = tpu.memref_slice %arg7[%dma_wait3A_349] : memref<14x!tpu.dma_semaphore, #tpu.memory_space<semaphore_mem>> -> memref<1x!tpu.dma_semaphore, #tpu.memory_space<semaphore_mem>>
      %dma_wait3A_358 = tpu.memref_squeeze %dma_wait3A_357 : memref<1x!tpu.dma_semaphore, #tpu.memory_space<semaphore_mem>> -> memref<!tpu.dma_semaphore, #tpu.memory_space<semaphore_mem>>
      %dma_wait3A_359 = arith.constant 0 : i32
      %dma_wait3A_360 = arith.constant 0 : i32
      %dma_wait3A_361 = tpu.memref_slice %arg6[%dma_wait3A_348, %dma_wait3A_359, %dma_wait3A_360] : memref<14x64x128xf32, #tpu.memory_space<vmem>> -> memref<1x64x128xf32, #tpu.memory_space<vmem>>
      %dma_wait3A_362 = tpu.memref_squeeze %dma_wait3A_361 : memref<1x64x128xf32, #tpu.memory_space<vmem>> -> memref<64x128xf32, #tpu.memory_space<vmem>>
      %dma_wait3A_363 = arith.constant 0 : i32
      %dma_wait3A_364 = arith.constant 0 : i32
      %dma_wait3A_365 = tpu.memref_slice %arg3[%dma_wait3A_363, %dma_wait3A_364] : memref<100000x128xf32, #tpu.memory_space<hbm>> -> memref<64x128xf32, #tpu.memory_space<hbm>>
      tpu.wait_dma2 semaphore(%dma_wait3A_358 : memref<!tpu.dma_semaphore, #tpu.memory_space<semaphore_mem>>) src(%dma_wait3A_365 : memref<64x128xf32, #tpu.memory_space<hbm>>) dst(%dma_wait3A_362 : memref<64x128xf32, #tpu.memory_space<vmem>>)
      %add3A_366 = arith.constant 0 : i32
      %add3A_367 = arith.addi %mul3A_347, %add3A_366 : i32
      %dma_start3A_368 = arith.constant 0 : i32
      %dma_start3A_369 = arith.constant 0 : i32
      %dma_start3A_370 = arith.constant 0 : i32
      %dma_start3A_371 = arith.constant 0 : i32
      %dma_start3A_372 = tpu.memref_slice %arg6[%dma_start3A_368, %dma_start3A_370, %dma_start3A_371] : memref<14x64x128xf32, #tpu.memory_space<vmem>> -> memref<1x64x128xf32, #tpu.memory_space<vmem>>
      %dma_start3A_373 = tpu.memref_squeeze %dma_start3A_372 : memref<1x64x128xf32, #tpu.memory_space<vmem>> -> memref<64x128xf32, #tpu.memory_space<vmem>>
      %dma_start3A_374 = arith.constant 0 : i32
      %dma_start3A_375 = arith.constant 0 : i32
      %dma_start3A_376 = arith.constant 0 : i32
      %dma_start3A_377 = tpu.memref_slice %arg4[%add3A, %dma_start3A_374, %dma_start3A_375, %dma_start3A_376] : memref<32x100x64x128xf32, #tpu.memory_space<hbm>> -> memref<1x100x64x128xf32, #tpu.memory_space<hbm>>
      %dma_start3A_378 = tpu.memref_squeeze %dma_start3A_377 : memref<1x100x64x128xf32, #tpu.memory_space<hbm>> -> memref<100x64x128xf32, #tpu.memory_space<hbm>>
      %dma_start3A_379 = arith.constant 0 : i32
      %dma_start3A_380 = arith.constant 0 : i32
      %dma_start3A_381 = tpu.memref_slice %dma_start3A_378[%add3A_367, %dma_start3A_379, %dma_start3A_380] : memref<100x64x128xf32, #tpu.memory_space<hbm>> -> memref<1x64x128xf32, #tpu.memory_space<hbm>>
      %dma_start3A_382 = tpu.memref_squeeze %dma_start3A_381 : memref<1x64x128xf32, #tpu.memory_space<hbm>> -> memref<64x128xf32, #tpu.memory_space<hbm>>
      %dma_start3A_383 = tpu.memref_slice %arg8[%dma_start3A_369] : memref<14x!tpu.dma_semaphore, #tpu.memory_space<semaphore_mem>> -> memref<1x!tpu.dma_semaphore, #tpu.memory_space<semaphore_mem>>
      %dma_start3A_384 = tpu.memref_squeeze %dma_start3A_383 : memref<1x!tpu.dma_semaphore, #tpu.memory_space<semaphore_mem>> -> memref<!tpu.dma_semaphore, #tpu.memory_space<semaphore_mem>>
      %dma_start3A_385 = arith.constant 0 : i32
      %dma_start3A_386 = arith.constant 0 : i32
      %dma_start3A_387 = arith.constant 0 : i32
      %dma_start3A_388 = tpu.memref_slice %arg4[%add3A, %dma_start3A_385, %dma_start3A_386, %dma_start3A_387] : memref<32x100x64x128xf32, #tpu.memory_space<hbm>> -> memref<1x100x64x128xf32, #tpu.memory_space<hbm>>
      %dma_start3A_389 = tpu.memref_squeeze %dma_start3A_388 : memref<1x100x64x128xf32, #tpu.memory_space<hbm>> -> memref<100x64x128xf32, #tpu.memory_space<hbm>>
      %dma_start3A_390 = arith.constant 0 : i32
      %dma_start3A_391 = arith.constant 0 : i32
      %dma_start3A_392 = tpu.memref_slice %dma_start3A_389[%add3A_367, %dma_start3A_390, %dma_start3A_391] : memref<100x64x128xf32, #tpu.memory_space<hbm>> -> memref<1x64x128xf32, #tpu.memory_space<hbm>>
      %dma_start3A_393 = tpu.memref_squeeze %dma_start3A_392 : memref<1x64x128xf32, #tpu.memory_space<hbm>> -> memref<64x128xf32, #tpu.memory_space<hbm>>
      %dma_start3A_394 = arith.constant 0 : i32
      %dma_start3A_395 = arith.constant 0 : i32
      %dma_start3A_396 = tpu.memref_slice %arg6[%dma_start3A_368, %dma_start3A_394, %dma_start3A_395] : memref<14x64x128xf32, #tpu.memory_space<vmem>> -> memref<1x64x128xf32, #tpu.memory_space<vmem>>
      %dma_start3A_397 = tpu.memref_squeeze %dma_start3A_396 : memref<1x64x128xf32, #tpu.memory_space<vmem>> -> memref<64x128xf32, #tpu.memory_space<vmem>>
      tpu.enqueue_dma source(%dma_start3A_397 : memref<64x128xf32, #tpu.memory_space<vmem>>) target(%dma_start3A_393 : memref<64x128xf32, #tpu.memory_space<hbm>>) target_semaphore(%dma_start3A_384 : memref<!tpu.dma_semaphore, #tpu.memory_space<semaphore_mem>>)
      %dma_wait3A_398 = arith.constant 1 : i32
      %dma_wait3A_399 = arith.constant 1 : i32
      %dma_wait3A_400 = arith.constant 0 : i32
      %dma_wait3A_401 = arith.constant 0 : i32
      %dma_wait3A_402 = tpu.memref_slice %arg6[%dma_wait3A_398, %dma_wait3A_400, %dma_wait3A_401] : memref<14x64x128xf32, #tpu.memory_space<vmem>> -> memref<1x64x128xf32, #tpu.memory_space<vmem>>
      %dma_wait3A_403 = tpu.memref_squeeze %dma_wait3A_402 : memref<1x64x128xf32, #tpu.memory_space<vmem>> -> memref<64x128xf32, #tpu.memory_space<vmem>>
      %dma_wait3A_404 = arith.constant 0 : i32
      %dma_wait3A_405 = arith.constant 0 : i32
      %dma_wait3A_406 = tpu.memref_slice %arg3[%dma_wait3A_404, %dma_wait3A_405] : memref<100000x128xf32, #tpu.memory_space<hbm>> -> memref<64x128xf32, #tpu.memory_space<hbm>>
      %dma_wait3A_407 = tpu.memref_slice %arg7[%dma_wait3A_399] : memref<14x!tpu.dma_semaphore, #tpu.memory_space<semaphore_mem>> -> memref<1x!tpu.dma_semaphore, #tpu.memory_space<semaphore_mem>>
      %dma_wait3A_408 = tpu.memref_squeeze %dma_wait3A_407 : memref<1x!tpu.dma_semaphore, #tpu.memory_space<semaphore_mem>> -> memref<!tpu.dma_semaphore, #tpu.memory_space<semaphore_mem>>
      %dma_wait3A_409 = arith.constant 0 : i32
      %dma_wait3A_410 = arith.constant 0 : i32
      %dma_wait3A_411 = tpu.memref_slice %arg6[%dma_wait3A_398, %dma_wait3A_409, %dma_wait3A_410] : memref<14x64x128xf32, #tpu.memory_space<vmem>> -> memref<1x64x128xf32, #tpu.memory_space<vmem>>
      %dma_wait3A_412 = tpu.memref_squeeze %dma_wait3A_411 : memref<1x64x128xf32, #tpu.memory_space<vmem>> -> memref<64x128xf32, #tpu.memory_space<vmem>>
      %dma_wait3A_413 = arith.constant 0 : i32
      %dma_wait3A_414 = arith.constant 0 : i32
      %dma_wait3A_415 = tpu.memref_slice %arg3[%dma_wait3A_413, %dma_wait3A_414] : memref<100000x128xf32, #tpu.memory_space<hbm>> -> memref<64x128xf32, #tpu.memory_space<hbm>>
      tpu.wait_dma2 semaphore(%dma_wait3A_408 : memref<!tpu.dma_semaphore, #tpu.memory_space<semaphore_mem>>) src(%dma_wait3A_415 : memref<64x128xf32, #tpu.memory_space<hbm>>) dst(%dma_wait3A_412 : memref<64x128xf32, #tpu.memory_space<vmem>>)
      %add3A_416 = arith.constant 1 : i32
      %add3A_417 = arith.addi %mul3A_347, %add3A_416 : i32
      %dma_start3A_418 = arith.constant 1 : i32
      %dma_start3A_419 = arith.constant 1 : i32
      %dma_start3A_420 = arith.constant 0 : i32
      %dma_start3A_421 = arith.constant 0 : i32
      %dma_start3A_422 = tpu.memref_slice %arg6[%dma_start3A_418, %dma_start3A_420, %dma_start3A_421] : memref<14x64x128xf32, #tpu.memory_space<vmem>> -> memref<1x64x128xf32, #tpu.memory_space<vmem>>
      %dma_start3A_423 = tpu.memref_squeeze %dma_start3A_422 : memref<1x64x128xf32, #tpu.memory_space<vmem>> -> memref<64x128xf32, #tpu.memory_space<vmem>>
      %dma_start3A_424 = arith.constant 0 : i32
      %dma_start3A_425 = arith.constant 0 : i32
      %dma_start3A_426 = arith.constant 0 : i32
      %dma_start3A_427 = tpu.memref_slice %arg4[%add3A, %dma_start3A_424, %dma_start3A_425, %dma_start3A_426] : memref<32x100x64x128xf32, #tpu.memory_space<hbm>> -> memref<1x100x64x128xf32, #tpu.memory_space<hbm>>
      %dma_start3A_428 = tpu.memref_squeeze %dma_start3A_427 : memref<1x100x64x128xf32, #tpu.memory_space<hbm>> -> memref<100x64x128xf32, #tpu.memory_space<hbm>>
      %dma_start3A_429 = arith.constant 0 : i32
      %dma_start3A_430 = arith.constant 0 : i32
      %dma_start3A_431 = tpu.memref_slice %dma_start3A_428[%add3A_417, %dma_start3A_429, %dma_start3A_430] : memref<100x64x128xf32, #tpu.memory_space<hbm>> -> memref<1x64x128xf32, #tpu.memory_space<hbm>>
      %dma_start3A_432 = tpu.memref_squeeze %dma_start3A_431 : memref<1x64x128xf32, #tpu.memory_space<hbm>> -> memref<64x128xf32, #tpu.memory_space<hbm>>
      %dma_start3A_433 = tpu.memref_slice %arg8[%dma_start3A_419] : memref<14x!tpu.dma_semaphore, #tpu.memory_space<semaphore_mem>> -> memref<1x!tpu.dma_semaphore, #tpu.memory_space<semaphore_mem>>
      %dma_start3A_434 = tpu.memref_squeeze %dma_start3A_433 : memref<1x!tpu.dma_semaphore, #tpu.memory_space<semaphore_mem>> -> memref<!tpu.dma_semaphore, #tpu.memory_space<semaphore_mem>>
      %dma_start3A_435 = arith.constant 0 : i32
      %dma_start3A_436 = arith.constant 0 : i32
      %dma_start3A_437 = arith.constant 0 : i32
      %dma_start3A_438 = tpu.memref_slice %arg4[%add3A, %dma_start3A_435, %dma_start3A_436, %dma_start3A_437] : memref<32x100x64x128xf32, #tpu.memory_space<hbm>> -> memref<1x100x64x128xf32, #tpu.memory_space<hbm>>
      %dma_start3A_439 = tpu.memref_squeeze %dma_start3A_438 : memref<1x100x64x128xf32, #tpu.memory_space<hbm>> -> memref<100x64x128xf32, #tpu.memory_space<hbm>>
      %dma_start3A_440 = arith.constant 0 : i32
      %dma_start3A_441 = arith.constant 0 : i32
      %dma_start3A_442 = tpu.memref_slice %dma_start3A_439[%add3A_417, %dma_start3A_440, %dma_start3A_441] : memref<100x64x128xf32, #tpu.memory_space<hbm>> -> memref<1x64x128xf32, #tpu.memory_space<hbm>>
      %dma_start3A_443 = tpu.memref_squeeze %dma_start3A_442 : memref<1x64x128xf32, #tpu.memory_space<hbm>> -> memref<64x128xf32, #tpu.memory_space<hbm>>
      %dma_start3A_444 = arith.constant 0 : i32
      %dma_start3A_445 = arith.constant 0 : i32
      %dma_start3A_446 = tpu.memref_slice %arg6[%dma_start3A_418, %dma_start3A_444, %dma_start3A_445] : memref<14x64x128xf32, #tpu.memory_space<vmem>> -> memref<1x64x128xf32, #tpu.memory_space<vmem>>
      %dma_start3A_447 = tpu.memref_squeeze %dma_start3A_446 : memref<1x64x128xf32, #tpu.memory_space<vmem>> -> memref<64x128xf32, #tpu.memory_space<vmem>>
      tpu.enqueue_dma source(%dma_start3A_447 : memref<64x128xf32, #tpu.memory_space<vmem>>) target(%dma_start3A_443 : memref<64x128xf32, #tpu.memory_space<hbm>>) target_semaphore(%dma_start3A_434 : memref<!tpu.dma_semaphore, #tpu.memory_space<semaphore_mem>>)
      %dma_wait3A_448 = arith.constant 2 : i32
      %dma_wait3A_449 = arith.constant 2 : i32
      %dma_wait3A_450 = arith.constant 0 : i32
      %dma_wait3A_451 = arith.constant 0 : i32
      %dma_wait3A_452 = tpu.memref_slice %arg6[%dma_wait3A_448, %dma_wait3A_450, %dma_wait3A_451] : memref<14x64x128xf32, #tpu.memory_space<vmem>> -> memref<1x64x128xf32, #tpu.memory_space<vmem>>
      %dma_wait3A_453 = tpu.memref_squeeze %dma_wait3A_452 : memref<1x64x128xf32, #tpu.memory_space<vmem>> -> memref<64x128xf32, #tpu.memory_space<vmem>>
      %dma_wait3A_454 = arith.constant 0 : i32
      %dma_wait3A_455 = arith.constant 0 : i32
      %dma_wait3A_456 = tpu.memref_slice %arg3[%dma_wait3A_454, %dma_wait3A_455] : memref<100000x128xf32, #tpu.memory_space<hbm>> -> memref<64x128xf32, #tpu.memory_space<hbm>>
      %dma_wait3A_457 = tpu.memref_slice %arg7[%dma_wait3A_449] : memref<14x!tpu.dma_semaphore, #tpu.memory_space<semaphore_mem>> -> memref<1x!tpu.dma_semaphore, #tpu.memory_space<semaphore_mem>>
      %dma_wait3A_458 = tpu.memref_squeeze %dma_wait3A_457 : memref<1x!tpu.dma_semaphore, #tpu.memory_space<semaphore_mem>> -> memref<!tpu.dma_semaphore, #tpu.memory_space<semaphore_mem>>
      %dma_wait3A_459 = arith.constant 0 : i32
      %dma_wait3A_460 = arith.constant 0 : i32
      %dma_wait3A_461 = tpu.memref_slice %arg6[%dma_wait3A_448, %dma_wait3A_459, %dma_wait3A_460] : memref<14x64x128xf32, #tpu.memory_space<vmem>> -> memref<1x64x128xf32, #tpu.memory_space<vmem>>
      %dma_wait3A_462 = tpu.memref_squeeze %dma_wait3A_461 : memref<1x64x128xf32, #tpu.memory_space<vmem>> -> memref<64x128xf32, #tpu.memory_space<vmem>>
      %dma_wait3A_463 = arith.constant 0 : i32
      %dma_wait3A_464 = arith.constant 0 : i32
      %dma_wait3A_465 = tpu.memref_slice %arg3[%dma_wait3A_463, %dma_wait3A_464] : memref<100000x128xf32, #tpu.memory_space<hbm>> -> memref<64x128xf32, #tpu.memory_space<hbm>>
      tpu.wait_dma2 semaphore(%dma_wait3A_458 : memref<!tpu.dma_semaphore, #tpu.memory_space<semaphore_mem>>) src(%dma_wait3A_465 : memref<64x128xf32, #tpu.memory_space<hbm>>) dst(%dma_wait3A_462 : memref<64x128xf32, #tpu.memory_space<vmem>>)
      %add3A_466 = arith.constant 2 : i32
      %add3A_467 = arith.addi %mul3A_347, %add3A_466 : i32
      %dma_start3A_468 = arith.constant 2 : i32
      %dma_start3A_469 = arith.constant 2 : i32
      %dma_start3A_470 = arith.constant 0 : i32
      %dma_start3A_471 = arith.constant 0 : i32
      %dma_start3A_472 = tpu.memref_slice %arg6[%dma_start3A_468, %dma_start3A_470, %dma_start3A_471] : memref<14x64x128xf32, #tpu.memory_space<vmem>> -> memref<1x64x128xf32, #tpu.memory_space<vmem>>
      %dma_start3A_473 = tpu.memref_squeeze %dma_start3A_472 : memref<1x64x128xf32, #tpu.memory_space<vmem>> -> memref<64x128xf32, #tpu.memory_space<vmem>>
      %dma_start3A_474 = arith.constant 0 : i32
      %dma_start3A_475 = arith.constant 0 : i32
      %dma_start3A_476 = arith.constant 0 : i32
      %dma_start3A_477 = tpu.memref_slice %arg4[%add3A, %dma_start3A_474, %dma_start3A_475, %dma_start3A_476] : memref<32x100x64x128xf32, #tpu.memory_space<hbm>> -> memref<1x100x64x128xf32, #tpu.memory_space<hbm>>
      %dma_start3A_478 = tpu.memref_squeeze %dma_start3A_477 : memref<1x100x64x128xf32, #tpu.memory_space<hbm>> -> memref<100x64x128xf32, #tpu.memory_space<hbm>>
      %dma_start3A_479 = arith.constant 0 : i32
      %dma_start3A_480 = arith.constant 0 : i32
      %dma_start3A_481 = tpu.memref_slice %dma_start3A_478[%add3A_467, %dma_start3A_479, %dma_start3A_480] : memref<100x64x128xf32, #tpu.memory_space<hbm>> -> memref<1x64x128xf32, #tpu.memory_space<hbm>>
      %dma_start3A_482 = tpu.memref_squeeze %dma_start3A_481 : memref<1x64x128xf32, #tpu.memory_space<hbm>> -> memref<64x128xf32, #tpu.memory_space<hbm>>
      %dma_start3A_483 = tpu.memref_slice %arg8[%dma_start3A_469] : memref<14x!tpu.dma_semaphore, #tpu.memory_space<semaphore_mem>> -> memref<1x!tpu.dma_semaphore, #tpu.memory_space<semaphore_mem>>
      %dma_start3A_484 = tpu.memref_squeeze %dma_start3A_483 : memref<1x!tpu.dma_semaphore, #tpu.memory_space<semaphore_mem>> -> memref<!tpu.dma_semaphore, #tpu.memory_space<semaphore_mem>>
      %dma_start3A_485 = arith.constant 0 : i32
      %dma_start3A_486 = arith.constant 0 : i32
      %dma_start3A_487 = arith.constant 0 : i32
      %dma_start3A_488 = tpu.memref_slice %arg4[%add3A, %dma_start3A_485, %dma_start3A_486, %dma_start3A_487] : memref<32x100x64x128xf32, #tpu.memory_space<hbm>> -> memref<1x100x64x128xf32, #tpu.memory_space<hbm>>
      %dma_start3A_489 = tpu.memref_squeeze %dma_start3A_488 : memref<1x100x64x128xf32, #tpu.memory_space<hbm>> -> memref<100x64x128xf32, #tpu.memory_space<hbm>>
      %dma_start3A_490 = arith.constant 0 : i32
      %dma_start3A_491 = arith.constant 0 : i32
      %dma_start3A_492 = tpu.memref_slice %dma_start3A_489[%add3A_467, %dma_start3A_490, %dma_start3A_491] : memref<100x64x128xf32, #tpu.memory_space<hbm>> -> memref<1x64x128xf32, #tpu.memory_space<hbm>>
      %dma_start3A_493 = tpu.memref_squeeze %dma_start3A_492 : memref<1x64x128xf32, #tpu.memory_space<hbm>> -> memref<64x128xf32, #tpu.memory_space<hbm>>
      %dma_start3A_494 = arith.constant 0 : i32
      %dma_start3A_495 = arith.constant 0 : i32
      %dma_start3A_496 = tpu.memref_slice %arg6[%dma_start3A_468, %dma_start3A_494, %dma_start3A_495] : memref<14x64x128xf32, #tpu.memory_space<vmem>> -> memref<1x64x128xf32, #tpu.memory_space<vmem>>
      %dma_start3A_497 = tpu.memref_squeeze %dma_start3A_496 : memref<1x64x128xf32, #tpu.memory_space<vmem>> -> memref<64x128xf32, #tpu.memory_space<vmem>>
      tpu.enqueue_dma source(%dma_start3A_497 : memref<64x128xf32, #tpu.memory_space<vmem>>) target(%dma_start3A_493 : memref<64x128xf32, #tpu.memory_space<hbm>>) target_semaphore(%dma_start3A_484 : memref<!tpu.dma_semaphore, #tpu.memory_space<semaphore_mem>>)
      %dma_wait3A_498 = arith.constant 3 : i32
      %dma_wait3A_499 = arith.constant 3 : i32
      %dma_wait3A_500 = arith.constant 0 : i32
      %dma_wait3A_501 = arith.constant 0 : i32
      %dma_wait3A_502 = tpu.memref_slice %arg6[%dma_wait3A_498, %dma_wait3A_500, %dma_wait3A_501] : memref<14x64x128xf32, #tpu.memory_space<vmem>> -> memref<1x64x128xf32, #tpu.memory_space<vmem>>
      %dma_wait3A_503 = tpu.memref_squeeze %dma_wait3A_502 : memref<1x64x128xf32, #tpu.memory_space<vmem>> -> memref<64x128xf32, #tpu.memory_space<vmem>>
      %dma_wait3A_504 = arith.constant 0 : i32
      %dma_wait3A_505 = arith.constant 0 : i32
      %dma_wait3A_506 = tpu.memref_slice %arg3[%dma_wait3A_504, %dma_wait3A_505] : memref<100000x128xf32, #tpu.memory_space<hbm>> -> memref<64x128xf32, #tpu.memory_space<hbm>>
      %dma_wait3A_507 = tpu.memref_slice %arg7[%dma_wait3A_499] : memref<14x!tpu.dma_semaphore, #tpu.memory_space<semaphore_mem>> -> memref<1x!tpu.dma_semaphore, #tpu.memory_space<semaphore_mem>>
      %dma_wait3A_508 = tpu.memref_squeeze %dma_wait3A_507 : memref<1x!tpu.dma_semaphore, #tpu.memory_space<semaphore_mem>> -> memref<!tpu.dma_semaphore, #tpu.memory_space<semaphore_mem>>
      %dma_wait3A_509 = arith.constant 0 : i32
      %dma_wait3A_510 = arith.constant 0 : i32
      %dma_wait3A_511 = tpu.memref_slice %arg6[%dma_wait3A_498, %dma_wait3A_509, %dma_wait3A_510] : memref<14x64x128xf32, #tpu.memory_space<vmem>> -> memref<1x64x128xf32, #tpu.memory_space<vmem>>
      %dma_wait3A_512 = tpu.memref_squeeze %dma_wait3A_511 : memref<1x64x128xf32, #tpu.memory_space<vmem>> -> memref<64x128xf32, #tpu.memory_space<vmem>>
      %dma_wait3A_513 = arith.constant 0 : i32
      %dma_wait3A_514 = arith.constant 0 : i32
      %dma_wait3A_515 = tpu.memref_slice %arg3[%dma_wait3A_513, %dma_wait3A_514] : memref<100000x128xf32, #tpu.memory_space<hbm>> -> memref<64x128xf32, #tpu.memory_space<hbm>>
      tpu.wait_dma2 semaphore(%dma_wait3A_508 : memref<!tpu.dma_semaphore, #tpu.memory_space<semaphore_mem>>) src(%dma_wait3A_515 : memref<64x128xf32, #tpu.memory_space<hbm>>) dst(%dma_wait3A_512 : memref<64x128xf32, #tpu.memory_space<vmem>>)
      %add3A_516 = arith.constant 3 : i32
      %add3A_517 = arith.addi %mul3A_347, %add3A_516 : i32
      %dma_start3A_518 = arith.constant 3 : i32
      %dma_start3A_519 = arith.constant 3 : i32
      %dma_start3A_520 = arith.constant 0 : i32
      %dma_start3A_521 = arith.constant 0 : i32
      %dma_start3A_522 = tpu.memref_slice %arg6[%dma_start3A_518, %dma_start3A_520, %dma_start3A_521] : memref<14x64x128xf32, #tpu.memory_space<vmem>> -> memref<1x64x128xf32, #tpu.memory_space<vmem>>
      %dma_start3A_523 = tpu.memref_squeeze %dma_start3A_522 : memref<1x64x128xf32, #tpu.memory_space<vmem>> -> memref<64x128xf32, #tpu.memory_space<vmem>>
      %dma_start3A_524 = arith.constant 0 : i32
      %dma_start3A_525 = arith.constant 0 : i32
      %dma_start3A_526 = arith.constant 0 : i32
      %dma_start3A_527 = tpu.memref_slice %arg4[%add3A, %dma_start3A_524, %dma_start3A_525, %dma_start3A_526] : memref<32x100x64x128xf32, #tpu.memory_space<hbm>> -> memref<1x100x64x128xf32, #tpu.memory_space<hbm>>
      %dma_start3A_528 = tpu.memref_squeeze %dma_start3A_527 : memref<1x100x64x128xf32, #tpu.memory_space<hbm>> -> memref<100x64x128xf32, #tpu.memory_space<hbm>>
      %dma_start3A_529 = arith.constant 0 : i32
      %dma_start3A_530 = arith.constant 0 : i32
      %dma_start3A_531 = tpu.memref_slice %dma_start3A_528[%add3A_517, %dma_start3A_529, %dma_start3A_530] : memref<100x64x128xf32, #tpu.memory_space<hbm>> -> memref<1x64x128xf32, #tpu.memory_space<hbm>>
      %dma_start3A_532 = tpu.memref_squeeze %dma_start3A_531 : memref<1x64x128xf32, #tpu.memory_space<hbm>> -> memref<64x128xf32, #tpu.memory_space<hbm>>
      %dma_start3A_533 = tpu.memref_slice %arg8[%dma_start3A_519] : memref<14x!tpu.dma_semaphore, #tpu.memory_space<semaphore_mem>> -> memref<1x!tpu.dma_semaphore, #tpu.memory_space<semaphore_mem>>
      %dma_start3A_534 = tpu.memref_squeeze %dma_start3A_533 : memref<1x!tpu.dma_semaphore, #tpu.memory_space<semaphore_mem>> -> memref<!tpu.dma_semaphore, #tpu.memory_space<semaphore_mem>>
      %dma_start3A_535 = arith.constant 0 : i32
      %dma_start3A_536 = arith.constant 0 : i32
      %dma_start3A_537 = arith.constant 0 : i32
      %dma_start3A_538 = tpu.memref_slice %arg4[%add3A, %dma_start3A_535, %dma_start3A_536, %dma_start3A_537] : memref<32x100x64x128xf32, #tpu.memory_space<hbm>> -> memref<1x100x64x128xf32, #tpu.memory_space<hbm>>
      %dma_start3A_539 = tpu.memref_squeeze %dma_start3A_538 : memref<1x100x64x128xf32, #tpu.memory_space<hbm>> -> memref<100x64x128xf32, #tpu.memory_space<hbm>>
      %dma_start3A_540 = arith.constant 0 : i32
      %dma_start3A_541 = arith.constant 0 : i32
      %dma_start3A_542 = tpu.memref_slice %dma_start3A_539[%add3A_517, %dma_start3A_540, %dma_start3A_541] : memref<100x64x128xf32, #tpu.memory_space<hbm>> -> memref<1x64x128xf32, #tpu.memory_space<hbm>>
      %dma_start3A_543 = tpu.memref_squeeze %dma_start3A_542 : memref<1x64x128xf32, #tpu.memory_space<hbm>> -> memref<64x128xf32, #tpu.memory_space<hbm>>
      %dma_start3A_544 = arith.constant 0 : i32
      %dma_start3A_545 = arith.constant 0 : i32
      %dma_start3A_546 = tpu.memref_slice %arg6[%dma_start3A_518, %dma_start3A_544, %dma_start3A_545] : memref<14x64x128xf32, #tpu.memory_space<vmem>> -> memref<1x64x128xf32, #tpu.memory_space<vmem>>
      %dma_start3A_547 = tpu.memref_squeeze %dma_start3A_546 : memref<1x64x128xf32, #tpu.memory_space<vmem>> -> memref<64x128xf32, #tpu.memory_space<vmem>>
      tpu.enqueue_dma source(%dma_start3A_547 : memref<64x128xf32, #tpu.memory_space<vmem>>) target(%dma_start3A_543 : memref<64x128xf32, #tpu.memory_space<hbm>>) target_semaphore(%dma_start3A_534 : memref<!tpu.dma_semaphore, #tpu.memory_space<semaphore_mem>>)
      %dma_wait3A_548 = arith.constant 4 : i32
      %dma_wait3A_549 = arith.constant 4 : i32
      %dma_wait3A_550 = arith.constant 0 : i32
      %dma_wait3A_551 = arith.constant 0 : i32
      %dma_wait3A_552 = tpu.memref_slice %arg6[%dma_wait3A_548, %dma_wait3A_550, %dma_wait3A_551] : memref<14x64x128xf32, #tpu.memory_space<vmem>> -> memref<1x64x128xf32, #tpu.memory_space<vmem>>
      %dma_wait3A_553 = tpu.memref_squeeze %dma_wait3A_552 : memref<1x64x128xf32, #tpu.memory_space<vmem>> -> memref<64x128xf32, #tpu.memory_space<vmem>>
      %dma_wait3A_554 = arith.constant 0 : i32
      %dma_wait3A_555 = arith.constant 0 : i32
      %dma_wait3A_556 = tpu.memref_slice %arg3[%dma_wait3A_554, %dma_wait3A_555] : memref<100000x128xf32, #tpu.memory_space<hbm>> -> memref<64x128xf32, #tpu.memory_space<hbm>>
      %dma_wait3A_557 = tpu.memref_slice %arg7[%dma_wait3A_549] : memref<14x!tpu.dma_semaphore, #tpu.memory_space<semaphore_mem>> -> memref<1x!tpu.dma_semaphore, #tpu.memory_space<semaphore_mem>>
      %dma_wait3A_558 = tpu.memref_squeeze %dma_wait3A_557 : memref<1x!tpu.dma_semaphore, #tpu.memory_space<semaphore_mem>> -> memref<!tpu.dma_semaphore, #tpu.memory_space<semaphore_mem>>
      %dma_wait3A_559 = arith.constant 0 : i32
      %dma_wait3A_560 = arith.constant 0 : i32
      %dma_wait3A_561 = tpu.memref_slice %arg6[%dma_wait3A_548, %dma_wait3A_559, %dma_wait3A_560] : memref<14x64x128xf32, #tpu.memory_space<vmem>> -> memref<1x64x128xf32, #tpu.memory_space<vmem>>
      %dma_wait3A_562 = tpu.memref_squeeze %dma_wait3A_561 : memref<1x64x128xf32, #tpu.memory_space<vmem>> -> memref<64x128xf32, #tpu.memory_space<vmem>>
      %dma_wait3A_563 = arith.constant 0 : i32
      %dma_wait3A_564 = arith.constant 0 : i32
      %dma_wait3A_565 = tpu.memref_slice %arg3[%dma_wait3A_563, %dma_wait3A_564] : memref<100000x128xf32, #tpu.memory_space<hbm>> -> memref<64x128xf32, #tpu.memory_space<hbm>>
      tpu.wait_dma2 semaphore(%dma_wait3A_558 : memref<!tpu.dma_semaphore, #tpu.memory_space<semaphore_mem>>) src(%dma_wait3A_565 : memref<64x128xf32, #tpu.memory_space<hbm>>) dst(%dma_wait3A_562 : memref<64x128xf32, #tpu.memory_space<vmem>>)
      %add3A_566 = arith.constant 4 : i32
      %add3A_567 = arith.addi %mul3A_347, %add3A_566 : i32
      %dma_start3A_568 = arith.constant 4 : i32
      %dma_start3A_569 = arith.constant 4 : i32
      %dma_start3A_570 = arith.constant 0 : i32
      %dma_start3A_571 = arith.constant 0 : i32
      %dma_start3A_572 = tpu.memref_slice %arg6[%dma_start3A_568, %dma_start3A_570, %dma_start3A_571] : memref<14x64x128xf32, #tpu.memory_space<vmem>> -> memref<1x64x128xf32, #tpu.memory_space<vmem>>
      %dma_start3A_573 = tpu.memref_squeeze %dma_start3A_572 : memref<1x64x128xf32, #tpu.memory_space<vmem>> -> memref<64x128xf32, #tpu.memory_space<vmem>>
      %dma_start3A_574 = arith.constant 0 : i32
      %dma_start3A_575 = arith.constant 0 : i32
      %dma_start3A_576 = arith.constant 0 : i32
      %dma_start3A_577 = tpu.memref_slice %arg4[%add3A, %dma_start3A_574, %dma_start3A_575, %dma_start3A_576] : memref<32x100x64x128xf32, #tpu.memory_space<hbm>> -> memref<1x100x64x128xf32, #tpu.memory_space<hbm>>
      %dma_start3A_578 = tpu.memref_squeeze %dma_start3A_577 : memref<1x100x64x128xf32, #tpu.memory_space<hbm>> -> memref<100x64x128xf32, #tpu.memory_space<hbm>>
      %dma_start3A_579 = arith.constant 0 : i32
      %dma_start3A_580 = arith.constant 0 : i32
      %dma_start3A_581 = tpu.memref_slice %dma_start3A_578[%add3A_567, %dma_start3A_579, %dma_start3A_580] : memref<100x64x128xf32, #tpu.memory_space<hbm>> -> memref<1x64x128xf32, #tpu.memory_space<hbm>>
      %dma_start3A_582 = tpu.memref_squeeze %dma_start3A_581 : memref<1x64x128xf32, #tpu.memory_space<hbm>> -> memref<64x128xf32, #tpu.memory_space<hbm>>
      %dma_start3A_583 = tpu.memref_slice %arg8[%dma_start3A_569] : memref<14x!tpu.dma_semaphore, #tpu.memory_space<semaphore_mem>> -> memref<1x!tpu.dma_semaphore, #tpu.memory_space<semaphore_mem>>
      %dma_start3A_584 = tpu.memref_squeeze %dma_start3A_583 : memref<1x!tpu.dma_semaphore, #tpu.memory_space<semaphore_mem>> -> memref<!tpu.dma_semaphore, #tpu.memory_space<semaphore_mem>>
      %dma_start3A_585 = arith.constant 0 : i32
      %dma_start3A_586 = arith.constant 0 : i32
      %dma_start3A_587 = arith.constant 0 : i32
      %dma_start3A_588 = tpu.memref_slice %arg4[%add3A, %dma_start3A_585, %dma_start3A_586, %dma_start3A_587] : memref<32x100x64x128xf32, #tpu.memory_space<hbm>> -> memref<1x100x64x128xf32, #tpu.memory_space<hbm>>
      %dma_start3A_589 = tpu.memref_squeeze %dma_start3A_588 : memref<1x100x64x128xf32, #tpu.memory_space<hbm>> -> memref<100x64x128xf32, #tpu.memory_space<hbm>>
      %dma_start3A_590 = arith.constant 0 : i32
      %dma_start3A_591 = arith.constant 0 : i32
      %dma_start3A_592 = tpu.memref_slice %dma_start3A_589[%add3A_567, %dma_start3A_590, %dma_start3A_591] : memref<100x64x128xf32, #tpu.memory_space<hbm>> -> memref<1x64x128xf32, #tpu.memory_space<hbm>>
      %dma_start3A_593 = tpu.memref_squeeze %dma_start3A_592 : memref<1x64x128xf32, #tpu.memory_space<hbm>> -> memref<64x128xf32, #tpu.memory_space<hbm>>
      %dma_start3A_594 = arith.constant 0 : i32
      %dma_start3A_595 = arith.constant 0 : i32
      %dma_start3A_596 = tpu.memref_slice %arg6[%dma_start3A_568, %dma_start3A_594, %dma_start3A_595] : memref<14x64x128xf32, #tpu.memory_space<vmem>> -> memref<1x64x128xf32, #tpu.memory_space<vmem>>
      %dma_start3A_597 = tpu.memref_squeeze %dma_start3A_596 : memref<1x64x128xf32, #tpu.memory_space<vmem>> -> memref<64x128xf32, #tpu.memory_space<vmem>>
      tpu.enqueue_dma source(%dma_start3A_597 : memref<64x128xf32, #tpu.memory_space<vmem>>) target(%dma_start3A_593 : memref<64x128xf32, #tpu.memory_space<hbm>>) target_semaphore(%dma_start3A_584 : memref<!tpu.dma_semaphore, #tpu.memory_space<semaphore_mem>>)
      %dma_wait3A_598 = arith.constant 5 : i32
      %dma_wait3A_599 = arith.constant 5 : i32
      %dma_wait3A_600 = arith.constant 0 : i32
      %dma_wait3A_601 = arith.constant 0 : i32
      %dma_wait3A_602 = tpu.memref_slice %arg6[%dma_wait3A_598, %dma_wait3A_600, %dma_wait3A_601] : memref<14x64x128xf32, #tpu.memory_space<vmem>> -> memref<1x64x128xf32, #tpu.memory_space<vmem>>
      %dma_wait3A_603 = tpu.memref_squeeze %dma_wait3A_602 : memref<1x64x128xf32, #tpu.memory_space<vmem>> -> memref<64x128xf32, #tpu.memory_space<vmem>>
      %dma_wait3A_604 = arith.constant 0 : i32
      %dma_wait3A_605 = arith.constant 0 : i32
      %dma_wait3A_606 = tpu.memref_slice %arg3[%dma_wait3A_604, %dma_wait3A_605] : memref<100000x128xf32, #tpu.memory_space<hbm>> -> memref<64x128xf32, #tpu.memory_space<hbm>>
      %dma_wait3A_607 = tpu.memref_slice %arg7[%dma_wait3A_599] : memref<14x!tpu.dma_semaphore, #tpu.memory_space<semaphore_mem>> -> memref<1x!tpu.dma_semaphore, #tpu.memory_space<semaphore_mem>>
      %dma_wait3A_608 = tpu.memref_squeeze %dma_wait3A_607 : memref<1x!tpu.dma_semaphore, #tpu.memory_space<semaphore_mem>> -> memref<!tpu.dma_semaphore, #tpu.memory_space<semaphore_mem>>
      %dma_wait3A_609 = arith.constant 0 : i32
      %dma_wait3A_610 = arith.constant 0 : i32
      %dma_wait3A_611 = tpu.memref_slice %arg6[%dma_wait3A_598, %dma_wait3A_609, %dma_wait3A_610] : memref<14x64x128xf32, #tpu.memory_space<vmem>> -> memref<1x64x128xf32, #tpu.memory_space<vmem>>
      %dma_wait3A_612 = tpu.memref_squeeze %dma_wait3A_611 : memref<1x64x128xf32, #tpu.memory_space<vmem>> -> memref<64x128xf32, #tpu.memory_space<vmem>>
      %dma_wait3A_613 = arith.constant 0 : i32
      %dma_wait3A_614 = arith.constant 0 : i32
      %dma_wait3A_615 = tpu.memref_slice %arg3[%dma_wait3A_613, %dma_wait3A_614] : memref<100000x128xf32, #tpu.memory_space<hbm>> -> memref<64x128xf32, #tpu.memory_space<hbm>>
      tpu.wait_dma2 semaphore(%dma_wait3A_608 : memref<!tpu.dma_semaphore, #tpu.memory_space<semaphore_mem>>) src(%dma_wait3A_615 : memref<64x128xf32, #tpu.memory_space<hbm>>) dst(%dma_wait3A_612 : memref<64x128xf32, #tpu.memory_space<vmem>>)
      %add3A_616 = arith.constant 5 : i32
      %add3A_617 = arith.addi %mul3A_347, %add3A_616 : i32
      %dma_start3A_618 = arith.constant 5 : i32
      %dma_start3A_619 = arith.constant 5 : i32
      %dma_start3A_620 = arith.constant 0 : i32
      %dma_start3A_621 = arith.constant 0 : i32
      %dma_start3A_622 = tpu.memref_slice %arg6[%dma_start3A_618, %dma_start3A_620, %dma_start3A_621] : memref<14x64x128xf32, #tpu.memory_space<vmem>> -> memref<1x64x128xf32, #tpu.memory_space<vmem>>
      %dma_start3A_623 = tpu.memref_squeeze %dma_start3A_622 : memref<1x64x128xf32, #tpu.memory_space<vmem>> -> memref<64x128xf32, #tpu.memory_space<vmem>>
      %dma_start3A_624 = arith.constant 0 : i32
      %dma_start3A_625 = arith.constant 0 : i32
      %dma_start3A_626 = arith.constant 0 : i32
      %dma_start3A_627 = tpu.memref_slice %arg4[%add3A, %dma_start3A_624, %dma_start3A_625, %dma_start3A_626] : memref<32x100x64x128xf32, #tpu.memory_space<hbm>> -> memref<1x100x64x128xf32, #tpu.memory_space<hbm>>
      %dma_start3A_628 = tpu.memref_squeeze %dma_start3A_627 : memref<1x100x64x128xf32, #tpu.memory_space<hbm>> -> memref<100x64x128xf32, #tpu.memory_space<hbm>>
      %dma_start3A_629 = arith.constant 0 : i32
      %dma_start3A_630 = arith.constant 0 : i32
      %dma_start3A_631 = tpu.memref_slice %dma_start3A_628[%add3A_617, %dma_start3A_629, %dma_start3A_630] : memref<100x64x128xf32, #tpu.memory_space<hbm>> -> memref<1x64x128xf32, #tpu.memory_space<hbm>>
      %dma_start3A_632 = tpu.memref_squeeze %dma_start3A_631 : memref<1x64x128xf32, #tpu.memory_space<hbm>> -> memref<64x128xf32, #tpu.memory_space<hbm>>
      %dma_start3A_633 = tpu.memref_slice %arg8[%dma_start3A_619] : memref<14x!tpu.dma_semaphore, #tpu.memory_space<semaphore_mem>> -> memref<1x!tpu.dma_semaphore, #tpu.memory_space<semaphore_mem>>
      %dma_start3A_634 = tpu.memref_squeeze %dma_start3A_633 : memref<1x!tpu.dma_semaphore, #tpu.memory_space<semaphore_mem>> -> memref<!tpu.dma_semaphore, #tpu.memory_space<semaphore_mem>>
      %dma_start3A_635 = arith.constant 0 : i32
      %dma_start3A_636 = arith.constant 0 : i32
      %dma_start3A_637 = arith.constant 0 : i32
      %dma_start3A_638 = tpu.memref_slice %arg4[%add3A, %dma_start3A_635, %dma_start3A_636, %dma_start3A_637] : memref<32x100x64x128xf32, #tpu.memory_space<hbm>> -> memref<1x100x64x128xf32, #tpu.memory_space<hbm>>
      %dma_start3A_639 = tpu.memref_squeeze %dma_start3A_638 : memref<1x100x64x128xf32, #tpu.memory_space<hbm>> -> memref<100x64x128xf32, #tpu.memory_space<hbm>>
      %dma_start3A_640 = arith.constant 0 : i32
      %dma_start3A_641 = arith.constant 0 : i32
      %dma_start3A_642 = tpu.memref_slice %dma_start3A_639[%add3A_617, %dma_start3A_640, %dma_start3A_641] : memref<100x64x128xf32, #tpu.memory_space<hbm>> -> memref<1x64x128xf32, #tpu.memory_space<hbm>>
      %dma_start3A_643 = tpu.memref_squeeze %dma_start3A_642 : memref<1x64x128xf32, #tpu.memory_space<hbm>> -> memref<64x128xf32, #tpu.memory_space<hbm>>
      %dma_start3A_644 = arith.constant 0 : i32
      %dma_start3A_645 = arith.constant 0 : i32
      %dma_start3A_646 = tpu.memref_slice %arg6[%dma_start3A_618, %dma_start3A_644, %dma_start3A_645] : memref<14x64x128xf32, #tpu.memory_space<vmem>> -> memref<1x64x128xf32, #tpu.memory_space<vmem>>
      %dma_start3A_647 = tpu.memref_squeeze %dma_start3A_646 : memref<1x64x128xf32, #tpu.memory_space<vmem>> -> memref<64x128xf32, #tpu.memory_space<vmem>>
      tpu.enqueue_dma source(%dma_start3A_647 : memref<64x128xf32, #tpu.memory_space<vmem>>) target(%dma_start3A_643 : memref<64x128xf32, #tpu.memory_space<hbm>>) target_semaphore(%dma_start3A_634 : memref<!tpu.dma_semaphore, #tpu.memory_space<semaphore_mem>>)
      %dma_wait3A_648 = arith.constant 6 : i32
      %dma_wait3A_649 = arith.constant 6 : i32
      %dma_wait3A_650 = arith.constant 0 : i32
      %dma_wait3A_651 = arith.constant 0 : i32
      %dma_wait3A_652 = tpu.memref_slice %arg6[%dma_wait3A_648, %dma_wait3A_650, %dma_wait3A_651] : memref<14x64x128xf32, #tpu.memory_space<vmem>> -> memref<1x64x128xf32, #tpu.memory_space<vmem>>
      %dma_wait3A_653 = tpu.memref_squeeze %dma_wait3A_652 : memref<1x64x128xf32, #tpu.memory_space<vmem>> -> memref<64x128xf32, #tpu.memory_space<vmem>>
      %dma_wait3A_654 = arith.constant 0 : i32
      %dma_wait3A_655 = arith.constant 0 : i32
      %dma_wait3A_656 = tpu.memref_slice %arg3[%dma_wait3A_654, %dma_wait3A_655] : memref<100000x128xf32, #tpu.memory_space<hbm>> -> memref<64x128xf32, #tpu.memory_space<hbm>>
      %dma_wait3A_657 = tpu.memref_slice %arg7[%dma_wait3A_649] : memref<14x!tpu.dma_semaphore, #tpu.memory_space<semaphore_mem>> -> memref<1x!tpu.dma_semaphore, #tpu.memory_space<semaphore_mem>>
      %dma_wait3A_658 = tpu.memref_squeeze %dma_wait3A_657 : memref<1x!tpu.dma_semaphore, #tpu.memory_space<semaphore_mem>> -> memref<!tpu.dma_semaphore, #tpu.memory_space<semaphore_mem>>
      %dma_wait3A_659 = arith.constant 0 : i32
      %dma_wait3A_660 = arith.constant 0 : i32
      %dma_wait3A_661 = tpu.memref_slice %arg6[%dma_wait3A_648, %dma_wait3A_659, %dma_wait3A_660] : memref<14x64x128xf32, #tpu.memory_space<vmem>> -> memref<1x64x128xf32, #tpu.memory_space<vmem>>
      %dma_wait3A_662 = tpu.memref_squeeze %dma_wait3A_661 : memref<1x64x128xf32, #tpu.memory_space<vmem>> -> memref<64x128xf32, #tpu.memory_space<vmem>>
      %dma_wait3A_663 = arith.constant 0 : i32
      %dma_wait3A_664 = arith.constant 0 : i32
      %dma_wait3A_665 = tpu.memref_slice %arg3[%dma_wait3A_663, %dma_wait3A_664] : memref<100000x128xf32, #tpu.memory_space<hbm>> -> memref<64x128xf32, #tpu.memory_space<hbm>>
      tpu.wait_dma2 semaphore(%dma_wait3A_658 : memref<!tpu.dma_semaphore, #tpu.memory_space<semaphore_mem>>) src(%dma_wait3A_665 : memref<64x128xf32, #tpu.memory_space<hbm>>) dst(%dma_wait3A_662 : memref<64x128xf32, #tpu.memory_space<vmem>>)
      %add3A_666 = arith.constant 6 : i32
      %add3A_667 = arith.addi %mul3A_347, %add3A_666 : i32
      %dma_start3A_668 = arith.constant 6 : i32
      %dma_start3A_669 = arith.constant 6 : i32
      %dma_start3A_670 = arith.constant 0 : i32
      %dma_start3A_671 = arith.constant 0 : i32
      %dma_start3A_672 = tpu.memref_slice %arg6[%dma_start3A_668, %dma_start3A_670, %dma_start3A_671] : memref<14x64x128xf32, #tpu.memory_space<vmem>> -> memref<1x64x128xf32, #tpu.memory_space<vmem>>
      %dma_start3A_673 = tpu.memref_squeeze %dma_start3A_672 : memref<1x64x128xf32, #tpu.memory_space<vmem>> -> memref<64x128xf32, #tpu.memory_space<vmem>>
      %dma_start3A_674 = arith.constant 0 : i32
      %dma_start3A_675 = arith.constant 0 : i32
      %dma_start3A_676 = arith.constant 0 : i32
      %dma_start3A_677 = tpu.memref_slice %arg4[%add3A, %dma_start3A_674, %dma_start3A_675, %dma_start3A_676] : memref<32x100x64x128xf32, #tpu.memory_space<hbm>> -> memref<1x100x64x128xf32, #tpu.memory_space<hbm>>
      %dma_start3A_678 = tpu.memref_squeeze %dma_start3A_677 : memref<1x100x64x128xf32, #tpu.memory_space<hbm>> -> memref<100x64x128xf32, #tpu.memory_space<hbm>>
      %dma_start3A_679 = arith.constant 0 : i32
      %dma_start3A_680 = arith.constant 0 : i32
      %dma_start3A_681 = tpu.memref_slice %dma_start3A_678[%add3A_667, %dma_start3A_679, %dma_start3A_680] : memref<100x64x128xf32, #tpu.memory_space<hbm>> -> memref<1x64x128xf32, #tpu.memory_space<hbm>>
      %dma_start3A_682 = tpu.memref_squeeze %dma_start3A_681 : memref<1x64x128xf32, #tpu.memory_space<hbm>> -> memref<64x128xf32, #tpu.memory_space<hbm>>
      %dma_start3A_683 = tpu.memref_slice %arg8[%dma_start3A_669] : memref<14x!tpu.dma_semaphore, #tpu.memory_space<semaphore_mem>> -> memref<1x!tpu.dma_semaphore, #tpu.memory_space<semaphore_mem>>
      %dma_start3A_684 = tpu.memref_squeeze %dma_start3A_683 : memref<1x!tpu.dma_semaphore, #tpu.memory_space<semaphore_mem>> -> memref<!tpu.dma_semaphore, #tpu.memory_space<semaphore_mem>>
      %dma_start3A_685 = arith.constant 0 : i32
      %dma_start3A_686 = arith.constant 0 : i32
      %dma_start3A_687 = arith.constant 0 : i32
      %dma_start3A_688 = tpu.memref_slice %arg4[%add3A, %dma_start3A_685, %dma_start3A_686, %dma_start3A_687] : memref<32x100x64x128xf32, #tpu.memory_space<hbm>> -> memref<1x100x64x128xf32, #tpu.memory_space<hbm>>
      %dma_start3A_689 = tpu.memref_squeeze %dma_start3A_688 : memref<1x100x64x128xf32, #tpu.memory_space<hbm>> -> memref<100x64x128xf32, #tpu.memory_space<hbm>>
      %dma_start3A_690 = arith.constant 0 : i32
      %dma_start3A_691 = arith.constant 0 : i32
      %dma_start3A_692 = tpu.memref_slice %dma_start3A_689[%add3A_667, %dma_start3A_690, %dma_start3A_691] : memref<100x64x128xf32, #tpu.memory_space<hbm>> -> memref<1x64x128xf32, #tpu.memory_space<hbm>>
      %dma_start3A_693 = tpu.memref_squeeze %dma_start3A_692 : memref<1x64x128xf32, #tpu.memory_space<hbm>> -> memref<64x128xf32, #tpu.memory_space<hbm>>
      %dma_start3A_694 = arith.constant 0 : i32
      %dma_start3A_695 = arith.constant 0 : i32
      %dma_start3A_696 = tpu.memref_slice %arg6[%dma_start3A_668, %dma_start3A_694, %dma_start3A_695] : memref<14x64x128xf32, #tpu.memory_space<vmem>> -> memref<1x64x128xf32, #tpu.memory_space<vmem>>
      %dma_start3A_697 = tpu.memref_squeeze %dma_start3A_696 : memref<1x64x128xf32, #tpu.memory_space<vmem>> -> memref<64x128xf32, #tpu.memory_space<vmem>>
      tpu.enqueue_dma source(%dma_start3A_697 : memref<64x128xf32, #tpu.memory_space<vmem>>) target(%dma_start3A_693 : memref<64x128xf32, #tpu.memory_space<hbm>>) target_semaphore(%dma_start3A_684 : memref<!tpu.dma_semaphore, #tpu.memory_space<semaphore_mem>>)
      %dma_wait3A_698 = arith.constant 7 : i32
      %dma_wait3A_699 = arith.constant 7 : i32
      %dma_wait3A_700 = arith.constant 0 : i32
      %dma_wait3A_701 = arith.constant 0 : i32
      %dma_wait3A_702 = tpu.memref_slice %arg6[%dma_wait3A_698, %dma_wait3A_700, %dma_wait3A_701] : memref<14x64x128xf32, #tpu.memory_space<vmem>> -> memref<1x64x128xf32, #tpu.memory_space<vmem>>
      %dma_wait3A_703 = tpu.memref_squeeze %dma_wait3A_702 : memref<1x64x128xf32, #tpu.memory_space<vmem>> -> memref<64x128xf32, #tpu.memory_space<vmem>>
      %dma_wait3A_704 = arith.constant 0 : i32
      %dma_wait3A_705 = arith.constant 0 : i32
      %dma_wait3A_706 = tpu.memref_slice %arg3[%dma_wait3A_704, %dma_wait3A_705] : memref<100000x128xf32, #tpu.memory_space<hbm>> -> memref<64x128xf32, #tpu.memory_space<hbm>>
      %dma_wait3A_707 = tpu.memref_slice %arg7[%dma_wait3A_699] : memref<14x!tpu.dma_semaphore, #tpu.memory_space<semaphore_mem>> -> memref<1x!tpu.dma_semaphore, #tpu.memory_space<semaphore_mem>>
      %dma_wait3A_708 = tpu.memref_squeeze %dma_wait3A_707 : memref<1x!tpu.dma_semaphore, #tpu.memory_space<semaphore_mem>> -> memref<!tpu.dma_semaphore, #tpu.memory_space<semaphore_mem>>
      %dma_wait3A_709 = arith.constant 0 : i32
      %dma_wait3A_710 = arith.constant 0 : i32
      %dma_wait3A_711 = tpu.memref_slice %arg6[%dma_wait3A_698, %dma_wait3A_709, %dma_wait3A_710] : memref<14x64x128xf32, #tpu.memory_space<vmem>> -> memref<1x64x128xf32, #tpu.memory_space<vmem>>
      %dma_wait3A_712 = tpu.memref_squeeze %dma_wait3A_711 : memref<1x64x128xf32, #tpu.memory_space<vmem>> -> memref<64x128xf32, #tpu.memory_space<vmem>>
      %dma_wait3A_713 = arith.constant 0 : i32
      %dma_wait3A_714 = arith.constant 0 : i32
      %dma_wait3A_715 = tpu.memref_slice %arg3[%dma_wait3A_713, %dma_wait3A_714] : memref<100000x128xf32, #tpu.memory_space<hbm>> -> memref<64x128xf32, #tpu.memory_space<hbm>>
      tpu.wait_dma2 semaphore(%dma_wait3A_708 : memref<!tpu.dma_semaphore, #tpu.memory_space<semaphore_mem>>) src(%dma_wait3A_715 : memref<64x128xf32, #tpu.memory_space<hbm>>) dst(%dma_wait3A_712 : memref<64x128xf32, #tpu.memory_space<vmem>>)
      %add3A_716 = arith.constant 7 : i32
      %add3A_717 = arith.addi %mul3A_347, %add3A_716 : i32
      %dma_start3A_718 = arith.constant 7 : i32
      %dma_start3A_719 = arith.constant 7 : i32
      %dma_start3A_720 = arith.constant 0 : i32
      %dma_start3A_721 = arith.constant 0 : i32
      %dma_start3A_722 = tpu.memref_slice %arg6[%dma_start3A_718, %dma_start3A_720, %dma_start3A_721] : memref<14x64x128xf32, #tpu.memory_space<vmem>> -> memref<1x64x128xf32, #tpu.memory_space<vmem>>
      %dma_start3A_723 = tpu.memref_squeeze %dma_start3A_722 : memref<1x64x128xf32, #tpu.memory_space<vmem>> -> memref<64x128xf32, #tpu.memory_space<vmem>>
      %dma_start3A_724 = arith.constant 0 : i32
      %dma_start3A_725 = arith.constant 0 : i32
      %dma_start3A_726 = arith.constant 0 : i32
      %dma_start3A_727 = tpu.memref_slice %arg4[%add3A, %dma_start3A_724, %dma_start3A_725, %dma_start3A_726] : memref<32x100x64x128xf32, #tpu.memory_space<hbm>> -> memref<1x100x64x128xf32, #tpu.memory_space<hbm>>
      %dma_start3A_728 = tpu.memref_squeeze %dma_start3A_727 : memref<1x100x64x128xf32, #tpu.memory_space<hbm>> -> memref<100x64x128xf32, #tpu.memory_space<hbm>>
      %dma_start3A_729 = arith.constant 0 : i32
      %dma_start3A_730 = arith.constant 0 : i32
      %dma_start3A_731 = tpu.memref_slice %dma_start3A_728[%add3A_717, %dma_start3A_729, %dma_start3A_730] : memref<100x64x128xf32, #tpu.memory_space<hbm>> -> memref<1x64x128xf32, #tpu.memory_space<hbm>>
      %dma_start3A_732 = tpu.memref_squeeze %dma_start3A_731 : memref<1x64x128xf32, #tpu.memory_space<hbm>> -> memref<64x128xf32, #tpu.memory_space<hbm>>
      %dma_start3A_733 = tpu.memref_slice %arg8[%dma_start3A_719] : memref<14x!tpu.dma_semaphore, #tpu.memory_space<semaphore_mem>> -> memref<1x!tpu.dma_semaphore, #tpu.memory_space<semaphore_mem>>
      %dma_start3A_734 = tpu.memref_squeeze %dma_start3A_733 : memref<1x!tpu.dma_semaphore, #tpu.memory_space<semaphore_mem>> -> memref<!tpu.dma_semaphore, #tpu.memory_space<semaphore_mem>>
      %dma_start3A_735 = arith.constant 0 : i32
      %dma_start3A_736 = arith.constant 0 : i32
      %dma_start3A_737 = arith.constant 0 : i32
      %dma_start3A_738 = tpu.memref_slice %arg4[%add3A, %dma_start3A_735, %dma_start3A_736, %dma_start3A_737] : memref<32x100x64x128xf32, #tpu.memory_space<hbm>> -> memref<1x100x64x128xf32, #tpu.memory_space<hbm>>
      %dma_start3A_739 = tpu.memref_squeeze %dma_start3A_738 : memref<1x100x64x128xf32, #tpu.memory_space<hbm>> -> memref<100x64x128xf32, #tpu.memory_space<hbm>>
      %dma_start3A_740 = arith.constant 0 : i32
      %dma_start3A_741 = arith.constant 0 : i32
      %dma_start3A_742 = tpu.memref_slice %dma_start3A_739[%add3A_717, %dma_start3A_740, %dma_start3A_741] : memref<100x64x128xf32, #tpu.memory_space<hbm>> -> memref<1x64x128xf32, #tpu.memory_space<hbm>>
      %dma_start3A_743 = tpu.memref_squeeze %dma_start3A_742 : memref<1x64x128xf32, #tpu.memory_space<hbm>> -> memref<64x128xf32, #tpu.memory_space<hbm>>
      %dma_start3A_744 = arith.constant 0 : i32
      %dma_start3A_745 = arith.constant 0 : i32
      %dma_start3A_746 = tpu.memref_slice %arg6[%dma_start3A_718, %dma_start3A_744, %dma_start3A_745] : memref<14x64x128xf32, #tpu.memory_space<vmem>> -> memref<1x64x128xf32, #tpu.memory_space<vmem>>
      %dma_start3A_747 = tpu.memref_squeeze %dma_start3A_746 : memref<1x64x128xf32, #tpu.memory_space<vmem>> -> memref<64x128xf32, #tpu.memory_space<vmem>>
      tpu.enqueue_dma source(%dma_start3A_747 : memref<64x128xf32, #tpu.memory_space<vmem>>) target(%dma_start3A_743 : memref<64x128xf32, #tpu.memory_space<hbm>>) target_semaphore(%dma_start3A_734 : memref<!tpu.dma_semaphore, #tpu.memory_space<semaphore_mem>>)
      %dma_wait3A_748 = arith.constant 8 : i32
      %dma_wait3A_749 = arith.constant 8 : i32
      %dma_wait3A_750 = arith.constant 0 : i32
      %dma_wait3A_751 = arith.constant 0 : i32
      %dma_wait3A_752 = tpu.memref_slice %arg6[%dma_wait3A_748, %dma_wait3A_750, %dma_wait3A_751] : memref<14x64x128xf32, #tpu.memory_space<vmem>> -> memref<1x64x128xf32, #tpu.memory_space<vmem>>
      %dma_wait3A_753 = tpu.memref_squeeze %dma_wait3A_752 : memref<1x64x128xf32, #tpu.memory_space<vmem>> -> memref<64x128xf32, #tpu.memory_space<vmem>>
      %dma_wait3A_754 = arith.constant 0 : i32
      %dma_wait3A_755 = arith.constant 0 : i32
      %dma_wait3A_756 = tpu.memref_slice %arg3[%dma_wait3A_754, %dma_wait3A_755] : memref<100000x128xf32, #tpu.memory_space<hbm>> -> memref<64x128xf32, #tpu.memory_space<hbm>>
      %dma_wait3A_757 = tpu.memref_slice %arg7[%dma_wait3A_749] : memref<14x!tpu.dma_semaphore, #tpu.memory_space<semaphore_mem>> -> memref<1x!tpu.dma_semaphore, #tpu.memory_space<semaphore_mem>>
      %dma_wait3A_758 = tpu.memref_squeeze %dma_wait3A_757 : memref<1x!tpu.dma_semaphore, #tpu.memory_space<semaphore_mem>> -> memref<!tpu.dma_semaphore, #tpu.memory_space<semaphore_mem>>
      %dma_wait3A_759 = arith.constant 0 : i32
      %dma_wait3A_760 = arith.constant 0 : i32
      %dma_wait3A_761 = tpu.memref_slice %arg6[%dma_wait3A_748, %dma_wait3A_759, %dma_wait3A_760] : memref<14x64x128xf32, #tpu.memory_space<vmem>> -> memref<1x64x128xf32, #tpu.memory_space<vmem>>
      %dma_wait3A_762 = tpu.memref_squeeze %dma_wait3A_761 : memref<1x64x128xf32, #tpu.memory_space<vmem>> -> memref<64x128xf32, #tpu.memory_space<vmem>>
      %dma_wait3A_763 = arith.constant 0 : i32
      %dma_wait3A_764 = arith.constant 0 : i32
      %dma_wait3A_765 = tpu.memref_slice %arg3[%dma_wait3A_763, %dma_wait3A_764] : memref<100000x128xf32, #tpu.memory_space<hbm>> -> memref<64x128xf32, #tpu.memory_space<hbm>>
      tpu.wait_dma2 semaphore(%dma_wait3A_758 : memref<!tpu.dma_semaphore, #tpu.memory_space<semaphore_mem>>) src(%dma_wait3A_765 : memref<64x128xf32, #tpu.memory_space<hbm>>) dst(%dma_wait3A_762 : memref<64x128xf32, #tpu.memory_space<vmem>>)
      %add3A_766 = arith.constant 8 : i32
      %add3A_767 = arith.addi %mul3A_347, %add3A_766 : i32
      %dma_start3A_768 = arith.constant 8 : i32
      %dma_start3A_769 = arith.constant 8 : i32
      %dma_start3A_770 = arith.constant 0 : i32
      %dma_start3A_771 = arith.constant 0 : i32
      %dma_start3A_772 = tpu.memref_slice %arg6[%dma_start3A_768, %dma_start3A_770, %dma_start3A_771] : memref<14x64x128xf32, #tpu.memory_space<vmem>> -> memref<1x64x128xf32, #tpu.memory_space<vmem>>
      %dma_start3A_773 = tpu.memref_squeeze %dma_start3A_772 : memref<1x64x128xf32, #tpu.memory_space<vmem>> -> memref<64x128xf32, #tpu.memory_space<vmem>>
      %dma_start3A_774 = arith.constant 0 : i32
      %dma_start3A_775 = arith.constant 0 : i32
      %dma_start3A_776 = arith.constant 0 : i32
      %dma_start3A_777 = tpu.memref_slice %arg4[%add3A, %dma_start3A_774, %dma_start3A_775, %dma_start3A_776] : memref<32x100x64x128xf32, #tpu.memory_space<hbm>> -> memref<1x100x64x128xf32, #tpu.memory_space<hbm>>
      %dma_start3A_778 = tpu.memref_squeeze %dma_start3A_777 : memref<1x100x64x128xf32, #tpu.memory_space<hbm>> -> memref<100x64x128xf32, #tpu.memory_space<hbm>>
      %dma_start3A_779 = arith.constant 0 : i32
      %dma_start3A_780 = arith.constant 0 : i32
      %dma_start3A_781 = tpu.memref_slice %dma_start3A_778[%add3A_767, %dma_start3A_779, %dma_start3A_780] : memref<100x64x128xf32, #tpu.memory_space<hbm>> -> memref<1x64x128xf32, #tpu.memory_space<hbm>>
      %dma_start3A_782 = tpu.memref_squeeze %dma_start3A_781 : memref<1x64x128xf32, #tpu.memory_space<hbm>> -> memref<64x128xf32, #tpu.memory_space<hbm>>
      %dma_start3A_783 = tpu.memref_slice %arg8[%dma_start3A_769] : memref<14x!tpu.dma_semaphore, #tpu.memory_space<semaphore_mem>> -> memref<1x!tpu.dma_semaphore, #tpu.memory_space<semaphore_mem>>
      %dma_start3A_784 = tpu.memref_squeeze %dma_start3A_783 : memref<1x!tpu.dma_semaphore, #tpu.memory_space<semaphore_mem>> -> memref<!tpu.dma_semaphore, #tpu.memory_space<semaphore_mem>>
      %dma_start3A_785 = arith.constant 0 : i32
      %dma_start3A_786 = arith.constant 0 : i32
      %dma_start3A_787 = arith.constant 0 : i32
      %dma_start3A_788 = tpu.memref_slice %arg4[%add3A, %dma_start3A_785, %dma_start3A_786, %dma_start3A_787] : memref<32x100x64x128xf32, #tpu.memory_space<hbm>> -> memref<1x100x64x128xf32, #tpu.memory_space<hbm>>
      %dma_start3A_789 = tpu.memref_squeeze %dma_start3A_788 : memref<1x100x64x128xf32, #tpu.memory_space<hbm>> -> memref<100x64x128xf32, #tpu.memory_space<hbm>>
      %dma_start3A_790 = arith.constant 0 : i32
      %dma_start3A_791 = arith.constant 0 : i32
      %dma_start3A_792 = tpu.memref_slice %dma_start3A_789[%add3A_767, %dma_start3A_790, %dma_start3A_791] : memref<100x64x128xf32, #tpu.memory_space<hbm>> -> memref<1x64x128xf32, #tpu.memory_space<hbm>>
      %dma_start3A_793 = tpu.memref_squeeze %dma_start3A_792 : memref<1x64x128xf32, #tpu.memory_space<hbm>> -> memref<64x128xf32, #tpu.memory_space<hbm>>
      %dma_start3A_794 = arith.constant 0 : i32
      %dma_start3A_795 = arith.constant 0 : i32
      %dma_start3A_796 = tpu.memref_slice %arg6[%dma_start3A_768, %dma_start3A_794, %dma_start3A_795] : memref<14x64x128xf32, #tpu.memory_space<vmem>> -> memref<1x64x128xf32, #tpu.memory_space<vmem>>
      %dma_start3A_797 = tpu.memref_squeeze %dma_start3A_796 : memref<1x64x128xf32, #tpu.memory_space<vmem>> -> memref<64x128xf32, #tpu.memory_space<vmem>>
      tpu.enqueue_dma source(%dma_start3A_797 : memref<64x128xf32, #tpu.memory_space<vmem>>) target(%dma_start3A_793 : memref<64x128xf32, #tpu.memory_space<hbm>>) target_semaphore(%dma_start3A_784 : memref<!tpu.dma_semaphore, #tpu.memory_space<semaphore_mem>>)
      %dma_wait3A_798 = arith.constant 9 : i32
      %dma_wait3A_799 = arith.constant 9 : i32
      %dma_wait3A_800 = arith.constant 0 : i32
      %dma_wait3A_801 = arith.constant 0 : i32
      %dma_wait3A_802 = tpu.memref_slice %arg6[%dma_wait3A_798, %dma_wait3A_800, %dma_wait3A_801] : memref<14x64x128xf32, #tpu.memory_space<vmem>> -> memref<1x64x128xf32, #tpu.memory_space<vmem>>
      %dma_wait3A_803 = tpu.memref_squeeze %dma_wait3A_802 : memref<1x64x128xf32, #tpu.memory_space<vmem>> -> memref<64x128xf32, #tpu.memory_space<vmem>>
      %dma_wait3A_804 = arith.constant 0 : i32
      %dma_wait3A_805 = arith.constant 0 : i32
      %dma_wait3A_806 = tpu.memref_slice %arg3[%dma_wait3A_804, %dma_wait3A_805] : memref<100000x128xf32, #tpu.memory_space<hbm>> -> memref<64x128xf32, #tpu.memory_space<hbm>>
      %dma_wait3A_807 = tpu.memref_slice %arg7[%dma_wait3A_799] : memref<14x!tpu.dma_semaphore, #tpu.memory_space<semaphore_mem>> -> memref<1x!tpu.dma_semaphore, #tpu.memory_space<semaphore_mem>>
      %dma_wait3A_808 = tpu.memref_squeeze %dma_wait3A_807 : memref<1x!tpu.dma_semaphore, #tpu.memory_space<semaphore_mem>> -> memref<!tpu.dma_semaphore, #tpu.memory_space<semaphore_mem>>
      %dma_wait3A_809 = arith.constant 0 : i32
      %dma_wait3A_810 = arith.constant 0 : i32
      %dma_wait3A_811 = tpu.memref_slice %arg6[%dma_wait3A_798, %dma_wait3A_809, %dma_wait3A_810] : memref<14x64x128xf32, #tpu.memory_space<vmem>> -> memref<1x64x128xf32, #tpu.memory_space<vmem>>
      %dma_wait3A_812 = tpu.memref_squeeze %dma_wait3A_811 : memref<1x64x128xf32, #tpu.memory_space<vmem>> -> memref<64x128xf32, #tpu.memory_space<vmem>>
      %dma_wait3A_813 = arith.constant 0 : i32
      %dma_wait3A_814 = arith.constant 0 : i32
      %dma_wait3A_815 = tpu.memref_slice %arg3[%dma_wait3A_813, %dma_wait3A_814] : memref<100000x128xf32, #tpu.memory_space<hbm>> -> memref<64x128xf32, #tpu.memory_space<hbm>>
      tpu.wait_dma2 semaphore(%dma_wait3A_808 : memref<!tpu.dma_semaphore, #tpu.memory_space<semaphore_mem>>) src(%dma_wait3A_815 : memref<64x128xf32, #tpu.memory_space<hbm>>) dst(%dma_wait3A_812 : memref<64x128xf32, #tpu.memory_space<vmem>>)
      %add3A_816 = arith.constant 9 : i32
      %add3A_817 = arith.addi %mul3A_347, %add3A_816 : i32
      %dma_start3A_818 = arith.constant 9 : i32
      %dma_start3A_819 = arith.constant 9 : i32
      %dma_start3A_820 = arith.constant 0 : i32
      %dma_start3A_821 = arith.constant 0 : i32
      %dma_start3A_822 = tpu.memref_slice %arg6[%dma_start3A_818, %dma_start3A_820, %dma_start3A_821] : memref<14x64x128xf32, #tpu.memory_space<vmem>> -> memref<1x64x128xf32, #tpu.memory_space<vmem>>
      %dma_start3A_823 = tpu.memref_squeeze %dma_start3A_822 : memref<1x64x128xf32, #tpu.memory_space<vmem>> -> memref<64x128xf32, #tpu.memory_space<vmem>>
      %dma_start3A_824 = arith.constant 0 : i32
      %dma_start3A_825 = arith.constant 0 : i32
      %dma_start3A_826 = arith.constant 0 : i32
      %dma_start3A_827 = tpu.memref_slice %arg4[%add3A, %dma_start3A_824, %dma_start3A_825, %dma_start3A_826] : memref<32x100x64x128xf32, #tpu.memory_space<hbm>> -> memref<1x100x64x128xf32, #tpu.memory_space<hbm>>
      %dma_start3A_828 = tpu.memref_squeeze %dma_start3A_827 : memref<1x100x64x128xf32, #tpu.memory_space<hbm>> -> memref<100x64x128xf32, #tpu.memory_space<hbm>>
      %dma_start3A_829 = arith.constant 0 : i32
      %dma_start3A_830 = arith.constant 0 : i32
      %dma_start3A_831 = tpu.memref_slice %dma_start3A_828[%add3A_817, %dma_start3A_829, %dma_start3A_830] : memref<100x64x128xf32, #tpu.memory_space<hbm>> -> memref<1x64x128xf32, #tpu.memory_space<hbm>>
      %dma_start3A_832 = tpu.memref_squeeze %dma_start3A_831 : memref<1x64x128xf32, #tpu.memory_space<hbm>> -> memref<64x128xf32, #tpu.memory_space<hbm>>
      %dma_start3A_833 = tpu.memref_slice %arg8[%dma_start3A_819] : memref<14x!tpu.dma_semaphore, #tpu.memory_space<semaphore_mem>> -> memref<1x!tpu.dma_semaphore, #tpu.memory_space<semaphore_mem>>
      %dma_start3A_834 = tpu.memref_squeeze %dma_start3A_833 : memref<1x!tpu.dma_semaphore, #tpu.memory_space<semaphore_mem>> -> memref<!tpu.dma_semaphore, #tpu.memory_space<semaphore_mem>>
      %dma_start3A_835 = arith.constant 0 : i32
      %dma_start3A_836 = arith.constant 0 : i32
      %dma_start3A_837 = arith.constant 0 : i32
      %dma_start3A_838 = tpu.memref_slice %arg4[%add3A, %dma_start3A_835, %dma_start3A_836, %dma_start3A_837] : memref<32x100x64x128xf32, #tpu.memory_space<hbm>> -> memref<1x100x64x128xf32, #tpu.memory_space<hbm>>
      %dma_start3A_839 = tpu.memref_squeeze %dma_start3A_838 : memref<1x100x64x128xf32, #tpu.memory_space<hbm>> -> memref<100x64x128xf32, #tpu.memory_space<hbm>>
      %dma_start3A_840 = arith.constant 0 : i32
      %dma_start3A_841 = arith.constant 0 : i32
      %dma_start3A_842 = tpu.memref_slice %dma_start3A_839[%add3A_817, %dma_start3A_840, %dma_start3A_841] : memref<100x64x128xf32, #tpu.memory_space<hbm>> -> memref<1x64x128xf32, #tpu.memory_space<hbm>>
      %dma_start3A_843 = tpu.memref_squeeze %dma_start3A_842 : memref<1x64x128xf32, #tpu.memory_space<hbm>> -> memref<64x128xf32, #tpu.memory_space<hbm>>
      %dma_start3A_844 = arith.constant 0 : i32
      %dma_start3A_845 = arith.constant 0 : i32
      %dma_start3A_846 = tpu.memref_slice %arg6[%dma_start3A_818, %dma_start3A_844, %dma_start3A_845] : memref<14x64x128xf32, #tpu.memory_space<vmem>> -> memref<1x64x128xf32, #tpu.memory_space<vmem>>
      %dma_start3A_847 = tpu.memref_squeeze %dma_start3A_846 : memref<1x64x128xf32, #tpu.memory_space<vmem>> -> memref<64x128xf32, #tpu.memory_space<vmem>>
      tpu.enqueue_dma source(%dma_start3A_847 : memref<64x128xf32, #tpu.memory_space<vmem>>) target(%dma_start3A_843 : memref<64x128xf32, #tpu.memory_space<hbm>>) target_semaphore(%dma_start3A_834 : memref<!tpu.dma_semaphore, #tpu.memory_space<semaphore_mem>>)
      %dma_wait3A_848 = arith.constant 10 : i32
      %dma_wait3A_849 = arith.constant 10 : i32
      %dma_wait3A_850 = arith.constant 0 : i32
      %dma_wait3A_851 = arith.constant 0 : i32
      %dma_wait3A_852 = tpu.memref_slice %arg6[%dma_wait3A_848, %dma_wait3A_850, %dma_wait3A_851] : memref<14x64x128xf32, #tpu.memory_space<vmem>> -> memref<1x64x128xf32, #tpu.memory_space<vmem>>
      %dma_wait3A_853 = tpu.memref_squeeze %dma_wait3A_852 : memref<1x64x128xf32, #tpu.memory_space<vmem>> -> memref<64x128xf32, #tpu.memory_space<vmem>>
      %dma_wait3A_854 = arith.constant 0 : i32
      %dma_wait3A_855 = arith.constant 0 : i32
      %dma_wait3A_856 = tpu.memref_slice %arg3[%dma_wait3A_854, %dma_wait3A_855] : memref<100000x128xf32, #tpu.memory_space<hbm>> -> memref<64x128xf32, #tpu.memory_space<hbm>>
      %dma_wait3A_857 = tpu.memref_slice %arg7[%dma_wait3A_849] : memref<14x!tpu.dma_semaphore, #tpu.memory_space<semaphore_mem>> -> memref<1x!tpu.dma_semaphore, #tpu.memory_space<semaphore_mem>>
      %dma_wait3A_858 = tpu.memref_squeeze %dma_wait3A_857 : memref<1x!tpu.dma_semaphore, #tpu.memory_space<semaphore_mem>> -> memref<!tpu.dma_semaphore, #tpu.memory_space<semaphore_mem>>
      %dma_wait3A_859 = arith.constant 0 : i32
      %dma_wait3A_860 = arith.constant 0 : i32
      %dma_wait3A_861 = tpu.memref_slice %arg6[%dma_wait3A_848, %dma_wait3A_859, %dma_wait3A_860] : memref<14x64x128xf32, #tpu.memory_space<vmem>> -> memref<1x64x128xf32, #tpu.memory_space<vmem>>
      %dma_wait3A_862 = tpu.memref_squeeze %dma_wait3A_861 : memref<1x64x128xf32, #tpu.memory_space<vmem>> -> memref<64x128xf32, #tpu.memory_space<vmem>>
      %dma_wait3A_863 = arith.constant 0 : i32
      %dma_wait3A_864 = arith.constant 0 : i32
      %dma_wait3A_865 = tpu.memref_slice %arg3[%dma_wait3A_863, %dma_wait3A_864] : memref<100000x128xf32, #tpu.memory_space<hbm>> -> memref<64x128xf32, #tpu.memory_space<hbm>>
      tpu.wait_dma2 semaphore(%dma_wait3A_858 : memref<!tpu.dma_semaphore, #tpu.memory_space<semaphore_mem>>) src(%dma_wait3A_865 : memref<64x128xf32, #tpu.memory_space<hbm>>) dst(%dma_wait3A_862 : memref<64x128xf32, #tpu.memory_space<vmem>>)
      %add3A_866 = arith.constant 10 : i32
      %add3A_867 = arith.addi %mul3A_347, %add3A_866 : i32
      %dma_start3A_868 = arith.constant 10 : i32
      %dma_start3A_869 = arith.constant 10 : i32
      %dma_start3A_870 = arith.constant 0 : i32
      %dma_start3A_871 = arith.constant 0 : i32
      %dma_start3A_872 = tpu.memref_slice %arg6[%dma_start3A_868, %dma_start3A_870, %dma_start3A_871] : memref<14x64x128xf32, #tpu.memory_space<vmem>> -> memref<1x64x128xf32, #tpu.memory_space<vmem>>
      %dma_start3A_873 = tpu.memref_squeeze %dma_start3A_872 : memref<1x64x128xf32, #tpu.memory_space<vmem>> -> memref<64x128xf32, #tpu.memory_space<vmem>>
      %dma_start3A_874 = arith.constant 0 : i32
      %dma_start3A_875 = arith.constant 0 : i32
      %dma_start3A_876 = arith.constant 0 : i32
      %dma_start3A_877 = tpu.memref_slice %arg4[%add3A, %dma_start3A_874, %dma_start3A_875, %dma_start3A_876] : memref<32x100x64x128xf32, #tpu.memory_space<hbm>> -> memref<1x100x64x128xf32, #tpu.memory_space<hbm>>
      %dma_start3A_878 = tpu.memref_squeeze %dma_start3A_877 : memref<1x100x64x128xf32, #tpu.memory_space<hbm>> -> memref<100x64x128xf32, #tpu.memory_space<hbm>>
      %dma_start3A_879 = arith.constant 0 : i32
      %dma_start3A_880 = arith.constant 0 : i32
      %dma_start3A_881 = tpu.memref_slice %dma_start3A_878[%add3A_867, %dma_start3A_879, %dma_start3A_880] : memref<100x64x128xf32, #tpu.memory_space<hbm>> -> memref<1x64x128xf32, #tpu.memory_space<hbm>>
      %dma_start3A_882 = tpu.memref_squeeze %dma_start3A_881 : memref<1x64x128xf32, #tpu.memory_space<hbm>> -> memref<64x128xf32, #tpu.memory_space<hbm>>
      %dma_start3A_883 = tpu.memref_slice %arg8[%dma_start3A_869] : memref<14x!tpu.dma_semaphore, #tpu.memory_space<semaphore_mem>> -> memref<1x!tpu.dma_semaphore, #tpu.memory_space<semaphore_mem>>
      %dma_start3A_884 = tpu.memref_squeeze %dma_start3A_883 : memref<1x!tpu.dma_semaphore, #tpu.memory_space<semaphore_mem>> -> memref<!tpu.dma_semaphore, #tpu.memory_space<semaphore_mem>>
      %dma_start3A_885 = arith.constant 0 : i32
      %dma_start3A_886 = arith.constant 0 : i32
      %dma_start3A_887 = arith.constant 0 : i32
      %dma_start3A_888 = tpu.memref_slice %arg4[%add3A, %dma_start3A_885, %dma_start3A_886, %dma_start3A_887] : memref<32x100x64x128xf32, #tpu.memory_space<hbm>> -> memref<1x100x64x128xf32, #tpu.memory_space<hbm>>
      %dma_start3A_889 = tpu.memref_squeeze %dma_start3A_888 : memref<1x100x64x128xf32, #tpu.memory_space<hbm>> -> memref<100x64x128xf32, #tpu.memory_space<hbm>>
      %dma_start3A_890 = arith.constant 0 : i32
      %dma_start3A_891 = arith.constant 0 : i32
      %dma_start3A_892 = tpu.memref_slice %dma_start3A_889[%add3A_867, %dma_start3A_890, %dma_start3A_891] : memref<100x64x128xf32, #tpu.memory_space<hbm>> -> memref<1x64x128xf32, #tpu.memory_space<hbm>>
      %dma_start3A_893 = tpu.memref_squeeze %dma_start3A_892 : memref<1x64x128xf32, #tpu.memory_space<hbm>> -> memref<64x128xf32, #tpu.memory_space<hbm>>
      %dma_start3A_894 = arith.constant 0 : i32
      %dma_start3A_895 = arith.constant 0 : i32
      %dma_start3A_896 = tpu.memref_slice %arg6[%dma_start3A_868, %dma_start3A_894, %dma_start3A_895] : memref<14x64x128xf32, #tpu.memory_space<vmem>> -> memref<1x64x128xf32, #tpu.memory_space<vmem>>
      %dma_start3A_897 = tpu.memref_squeeze %dma_start3A_896 : memref<1x64x128xf32, #tpu.memory_space<vmem>> -> memref<64x128xf32, #tpu.memory_space<vmem>>
      tpu.enqueue_dma source(%dma_start3A_897 : memref<64x128xf32, #tpu.memory_space<vmem>>) target(%dma_start3A_893 : memref<64x128xf32, #tpu.memory_space<hbm>>) target_semaphore(%dma_start3A_884 : memref<!tpu.dma_semaphore, #tpu.memory_space<semaphore_mem>>)
      %dma_wait3A_898 = arith.constant 11 : i32
      %dma_wait3A_899 = arith.constant 11 : i32
      %dma_wait3A_900 = arith.constant 0 : i32
      %dma_wait3A_901 = arith.constant 0 : i32
      %dma_wait3A_902 = tpu.memref_slice %arg6[%dma_wait3A_898, %dma_wait3A_900, %dma_wait3A_901] : memref<14x64x128xf32, #tpu.memory_space<vmem>> -> memref<1x64x128xf32, #tpu.memory_space<vmem>>
      %dma_wait3A_903 = tpu.memref_squeeze %dma_wait3A_902 : memref<1x64x128xf32, #tpu.memory_space<vmem>> -> memref<64x128xf32, #tpu.memory_space<vmem>>
      %dma_wait3A_904 = arith.constant 0 : i32
      %dma_wait3A_905 = arith.constant 0 : i32
      %dma_wait3A_906 = tpu.memref_slice %arg3[%dma_wait3A_904, %dma_wait3A_905] : memref<100000x128xf32, #tpu.memory_space<hbm>> -> memref<64x128xf32, #tpu.memory_space<hbm>>
      %dma_wait3A_907 = tpu.memref_slice %arg7[%dma_wait3A_899] : memref<14x!tpu.dma_semaphore, #tpu.memory_space<semaphore_mem>> -> memref<1x!tpu.dma_semaphore, #tpu.memory_space<semaphore_mem>>
      %dma_wait3A_908 = tpu.memref_squeeze %dma_wait3A_907 : memref<1x!tpu.dma_semaphore, #tpu.memory_space<semaphore_mem>> -> memref<!tpu.dma_semaphore, #tpu.memory_space<semaphore_mem>>
      %dma_wait3A_909 = arith.constant 0 : i32
      %dma_wait3A_910 = arith.constant 0 : i32
      %dma_wait3A_911 = tpu.memref_slice %arg6[%dma_wait3A_898, %dma_wait3A_909, %dma_wait3A_910] : memref<14x64x128xf32, #tpu.memory_space<vmem>> -> memref<1x64x128xf32, #tpu.memory_space<vmem>>
      %dma_wait3A_912 = tpu.memref_squeeze %dma_wait3A_911 : memref<1x64x128xf32, #tpu.memory_space<vmem>> -> memref<64x128xf32, #tpu.memory_space<vmem>>
      %dma_wait3A_913 = arith.constant 0 : i32
      %dma_wait3A_914 = arith.constant 0 : i32
      %dma_wait3A_915 = tpu.memref_slice %arg3[%dma_wait3A_913, %dma_wait3A_914] : memref<100000x128xf32, #tpu.memory_space<hbm>> -> memref<64x128xf32, #tpu.memory_space<hbm>>
      tpu.wait_dma2 semaphore(%dma_wait3A_908 : memref<!tpu.dma_semaphore, #tpu.memory_space<semaphore_mem>>) src(%dma_wait3A_915 : memref<64x128xf32, #tpu.memory_space<hbm>>) dst(%dma_wait3A_912 : memref<64x128xf32, #tpu.memory_space<vmem>>)
      %add3A_916 = arith.constant 11 : i32
      %add3A_917 = arith.addi %mul3A_347, %add3A_916 : i32
      %dma_start3A_918 = arith.constant 11 : i32
      %dma_start3A_919 = arith.constant 11 : i32
      %dma_start3A_920 = arith.constant 0 : i32
      %dma_start3A_921 = arith.constant 0 : i32
      %dma_start3A_922 = tpu.memref_slice %arg6[%dma_start3A_918, %dma_start3A_920, %dma_start3A_921] : memref<14x64x128xf32, #tpu.memory_space<vmem>> -> memref<1x64x128xf32, #tpu.memory_space<vmem>>
      %dma_start3A_923 = tpu.memref_squeeze %dma_start3A_922 : memref<1x64x128xf32, #tpu.memory_space<vmem>> -> memref<64x128xf32, #tpu.memory_space<vmem>>
      %dma_start3A_924 = arith.constant 0 : i32
      %dma_start3A_925 = arith.constant 0 : i32
      %dma_start3A_926 = arith.constant 0 : i32
      %dma_start3A_927 = tpu.memref_slice %arg4[%add3A, %dma_start3A_924, %dma_start3A_925, %dma_start3A_926] : memref<32x100x64x128xf32, #tpu.memory_space<hbm>> -> memref<1x100x64x128xf32, #tpu.memory_space<hbm>>
      %dma_start3A_928 = tpu.memref_squeeze %dma_start3A_927 : memref<1x100x64x128xf32, #tpu.memory_space<hbm>> -> memref<100x64x128xf32, #tpu.memory_space<hbm>>
      %dma_start3A_929 = arith.constant 0 : i32
      %dma_start3A_930 = arith.constant 0 : i32
      %dma_start3A_931 = tpu.memref_slice %dma_start3A_928[%add3A_917, %dma_start3A_929, %dma_start3A_930] : memref<100x64x128xf32, #tpu.memory_space<hbm>> -> memref<1x64x128xf32, #tpu.memory_space<hbm>>
      %dma_start3A_932 = tpu.memref_squeeze %dma_start3A_931 : memref<1x64x128xf32, #tpu.memory_space<hbm>> -> memref<64x128xf32, #tpu.memory_space<hbm>>
      %dma_start3A_933 = tpu.memref_slice %arg8[%dma_start3A_919] : memref<14x!tpu.dma_semaphore, #tpu.memory_space<semaphore_mem>> -> memref<1x!tpu.dma_semaphore, #tpu.memory_space<semaphore_mem>>
      %dma_start3A_934 = tpu.memref_squeeze %dma_start3A_933 : memref<1x!tpu.dma_semaphore, #tpu.memory_space<semaphore_mem>> -> memref<!tpu.dma_semaphore, #tpu.memory_space<semaphore_mem>>
      %dma_start3A_935 = arith.constant 0 : i32
      %dma_start3A_936 = arith.constant 0 : i32
      %dma_start3A_937 = arith.constant 0 : i32
      %dma_start3A_938 = tpu.memref_slice %arg4[%add3A, %dma_start3A_935, %dma_start3A_936, %dma_start3A_937] : memref<32x100x64x128xf32, #tpu.memory_space<hbm>> -> memref<1x100x64x128xf32, #tpu.memory_space<hbm>>
      %dma_start3A_939 = tpu.memref_squeeze %dma_start3A_938 : memref<1x100x64x128xf32, #tpu.memory_space<hbm>> -> memref<100x64x128xf32, #tpu.memory_space<hbm>>
      %dma_start3A_940 = arith.constant 0 : i32
      %dma_start3A_941 = arith.constant 0 : i32
      %dma_start3A_942 = tpu.memref_slice %dma_start3A_939[%add3A_917, %dma_start3A_940, %dma_start3A_941] : memref<100x64x128xf32, #tpu.memory_space<hbm>> -> memref<1x64x128xf32, #tpu.memory_space<hbm>>
      %dma_start3A_943 = tpu.memref_squeeze %dma_start3A_942 : memref<1x64x128xf32, #tpu.memory_space<hbm>> -> memref<64x128xf32, #tpu.memory_space<hbm>>
      %dma_start3A_944 = arith.constant 0 : i32
      %dma_start3A_945 = arith.constant 0 : i32
      %dma_start3A_946 = tpu.memref_slice %arg6[%dma_start3A_918, %dma_start3A_944, %dma_start3A_945] : memref<14x64x128xf32, #tpu.memory_space<vmem>> -> memref<1x64x128xf32, #tpu.memory_space<vmem>>
      %dma_start3A_947 = tpu.memref_squeeze %dma_start3A_946 : memref<1x64x128xf32, #tpu.memory_space<vmem>> -> memref<64x128xf32, #tpu.memory_space<vmem>>
      tpu.enqueue_dma source(%dma_start3A_947 : memref<64x128xf32, #tpu.memory_space<vmem>>) target(%dma_start3A_943 : memref<64x128xf32, #tpu.memory_space<hbm>>) target_semaphore(%dma_start3A_934 : memref<!tpu.dma_semaphore, #tpu.memory_space<semaphore_mem>>)
      %dma_wait3A_948 = arith.constant 12 : i32
      %dma_wait3A_949 = arith.constant 12 : i32
      %dma_wait3A_950 = arith.constant 0 : i32
      %dma_wait3A_951 = arith.constant 0 : i32
      %dma_wait3A_952 = tpu.memref_slice %arg6[%dma_wait3A_948, %dma_wait3A_950, %dma_wait3A_951] : memref<14x64x128xf32, #tpu.memory_space<vmem>> -> memref<1x64x128xf32, #tpu.memory_space<vmem>>
      %dma_wait3A_953 = tpu.memref_squeeze %dma_wait3A_952 : memref<1x64x128xf32, #tpu.memory_space<vmem>> -> memref<64x128xf32, #tpu.memory_space<vmem>>
      %dma_wait3A_954 = arith.constant 0 : i32
      %dma_wait3A_955 = arith.constant 0 : i32
      %dma_wait3A_956 = tpu.memref_slice %arg3[%dma_wait3A_954, %dma_wait3A_955] : memref<100000x128xf32, #tpu.memory_space<hbm>> -> memref<64x128xf32, #tpu.memory_space<hbm>>
      %dma_wait3A_957 = tpu.memref_slice %arg7[%dma_wait3A_949] : memref<14x!tpu.dma_semaphore, #tpu.memory_space<semaphore_mem>> -> memref<1x!tpu.dma_semaphore, #tpu.memory_space<semaphore_mem>>
      %dma_wait3A_958 = tpu.memref_squeeze %dma_wait3A_957 : memref<1x!tpu.dma_semaphore, #tpu.memory_space<semaphore_mem>> -> memref<!tpu.dma_semaphore, #tpu.memory_space<semaphore_mem>>
      %dma_wait3A_959 = arith.constant 0 : i32
      %dma_wait3A_960 = arith.constant 0 : i32
      %dma_wait3A_961 = tpu.memref_slice %arg6[%dma_wait3A_948, %dma_wait3A_959, %dma_wait3A_960] : memref<14x64x128xf32, #tpu.memory_space<vmem>> -> memref<1x64x128xf32, #tpu.memory_space<vmem>>
      %dma_wait3A_962 = tpu.memref_squeeze %dma_wait3A_961 : memref<1x64x128xf32, #tpu.memory_space<vmem>> -> memref<64x128xf32, #tpu.memory_space<vmem>>
      %dma_wait3A_963 = arith.constant 0 : i32
      %dma_wait3A_964 = arith.constant 0 : i32
      %dma_wait3A_965 = tpu.memref_slice %arg3[%dma_wait3A_963, %dma_wait3A_964] : memref<100000x128xf32, #tpu.memory_space<hbm>> -> memref<64x128xf32, #tpu.memory_space<hbm>>
      tpu.wait_dma2 semaphore(%dma_wait3A_958 : memref<!tpu.dma_semaphore, #tpu.memory_space<semaphore_mem>>) src(%dma_wait3A_965 : memref<64x128xf32, #tpu.memory_space<hbm>>) dst(%dma_wait3A_962 : memref<64x128xf32, #tpu.memory_space<vmem>>)
      %add3A_966 = arith.constant 12 : i32
      %add3A_967 = arith.addi %mul3A_347, %add3A_966 : i32
      %dma_start3A_968 = arith.constant 12 : i32
      %dma_start3A_969 = arith.constant 12 : i32
      %dma_start3A_970 = arith.constant 0 : i32
      %dma_start3A_971 = arith.constant 0 : i32
      %dma_start3A_972 = tpu.memref_slice %arg6[%dma_start3A_968, %dma_start3A_970, %dma_start3A_971] : memref<14x64x128xf32, #tpu.memory_space<vmem>> -> memref<1x64x128xf32, #tpu.memory_space<vmem>>
      %dma_start3A_973 = tpu.memref_squeeze %dma_start3A_972 : memref<1x64x128xf32, #tpu.memory_space<vmem>> -> memref<64x128xf32, #tpu.memory_space<vmem>>
      %dma_start3A_974 = arith.constant 0 : i32
      %dma_start3A_975 = arith.constant 0 : i32
      %dma_start3A_976 = arith.constant 0 : i32
      %dma_start3A_977 = tpu.memref_slice %arg4[%add3A, %dma_start3A_974, %dma_start3A_975, %dma_start3A_976] : memref<32x100x64x128xf32, #tpu.memory_space<hbm>> -> memref<1x100x64x128xf32, #tpu.memory_space<hbm>>
      %dma_start3A_978 = tpu.memref_squeeze %dma_start3A_977 : memref<1x100x64x128xf32, #tpu.memory_space<hbm>> -> memref<100x64x128xf32, #tpu.memory_space<hbm>>
      %dma_start3A_979 = arith.constant 0 : i32
      %dma_start3A_980 = arith.constant 0 : i32
      %dma_start3A_981 = tpu.memref_slice %dma_start3A_978[%add3A_967, %dma_start3A_979, %dma_start3A_980] : memref<100x64x128xf32, #tpu.memory_space<hbm>> -> memref<1x64x128xf32, #tpu.memory_space<hbm>>
      %dma_start3A_982 = tpu.memref_squeeze %dma_start3A_981 : memref<1x64x128xf32, #tpu.memory_space<hbm>> -> memref<64x128xf32, #tpu.memory_space<hbm>>
      %dma_start3A_983 = tpu.memref_slice %arg8[%dma_start3A_969] : memref<14x!tpu.dma_semaphore, #tpu.memory_space<semaphore_mem>> -> memref<1x!tpu.dma_semaphore, #tpu.memory_space<semaphore_mem>>
      %dma_start3A_984 = tpu.memref_squeeze %dma_start3A_983 : memref<1x!tpu.dma_semaphore, #tpu.memory_space<semaphore_mem>> -> memref<!tpu.dma_semaphore, #tpu.memory_space<semaphore_mem>>
      %dma_start3A_985 = arith.constant 0 : i32
      %dma_start3A_986 = arith.constant 0 : i32
      %dma_start3A_987 = arith.constant 0 : i32
      %dma_start3A_988 = tpu.memref_slice %arg4[%add3A, %dma_start3A_985, %dma_start3A_986, %dma_start3A_987] : memref<32x100x64x128xf32, #tpu.memory_space<hbm>> -> memref<1x100x64x128xf32, #tpu.memory_space<hbm>>
      %dma_start3A_989 = tpu.memref_squeeze %dma_start3A_988 : memref<1x100x64x128xf32, #tpu.memory_space<hbm>> -> memref<100x64x128xf32, #tpu.memory_space<hbm>>
      %dma_start3A_990 = arith.constant 0 : i32
      %dma_start3A_991 = arith.constant 0 : i32
      %dma_start3A_992 = tpu.memref_slice %dma_start3A_989[%add3A_967, %dma_start3A_990, %dma_start3A_991] : memref<100x64x128xf32, #tpu.memory_space<hbm>> -> memref<1x64x128xf32, #tpu.memory_space<hbm>>
      %dma_start3A_993 = tpu.memref_squeeze %dma_start3A_992 : memref<1x64x128xf32, #tpu.memory_space<hbm>> -> memref<64x128xf32, #tpu.memory_space<hbm>>
      %dma_start3A_994 = arith.constant 0 : i32
      %dma_start3A_995 = arith.constant 0 : i32
      %dma_start3A_996 = tpu.memref_slice %arg6[%dma_start3A_968, %dma_start3A_994, %dma_start3A_995] : memref<14x64x128xf32, #tpu.memory_space<vmem>> -> memref<1x64x128xf32, #tpu.memory_space<vmem>>
      %dma_start3A_997 = tpu.memref_squeeze %dma_start3A_996 : memref<1x64x128xf32, #tpu.memory_space<vmem>> -> memref<64x128xf32, #tpu.memory_space<vmem>>
      tpu.enqueue_dma source(%dma_start3A_997 : memref<64x128xf32, #tpu.memory_space<vmem>>) target(%dma_start3A_993 : memref<64x128xf32, #tpu.memory_space<hbm>>) target_semaphore(%dma_start3A_984 : memref<!tpu.dma_semaphore, #tpu.memory_space<semaphore_mem>>)
      %dma_wait3A_998 = arith.constant 13 : i32
      %dma_wait3A_999 = arith.constant 13 : i32
      %dma_wait3A_1000 = arith.constant 0 : i32
      %dma_wait3A_1001 = arith.constant 0 : i32
      %dma_wait3A_1002 = tpu.memref_slice %arg6[%dma_wait3A_998, %dma_wait3A_1000, %dma_wait3A_1001] : memref<14x64x128xf32, #tpu.memory_space<vmem>> -> memref<1x64x128xf32, #tpu.memory_space<vmem>>
      %dma_wait3A_1003 = tpu.memref_squeeze %dma_wait3A_1002 : memref<1x64x128xf32, #tpu.memory_space<vmem>> -> memref<64x128xf32, #tpu.memory_space<vmem>>
      %dma_wait3A_1004 = arith.constant 0 : i32
      %dma_wait3A_1005 = arith.constant 0 : i32
      %dma_wait3A_1006 = tpu.memref_slice %arg3[%dma_wait3A_1004, %dma_wait3A_1005] : memref<100000x128xf32, #tpu.memory_space<hbm>> -> memref<64x128xf32, #tpu.memory_space<hbm>>
      %dma_wait3A_1007 = tpu.memref_slice %arg7[%dma_wait3A_999] : memref<14x!tpu.dma_semaphore, #tpu.memory_space<semaphore_mem>> -> memref<1x!tpu.dma_semaphore, #tpu.memory_space<semaphore_mem>>
      %dma_wait3A_1008 = tpu.memref_squeeze %dma_wait3A_1007 : memref<1x!tpu.dma_semaphore, #tpu.memory_space<semaphore_mem>> -> memref<!tpu.dma_semaphore, #tpu.memory_space<semaphore_mem>>
      %dma_wait3A_1009 = arith.constant 0 : i32
      %dma_wait3A_1010 = arith.constant 0 : i32
      %dma_wait3A_1011 = tpu.memref_slice %arg6[%dma_wait3A_998, %dma_wait3A_1009, %dma_wait3A_1010] : memref<14x64x128xf32, #tpu.memory_space<vmem>> -> memref<1x64x128xf32, #tpu.memory_space<vmem>>
      %dma_wait3A_1012 = tpu.memref_squeeze %dma_wait3A_1011 : memref<1x64x128xf32, #tpu.memory_space<vmem>> -> memref<64x128xf32, #tpu.memory_space<vmem>>
      %dma_wait3A_1013 = arith.constant 0 : i32
      %dma_wait3A_1014 = arith.constant 0 : i32
      %dma_wait3A_1015 = tpu.memref_slice %arg3[%dma_wait3A_1013, %dma_wait3A_1014] : memref<100000x128xf32, #tpu.memory_space<hbm>> -> memref<64x128xf32, #tpu.memory_space<hbm>>
      tpu.wait_dma2 semaphore(%dma_wait3A_1008 : memref<!tpu.dma_semaphore, #tpu.memory_space<semaphore_mem>>) src(%dma_wait3A_1015 : memref<64x128xf32, #tpu.memory_space<hbm>>) dst(%dma_wait3A_1012 : memref<64x128xf32, #tpu.memory_space<vmem>>)
      %add3A_1016 = arith.constant 13 : i32
      %add3A_1017 = arith.addi %mul3A_347, %add3A_1016 : i32
      %dma_start3A_1018 = arith.constant 13 : i32
      %dma_start3A_1019 = arith.constant 13 : i32
      %dma_start3A_1020 = arith.constant 0 : i32
      %dma_start3A_1021 = arith.constant 0 : i32
      %dma_start3A_1022 = tpu.memref_slice %arg6[%dma_start3A_1018, %dma_start3A_1020, %dma_start3A_1021] : memref<14x64x128xf32, #tpu.memory_space<vmem>> -> memref<1x64x128xf32, #tpu.memory_space<vmem>>
      %dma_start3A_1023 = tpu.memref_squeeze %dma_start3A_1022 : memref<1x64x128xf32, #tpu.memory_space<vmem>> -> memref<64x128xf32, #tpu.memory_space<vmem>>
      %dma_start3A_1024 = arith.constant 0 : i32
      %dma_start3A_1025 = arith.constant 0 : i32
      %dma_start3A_1026 = arith.constant 0 : i32
      %dma_start3A_1027 = tpu.memref_slice %arg4[%add3A, %dma_start3A_1024, %dma_start3A_1025, %dma_start3A_1026] : memref<32x100x64x128xf32, #tpu.memory_space<hbm>> -> memref<1x100x64x128xf32, #tpu.memory_space<hbm>>
      %dma_start3A_1028 = tpu.memref_squeeze %dma_start3A_1027 : memref<1x100x64x128xf32, #tpu.memory_space<hbm>> -> memref<100x64x128xf32, #tpu.memory_space<hbm>>
      %dma_start3A_1029 = arith.constant 0 : i32
      %dma_start3A_1030 = arith.constant 0 : i32
      %dma_start3A_1031 = tpu.memref_slice %dma_start3A_1028[%add3A_1017, %dma_start3A_1029, %dma_start3A_1030] : memref<100x64x128xf32, #tpu.memory_space<hbm>> -> memref<1x64x128xf32, #tpu.memory_space<hbm>>
      %dma_start3A_1032 = tpu.memref_squeeze %dma_start3A_1031 : memref<1x64x128xf32, #tpu.memory_space<hbm>> -> memref<64x128xf32, #tpu.memory_space<hbm>>
      %dma_start3A_1033 = tpu.memref_slice %arg8[%dma_start3A_1019] : memref<14x!tpu.dma_semaphore, #tpu.memory_space<semaphore_mem>> -> memref<1x!tpu.dma_semaphore, #tpu.memory_space<semaphore_mem>>
      %dma_start3A_1034 = tpu.memref_squeeze %dma_start3A_1033 : memref<1x!tpu.dma_semaphore, #tpu.memory_space<semaphore_mem>> -> memref<!tpu.dma_semaphore, #tpu.memory_space<semaphore_mem>>
      %dma_start3A_1035 = arith.constant 0 : i32
      %dma_start3A_1036 = arith.constant 0 : i32
      %dma_start3A_1037 = arith.constant 0 : i32
      %dma_start3A_1038 = tpu.memref_slice %arg4[%add3A, %dma_start3A_1035, %dma_start3A_1036, %dma_start3A_1037] : memref<32x100x64x128xf32, #tpu.memory_space<hbm>> -> memref<1x100x64x128xf32, #tpu.memory_space<hbm>>
      %dma_start3A_1039 = tpu.memref_squeeze %dma_start3A_1038 : memref<1x100x64x128xf32, #tpu.memory_space<hbm>> -> memref<100x64x128xf32, #tpu.memory_space<hbm>>
      %dma_start3A_1040 = arith.constant 0 : i32
      %dma_start3A_1041 = arith.constant 0 : i32
      %dma_start3A_1042 = tpu.memref_slice %dma_start3A_1039[%add3A_1017, %dma_start3A_1040, %dma_start3A_1041] : memref<100x64x128xf32, #tpu.memory_space<hbm>> -> memref<1x64x128xf32, #tpu.memory_space<hbm>>
      %dma_start3A_1043 = tpu.memref_squeeze %dma_start3A_1042 : memref<1x64x128xf32, #tpu.memory_space<hbm>> -> memref<64x128xf32, #tpu.memory_space<hbm>>
      %dma_start3A_1044 = arith.constant 0 : i32
      %dma_start3A_1045 = arith.constant 0 : i32
      %dma_start3A_1046 = tpu.memref_slice %arg6[%dma_start3A_1018, %dma_start3A_1044, %dma_start3A_1045] : memref<14x64x128xf32, #tpu.memory_space<vmem>> -> memref<1x64x128xf32, #tpu.memory_space<vmem>>
      %dma_start3A_1047 = tpu.memref_squeeze %dma_start3A_1046 : memref<1x64x128xf32, #tpu.memory_space<vmem>> -> memref<64x128xf32, #tpu.memory_space<vmem>>
      tpu.enqueue_dma source(%dma_start3A_1047 : memref<64x128xf32, #tpu.memory_space<vmem>>) target(%dma_start3A_1043 : memref<64x128xf32, #tpu.memory_space<hbm>>) target_semaphore(%dma_start3A_1034 : memref<!tpu.dma_semaphore, #tpu.memory_space<semaphore_mem>>)
      %dma_wait3A_1048 = arith.constant 0 : i32
      %dma_wait3A_1049 = arith.constant 0 : i32
      %dma_wait3A_1050 = arith.constant 0 : i32
      %dma_wait3A_1051 = arith.constant 0 : i32
      %dma_wait3A_1052 = arith.constant 0 : i32
      %dma_wait3A_1053 = tpu.memref_slice %arg6[%dma_wait3A_1048, %dma_wait3A_1051, %dma_wait3A_1052] : memref<14x64x128xf32, #tpu.memory_space<vmem>> -> memref<1x64x128xf32, #tpu.memory_space<vmem>>
      %dma_wait3A_1054 = tpu.memref_squeeze %dma_wait3A_1053 : memref<1x64x128xf32, #tpu.memory_space<vmem>> -> memref<64x128xf32, #tpu.memory_space<vmem>>
      %dma_wait3A_1055 = arith.constant 0 : i32
      %dma_wait3A_1056 = arith.constant 0 : i32
      %dma_wait3A_1057 = arith.constant 0 : i32
      %dma_wait3A_1058 = tpu.memref_slice %arg4[%add3A, %dma_wait3A_1055, %dma_wait3A_1056, %dma_wait3A_1057] : memref<32x100x64x128xf32, #tpu.memory_space<hbm>> -> memref<1x100x64x128xf32, #tpu.memory_space<hbm>>
      %dma_wait3A_1059 = tpu.memref_squeeze %dma_wait3A_1058 : memref<1x100x64x128xf32, #tpu.memory_space<hbm>> -> memref<100x64x128xf32, #tpu.memory_space<hbm>>
      %dma_wait3A_1060 = arith.constant 0 : i32
      %dma_wait3A_1061 = arith.constant 0 : i32
      %dma_wait3A_1062 = tpu.memref_slice %dma_wait3A_1059[%dma_wait3A_1049, %dma_wait3A_1060, %dma_wait3A_1061] : memref<100x64x128xf32, #tpu.memory_space<hbm>> -> memref<1x64x128xf32, #tpu.memory_space<hbm>>
      %dma_wait3A_1063 = tpu.memref_squeeze %dma_wait3A_1062 : memref<1x64x128xf32, #tpu.memory_space<hbm>> -> memref<64x128xf32, #tpu.memory_space<hbm>>
      %dma_wait3A_1064 = tpu.memref_slice %arg8[%dma_wait3A_1050] : memref<14x!tpu.dma_semaphore, #tpu.memory_space<semaphore_mem>> -> memref<1x!tpu.dma_semaphore, #tpu.memory_space<semaphore_mem>>
      %dma_wait3A_1065 = tpu.memref_squeeze %dma_wait3A_1064 : memref<1x!tpu.dma_semaphore, #tpu.memory_space<semaphore_mem>> -> memref<!tpu.dma_semaphore, #tpu.memory_space<semaphore_mem>>
      %dma_wait3A_1066 = arith.constant 0 : i32
      %dma_wait3A_1067 = arith.constant 0 : i32
      %dma_wait3A_1068 = arith.constant 0 : i32
      %dma_wait3A_1069 = tpu.memref_slice %arg4[%add3A, %dma_wait3A_1066, %dma_wait3A_1067, %dma_wait3A_1068] : memref<32x100x64x128xf32, #tpu.memory_space<hbm>> -> memref<1x100x64x128xf32, #tpu.memory_space<hbm>>
      %dma_wait3A_1070 = tpu.memref_squeeze %dma_wait3A_1069 : memref<1x100x64x128xf32, #tpu.memory_space<hbm>> -> memref<100x64x128xf32, #tpu.memory_space<hbm>>
      %dma_wait3A_1071 = arith.constant 0 : i32
      %dma_wait3A_1072 = arith.constant 0 : i32
      %dma_wait3A_1073 = tpu.memref_slice %dma_wait3A_1070[%dma_wait3A_1049, %dma_wait3A_1071, %dma_wait3A_1072] : memref<100x64x128xf32, #tpu.memory_space<hbm>> -> memref<1x64x128xf32, #tpu.memory_space<hbm>>
      %dma_wait3A_1074 = tpu.memref_squeeze %dma_wait3A_1073 : memref<1x64x128xf32, #tpu.memory_space<hbm>> -> memref<64x128xf32, #tpu.memory_space<hbm>>
      %dma_wait3A_1075 = arith.constant 0 : i32
      %dma_wait3A_1076 = arith.constant 0 : i32
      %dma_wait3A_1077 = tpu.memref_slice %arg6[%dma_wait3A_1048, %dma_wait3A_1075, %dma_wait3A_1076] : memref<14x64x128xf32, #tpu.memory_space<vmem>> -> memref<1x64x128xf32, #tpu.memory_space<vmem>>
      %dma_wait3A_1078 = tpu.memref_squeeze %dma_wait3A_1077 : memref<1x64x128xf32, #tpu.memory_space<vmem>> -> memref<64x128xf32, #tpu.memory_space<vmem>>
      tpu.wait_dma2 semaphore(%dma_wait3A_1065 : memref<!tpu.dma_semaphore, #tpu.memory_space<semaphore_mem>>) src(%dma_wait3A_1078 : memref<64x128xf32, #tpu.memory_space<vmem>>) dst(%dma_wait3A_1074 : memref<64x128xf32, #tpu.memory_space<hbm>>)
      %add3A_1079 = arith.constant 14 : i32
      %add3A_1080 = arith.addi %mul3A_347, %add3A_1079 : i32
      %add3A_1081 = arith.constant 0 : i32
      %add3A_1082 = arith.addi %add3A_1080, %add3A_1081 : i32
      %lt3A = arith.constant 100 : i32
      %lt3A_1083 = arith.cmpi slt, %add3A_1082, %lt3A : i32
      %convert_element_type3A = arith.extui %lt3A_1083 : i1 to i32
      %cond3A = arith.constant 0 : i32
      %cond3A_1084 = arith.cmpi ne, %convert_element_type3A, %cond3A : i32
      scf.if %cond3A_1084 {
        %add3A_1605 = arith.constant 14 : i32
        %add3A_1606 = arith.addi %mul3A_347, %add3A_1605 : i32
        %add3A_1607 = arith.constant 0 : i32
        %add3A_1608 = arith.addi %add3A_1606, %add3A_1607 : i32
        %mul3A_1609 = arith.constant 64 : i32
        %mul3A_1610 = arith.muli %add3A_1608, %mul3A_1609 : i32
        %dma_start3A_1611 = arith.constant 0 : i32
        %dma_start3A_1612 = arith.constant 0 : i32
        %dma_start3A_1613 = arith.constant 0 : i32
        %dma_start3A_1614 = arith.constant 0 : i32
        %dma_start3A_1615 = tpu.memref_slice %arg6[%dma_start3A_1611, %dma_start3A_1613, %dma_start3A_1614] : memref<14x64x128xf32, #tpu.memory_space<vmem>> -> memref<1x64x128xf32, #tpu.memory_space<vmem>>
        %dma_start3A_1616 = tpu.memref_squeeze %dma_start3A_1615 : memref<1x64x128xf32, #tpu.memory_space<vmem>> -> memref<64x128xf32, #tpu.memory_space<vmem>>
        %dma_start3A_1617 = tpu.memref_slice %arg5[%mul3A_1610] : memref<6400xi32, #tpu.memory_space<vmem>> -> memref<64xi32, #tpu.memory_space<vmem>>
        %dma_start3A_1618 = arith.constant 0 : i32
        %dma_start3A_1619 = arith.constant 0 : i32
        %dma_start3A_1620 = tpu.memref_slice %arg3[%dma_start3A_1618, %dma_start3A_1619] : memref<100000x128xf32, #tpu.memory_space<hbm>> -> memref<100000x128xf32, #tpu.memory_space<hbm>>
        %dma_start3A_1621 = tpu.memref_slice %arg7[%dma_start3A_1612] : memref<14x!tpu.dma_semaphore, #tpu.memory_space<semaphore_mem>> -> memref<1x!tpu.dma_semaphore, #tpu.memory_space<semaphore_mem>>
        %dma_start3A_1622 = tpu.memref_squeeze %dma_start3A_1621 : memref<1x!tpu.dma_semaphore, #tpu.memory_space<semaphore_mem>> -> memref<!tpu.dma_semaphore, #tpu.memory_space<semaphore_mem>>
        tpu.enqueue_indirect_dma source(%dma_start3A_1620 : memref<100000x128xf32, #tpu.memory_space<hbm>>) target(%dma_start3A_1616 : memref<64x128xf32, #tpu.memory_space<vmem>>) offsets(%dma_start3A_1617 : memref<64xi32, #tpu.memory_space<vmem>>) semaphore(%dma_start3A_1622 : memref<!tpu.dma_semaphore, #tpu.memory_space<semaphore_mem>>)
      } else {
      }
      %dma_wait3A_1085 = arith.constant 1 : i32
      %dma_wait3A_1086 = arith.constant 0 : i32
      %dma_wait3A_1087 = arith.constant 1 : i32
      %dma_wait3A_1088 = arith.constant 0 : i32
      %dma_wait3A_1089 = arith.constant 0 : i32
      %dma_wait3A_1090 = tpu.memref_slice %arg6[%dma_wait3A_1085, %dma_wait3A_1088, %dma_wait3A_1089] : memref<14x64x128xf32, #tpu.memory_space<vmem>> -> memref<1x64x128xf32, #tpu.memory_space<vmem>>
      %dma_wait3A_1091 = tpu.memref_squeeze %dma_wait3A_1090 : memref<1x64x128xf32, #tpu.memory_space<vmem>> -> memref<64x128xf32, #tpu.memory_space<vmem>>
      %dma_wait3A_1092 = arith.constant 0 : i32
      %dma_wait3A_1093 = arith.constant 0 : i32
      %dma_wait3A_1094 = arith.constant 0 : i32
      %dma_wait3A_1095 = tpu.memref_slice %arg4[%add3A, %dma_wait3A_1092, %dma_wait3A_1093, %dma_wait3A_1094] : memref<32x100x64x128xf32, #tpu.memory_space<hbm>> -> memref<1x100x64x128xf32, #tpu.memory_space<hbm>>
      %dma_wait3A_1096 = tpu.memref_squeeze %dma_wait3A_1095 : memref<1x100x64x128xf32, #tpu.memory_space<hbm>> -> memref<100x64x128xf32, #tpu.memory_space<hbm>>
      %dma_wait3A_1097 = arith.constant 0 : i32
      %dma_wait3A_1098 = arith.constant 0 : i32
      %dma_wait3A_1099 = tpu.memref_slice %dma_wait3A_1096[%dma_wait3A_1086, %dma_wait3A_1097, %dma_wait3A_1098] : memref<100x64x128xf32, #tpu.memory_space<hbm>> -> memref<1x64x128xf32, #tpu.memory_space<hbm>>
      %dma_wait3A_1100 = tpu.memref_squeeze %dma_wait3A_1099 : memref<1x64x128xf32, #tpu.memory_space<hbm>> -> memref<64x128xf32, #tpu.memory_space<hbm>>
      %dma_wait3A_1101 = tpu.memref_slice %arg8[%dma_wait3A_1087] : memref<14x!tpu.dma_semaphore, #tpu.memory_space<semaphore_mem>> -> memref<1x!tpu.dma_semaphore, #tpu.memory_space<semaphore_mem>>
      %dma_wait3A_1102 = tpu.memref_squeeze %dma_wait3A_1101 : memref<1x!tpu.dma_semaphore, #tpu.memory_space<semaphore_mem>> -> memref<!tpu.dma_semaphore, #tpu.memory_space<semaphore_mem>>
      %dma_wait3A_1103 = arith.constant 0 : i32
      %dma_wait3A_1104 = arith.constant 0 : i32
      %dma_wait3A_1105 = arith.constant 0 : i32
      %dma_wait3A_1106 = tpu.memref_slice %arg4[%add3A, %dma_wait3A_1103, %dma_wait3A_1104, %dma_wait3A_1105] : memref<32x100x64x128xf32, #tpu.memory_space<hbm>> -> memref<1x100x64x128xf32, #tpu.memory_space<hbm>>
      %dma_wait3A_1107 = tpu.memref_squeeze %dma_wait3A_1106 : memref<1x100x64x128xf32, #tpu.memory_space<hbm>> -> memref<100x64x128xf32, #tpu.memory_space<hbm>>
      %dma_wait3A_1108 = arith.constant 0 : i32
      %dma_wait3A_1109 = arith.constant 0 : i32
      %dma_wait3A_1110 = tpu.memref_slice %dma_wait3A_1107[%dma_wait3A_1086, %dma_wait3A_1108, %dma_wait3A_1109] : memref<100x64x128xf32, #tpu.memory_space<hbm>> -> memref<1x64x128xf32, #tpu.memory_space<hbm>>
      %dma_wait3A_1111 = tpu.memref_squeeze %dma_wait3A_1110 : memref<1x64x128xf32, #tpu.memory_space<hbm>> -> memref<64x128xf32, #tpu.memory_space<hbm>>
      %dma_wait3A_1112 = arith.constant 0 : i32
      %dma_wait3A_1113 = arith.constant 0 : i32
      %dma_wait3A_1114 = tpu.memref_slice %arg6[%dma_wait3A_1085, %dma_wait3A_1112, %dma_wait3A_1113] : memref<14x64x128xf32, #tpu.memory_space<vmem>> -> memref<1x64x128xf32, #tpu.memory_space<vmem>>
      %dma_wait3A_1115 = tpu.memref_squeeze %dma_wait3A_1114 : memref<1x64x128xf32, #tpu.memory_space<vmem>> -> memref<64x128xf32, #tpu.memory_space<vmem>>
      tpu.wait_dma2 semaphore(%dma_wait3A_1102 : memref<!tpu.dma_semaphore, #tpu.memory_space<semaphore_mem>>) src(%dma_wait3A_1115 : memref<64x128xf32, #tpu.memory_space<vmem>>) dst(%dma_wait3A_1111 : memref<64x128xf32, #tpu.memory_space<hbm>>)
      %add3A_1116 = arith.constant 14 : i32
      %add3A_1117 = arith.addi %mul3A_347, %add3A_1116 : i32
      %add3A_1118 = arith.constant 1 : i32
      %add3A_1119 = arith.addi %add3A_1117, %add3A_1118 : i32
      %lt3A_1120 = arith.constant 100 : i32
      %lt3A_1121 = arith.cmpi slt, %add3A_1119, %lt3A_1120 : i32
      %convert_element_type3A_1122 = arith.extui %lt3A_1121 : i1 to i32
      %cond3A_1123 = arith.constant 0 : i32
      %cond3A_1124 = arith.cmpi ne, %convert_element_type3A_1122, %cond3A_1123 : i32
      scf.if %cond3A_1124 {
        %add3A_1605 = arith.constant 14 : i32
        %add3A_1606 = arith.addi %mul3A_347, %add3A_1605 : i32
        %add3A_1607 = arith.constant 1 : i32
        %add3A_1608 = arith.addi %add3A_1606, %add3A_1607 : i32
        %mul3A_1609 = arith.constant 64 : i32
        %mul3A_1610 = arith.muli %add3A_1608, %mul3A_1609 : i32
        %dma_start3A_1611 = arith.constant 1 : i32
        %dma_start3A_1612 = arith.constant 1 : i32
        %dma_start3A_1613 = arith.constant 0 : i32
        %dma_start3A_1614 = arith.constant 0 : i32
        %dma_start3A_1615 = tpu.memref_slice %arg6[%dma_start3A_1611, %dma_start3A_1613, %dma_start3A_1614] : memref<14x64x128xf32, #tpu.memory_space<vmem>> -> memref<1x64x128xf32, #tpu.memory_space<vmem>>
        %dma_start3A_1616 = tpu.memref_squeeze %dma_start3A_1615 : memref<1x64x128xf32, #tpu.memory_space<vmem>> -> memref<64x128xf32, #tpu.memory_space<vmem>>
        %dma_start3A_1617 = tpu.memref_slice %arg5[%mul3A_1610] : memref<6400xi32, #tpu.memory_space<vmem>> -> memref<64xi32, #tpu.memory_space<vmem>>
        %dma_start3A_1618 = arith.constant 0 : i32
        %dma_start3A_1619 = arith.constant 0 : i32
        %dma_start3A_1620 = tpu.memref_slice %arg3[%dma_start3A_1618, %dma_start3A_1619] : memref<100000x128xf32, #tpu.memory_space<hbm>> -> memref<100000x128xf32, #tpu.memory_space<hbm>>
        %dma_start3A_1621 = tpu.memref_slice %arg7[%dma_start3A_1612] : memref<14x!tpu.dma_semaphore, #tpu.memory_space<semaphore_mem>> -> memref<1x!tpu.dma_semaphore, #tpu.memory_space<semaphore_mem>>
        %dma_start3A_1622 = tpu.memref_squeeze %dma_start3A_1621 : memref<1x!tpu.dma_semaphore, #tpu.memory_space<semaphore_mem>> -> memref<!tpu.dma_semaphore, #tpu.memory_space<semaphore_mem>>
        tpu.enqueue_indirect_dma source(%dma_start3A_1620 : memref<100000x128xf32, #tpu.memory_space<hbm>>) target(%dma_start3A_1616 : memref<64x128xf32, #tpu.memory_space<vmem>>) offsets(%dma_start3A_1617 : memref<64xi32, #tpu.memory_space<vmem>>) semaphore(%dma_start3A_1622 : memref<!tpu.dma_semaphore, #tpu.memory_space<semaphore_mem>>)
      } else {
      }
      %dma_wait3A_1125 = arith.constant 2 : i32
      %dma_wait3A_1126 = arith.constant 0 : i32
      %dma_wait3A_1127 = arith.constant 2 : i32
      %dma_wait3A_1128 = arith.constant 0 : i32
      %dma_wait3A_1129 = arith.constant 0 : i32
      %dma_wait3A_1130 = tpu.memref_slice %arg6[%dma_wait3A_1125, %dma_wait3A_1128, %dma_wait3A_1129] : memref<14x64x128xf32, #tpu.memory_space<vmem>> -> memref<1x64x128xf32, #tpu.memory_space<vmem>>
      %dma_wait3A_1131 = tpu.memref_squeeze %dma_wait3A_1130 : memref<1x64x128xf32, #tpu.memory_space<vmem>> -> memref<64x128xf32, #tpu.memory_space<vmem>>
      %dma_wait3A_1132 = arith.constant 0 : i32
      %dma_wait3A_1133 = arith.constant 0 : i32
      %dma_wait3A_1134 = arith.constant 0 : i32
      %dma_wait3A_1135 = tpu.memref_slice %arg4[%add3A, %dma_wait3A_1132, %dma_wait3A_1133, %dma_wait3A_1134] : memref<32x100x64x128xf32, #tpu.memory_space<hbm>> -> memref<1x100x64x128xf32, #tpu.memory_space<hbm>>
      %dma_wait3A_1136 = tpu.memref_squeeze %dma_wait3A_1135 : memref<1x100x64x128xf32, #tpu.memory_space<hbm>> -> memref<100x64x128xf32, #tpu.memory_space<hbm>>
      %dma_wait3A_1137 = arith.constant 0 : i32
      %dma_wait3A_1138 = arith.constant 0 : i32
      %dma_wait3A_1139 = tpu.memref_slice %dma_wait3A_1136[%dma_wait3A_1126, %dma_wait3A_1137, %dma_wait3A_1138] : memref<100x64x128xf32, #tpu.memory_space<hbm>> -> memref<1x64x128xf32, #tpu.memory_space<hbm>>
      %dma_wait3A_1140 = tpu.memref_squeeze %dma_wait3A_1139 : memref<1x64x128xf32, #tpu.memory_space<hbm>> -> memref<64x128xf32, #tpu.memory_space<hbm>>
      %dma_wait3A_1141 = tpu.memref_slice %arg8[%dma_wait3A_1127] : memref<14x!tpu.dma_semaphore, #tpu.memory_space<semaphore_mem>> -> memref<1x!tpu.dma_semaphore, #tpu.memory_space<semaphore_mem>>
      %dma_wait3A_1142 = tpu.memref_squeeze %dma_wait3A_1141 : memref<1x!tpu.dma_semaphore, #tpu.memory_space<semaphore_mem>> -> memref<!tpu.dma_semaphore, #tpu.memory_space<semaphore_mem>>
      %dma_wait3A_1143 = arith.constant 0 : i32
      %dma_wait3A_1144 = arith.constant 0 : i32
      %dma_wait3A_1145 = arith.constant 0 : i32
      %dma_wait3A_1146 = tpu.memref_slice %arg4[%add3A, %dma_wait3A_1143, %dma_wait3A_1144, %dma_wait3A_1145] : memref<32x100x64x128xf32, #tpu.memory_space<hbm>> -> memref<1x100x64x128xf32, #tpu.memory_space<hbm>>
      %dma_wait3A_1147 = tpu.memref_squeeze %dma_wait3A_1146 : memref<1x100x64x128xf32, #tpu.memory_space<hbm>> -> memref<100x64x128xf32, #tpu.memory_space<hbm>>
      %dma_wait3A_1148 = arith.constant 0 : i32
      %dma_wait3A_1149 = arith.constant 0 : i32
      %dma_wait3A_1150 = tpu.memref_slice %dma_wait3A_1147[%dma_wait3A_1126, %dma_wait3A_1148, %dma_wait3A_1149] : memref<100x64x128xf32, #tpu.memory_space<hbm>> -> memref<1x64x128xf32, #tpu.memory_space<hbm>>
      %dma_wait3A_1151 = tpu.memref_squeeze %dma_wait3A_1150 : memref<1x64x128xf32, #tpu.memory_space<hbm>> -> memref<64x128xf32, #tpu.memory_space<hbm>>
      %dma_wait3A_1152 = arith.constant 0 : i32
      %dma_wait3A_1153 = arith.constant 0 : i32
      %dma_wait3A_1154 = tpu.memref_slice %arg6[%dma_wait3A_1125, %dma_wait3A_1152, %dma_wait3A_1153] : memref<14x64x128xf32, #tpu.memory_space<vmem>> -> memref<1x64x128xf32, #tpu.memory_space<vmem>>
      %dma_wait3A_1155 = tpu.memref_squeeze %dma_wait3A_1154 : memref<1x64x128xf32, #tpu.memory_space<vmem>> -> memref<64x128xf32, #tpu.memory_space<vmem>>
      tpu.wait_dma2 semaphore(%dma_wait3A_1142 : memref<!tpu.dma_semaphore, #tpu.memory_space<semaphore_mem>>) src(%dma_wait3A_1155 : memref<64x128xf32, #tpu.memory_space<vmem>>) dst(%dma_wait3A_1151 : memref<64x128xf32, #tpu.memory_space<hbm>>)
      %add3A_1156 = arith.constant 14 : i32
      %add3A_1157 = arith.addi %mul3A_347, %add3A_1156 : i32
      %add3A_1158 = arith.constant 2 : i32
      %add3A_1159 = arith.addi %add3A_1157, %add3A_1158 : i32
      %lt3A_1160 = arith.constant 100 : i32
      %lt3A_1161 = arith.cmpi slt, %add3A_1159, %lt3A_1160 : i32
      %convert_element_type3A_1162 = arith.extui %lt3A_1161 : i1 to i32
      %cond3A_1163 = arith.constant 0 : i32
      %cond3A_1164 = arith.cmpi ne, %convert_element_type3A_1162, %cond3A_1163 : i32
      scf.if %cond3A_1164 {
        %add3A_1605 = arith.constant 14 : i32
        %add3A_1606 = arith.addi %mul3A_347, %add3A_1605 : i32
        %add3A_1607 = arith.constant 2 : i32
        %add3A_1608 = arith.addi %add3A_1606, %add3A_1607 : i32
        %mul3A_1609 = arith.constant 64 : i32
        %mul3A_1610 = arith.muli %add3A_1608, %mul3A_1609 : i32
        %dma_start3A_1611 = arith.constant 2 : i32
        %dma_start3A_1612 = arith.constant 2 : i32
        %dma_start3A_1613 = arith.constant 0 : i32
        %dma_start3A_1614 = arith.constant 0 : i32
        %dma_start3A_1615 = tpu.memref_slice %arg6[%dma_start3A_1611, %dma_start3A_1613, %dma_start3A_1614] : memref<14x64x128xf32, #tpu.memory_space<vmem>> -> memref<1x64x128xf32, #tpu.memory_space<vmem>>
        %dma_start3A_1616 = tpu.memref_squeeze %dma_start3A_1615 : memref<1x64x128xf32, #tpu.memory_space<vmem>> -> memref<64x128xf32, #tpu.memory_space<vmem>>
        %dma_start3A_1617 = tpu.memref_slice %arg5[%mul3A_1610] : memref<6400xi32, #tpu.memory_space<vmem>> -> memref<64xi32, #tpu.memory_space<vmem>>
        %dma_start3A_1618 = arith.constant 0 : i32
        %dma_start3A_1619 = arith.constant 0 : i32
        %dma_start3A_1620 = tpu.memref_slice %arg3[%dma_start3A_1618, %dma_start3A_1619] : memref<100000x128xf32, #tpu.memory_space<hbm>> -> memref<100000x128xf32, #tpu.memory_space<hbm>>
        %dma_start3A_1621 = tpu.memref_slice %arg7[%dma_start3A_1612] : memref<14x!tpu.dma_semaphore, #tpu.memory_space<semaphore_mem>> -> memref<1x!tpu.dma_semaphore, #tpu.memory_space<semaphore_mem>>
        %dma_start3A_1622 = tpu.memref_squeeze %dma_start3A_1621 : memref<1x!tpu.dma_semaphore, #tpu.memory_space<semaphore_mem>> -> memref<!tpu.dma_semaphore, #tpu.memory_space<semaphore_mem>>
        tpu.enqueue_indirect_dma source(%dma_start3A_1620 : memref<100000x128xf32, #tpu.memory_space<hbm>>) target(%dma_start3A_1616 : memref<64x128xf32, #tpu.memory_space<vmem>>) offsets(%dma_start3A_1617 : memref<64xi32, #tpu.memory_space<vmem>>) semaphore(%dma_start3A_1622 : memref<!tpu.dma_semaphore, #tpu.memory_space<semaphore_mem>>)
      } else {
      }
      %dma_wait3A_1165 = arith.constant 3 : i32
      %dma_wait3A_1166 = arith.constant 0 : i32
      %dma_wait3A_1167 = arith.constant 3 : i32
      %dma_wait3A_1168 = arith.constant 0 : i32
      %dma_wait3A_1169 = arith.constant 0 : i32
      %dma_wait3A_1170 = tpu.memref_slice %arg6[%dma_wait3A_1165, %dma_wait3A_1168, %dma_wait3A_1169] : memref<14x64x128xf32, #tpu.memory_space<vmem>> -> memref<1x64x128xf32, #tpu.memory_space<vmem>>
      %dma_wait3A_1171 = tpu.memref_squeeze %dma_wait3A_1170 : memref<1x64x128xf32, #tpu.memory_space<vmem>> -> memref<64x128xf32, #tpu.memory_space<vmem>>
      %dma_wait3A_1172 = arith.constant 0 : i32
      %dma_wait3A_1173 = arith.constant 0 : i32
      %dma_wait3A_1174 = arith.constant 0 : i32
      %dma_wait3A_1175 = tpu.memref_slice %arg4[%add3A, %dma_wait3A_1172, %dma_wait3A_1173, %dma_wait3A_1174] : memref<32x100x64x128xf32, #tpu.memory_space<hbm>> -> memref<1x100x64x128xf32, #tpu.memory_space<hbm>>
      %dma_wait3A_1176 = tpu.memref_squeeze %dma_wait3A_1175 : memref<1x100x64x128xf32, #tpu.memory_space<hbm>> -> memref<100x64x128xf32, #tpu.memory_space<hbm>>
      %dma_wait3A_1177 = arith.constant 0 : i32
      %dma_wait3A_1178 = arith.constant 0 : i32
      %dma_wait3A_1179 = tpu.memref_slice %dma_wait3A_1176[%dma_wait3A_1166, %dma_wait3A_1177, %dma_wait3A_1178] : memref<100x64x128xf32, #tpu.memory_space<hbm>> -> memref<1x64x128xf32, #tpu.memory_space<hbm>>
      %dma_wait3A_1180 = tpu.memref_squeeze %dma_wait3A_1179 : memref<1x64x128xf32, #tpu.memory_space<hbm>> -> memref<64x128xf32, #tpu.memory_space<hbm>>
      %dma_wait3A_1181 = tpu.memref_slice %arg8[%dma_wait3A_1167] : memref<14x!tpu.dma_semaphore, #tpu.memory_space<semaphore_mem>> -> memref<1x!tpu.dma_semaphore, #tpu.memory_space<semaphore_mem>>
      %dma_wait3A_1182 = tpu.memref_squeeze %dma_wait3A_1181 : memref<1x!tpu.dma_semaphore, #tpu.memory_space<semaphore_mem>> -> memref<!tpu.dma_semaphore, #tpu.memory_space<semaphore_mem>>
      %dma_wait3A_1183 = arith.constant 0 : i32
      %dma_wait3A_1184 = arith.constant 0 : i32
      %dma_wait3A_1185 = arith.constant 0 : i32
      %dma_wait3A_1186 = tpu.memref_slice %arg4[%add3A, %dma_wait3A_1183, %dma_wait3A_1184, %dma_wait3A_1185] : memref<32x100x64x128xf32, #tpu.memory_space<hbm>> -> memref<1x100x64x128xf32, #tpu.memory_space<hbm>>
      %dma_wait3A_1187 = tpu.memref_squeeze %dma_wait3A_1186 : memref<1x100x64x128xf32, #tpu.memory_space<hbm>> -> memref<100x64x128xf32, #tpu.memory_space<hbm>>
      %dma_wait3A_1188 = arith.constant 0 : i32
      %dma_wait3A_1189 = arith.constant 0 : i32
      %dma_wait3A_1190 = tpu.memref_slice %dma_wait3A_1187[%dma_wait3A_1166, %dma_wait3A_1188, %dma_wait3A_1189] : memref<100x64x128xf32, #tpu.memory_space<hbm>> -> memref<1x64x128xf32, #tpu.memory_space<hbm>>
      %dma_wait3A_1191 = tpu.memref_squeeze %dma_wait3A_1190 : memref<1x64x128xf32, #tpu.memory_space<hbm>> -> memref<64x128xf32, #tpu.memory_space<hbm>>
      %dma_wait3A_1192 = arith.constant 0 : i32
      %dma_wait3A_1193 = arith.constant 0 : i32
      %dma_wait3A_1194 = tpu.memref_slice %arg6[%dma_wait3A_1165, %dma_wait3A_1192, %dma_wait3A_1193] : memref<14x64x128xf32, #tpu.memory_space<vmem>> -> memref<1x64x128xf32, #tpu.memory_space<vmem>>
      %dma_wait3A_1195 = tpu.memref_squeeze %dma_wait3A_1194 : memref<1x64x128xf32, #tpu.memory_space<vmem>> -> memref<64x128xf32, #tpu.memory_space<vmem>>
      tpu.wait_dma2 semaphore(%dma_wait3A_1182 : memref<!tpu.dma_semaphore, #tpu.memory_space<semaphore_mem>>) src(%dma_wait3A_1195 : memref<64x128xf32, #tpu.memory_space<vmem>>) dst(%dma_wait3A_1191 : memref<64x128xf32, #tpu.memory_space<hbm>>)
      %add3A_1196 = arith.constant 14 : i32
      %add3A_1197 = arith.addi %mul3A_347, %add3A_1196 : i32
      %add3A_1198 = arith.constant 3 : i32
      %add3A_1199 = arith.addi %add3A_1197, %add3A_1198 : i32
      %lt3A_1200 = arith.constant 100 : i32
      %lt3A_1201 = arith.cmpi slt, %add3A_1199, %lt3A_1200 : i32
      %convert_element_type3A_1202 = arith.extui %lt3A_1201 : i1 to i32
      %cond3A_1203 = arith.constant 0 : i32
      %cond3A_1204 = arith.cmpi ne, %convert_element_type3A_1202, %cond3A_1203 : i32
      scf.if %cond3A_1204 {
        %add3A_1605 = arith.constant 14 : i32
        %add3A_1606 = arith.addi %mul3A_347, %add3A_1605 : i32
        %add3A_1607 = arith.constant 3 : i32
        %add3A_1608 = arith.addi %add3A_1606, %add3A_1607 : i32
        %mul3A_1609 = arith.constant 64 : i32
        %mul3A_1610 = arith.muli %add3A_1608, %mul3A_1609 : i32
        %dma_start3A_1611 = arith.constant 3 : i32
        %dma_start3A_1612 = arith.constant 3 : i32
        %dma_start3A_1613 = arith.constant 0 : i32
        %dma_start3A_1614 = arith.constant 0 : i32
        %dma_start3A_1615 = tpu.memref_slice %arg6[%dma_start3A_1611, %dma_start3A_1613, %dma_start3A_1614] : memref<14x64x128xf32, #tpu.memory_space<vmem>> -> memref<1x64x128xf32, #tpu.memory_space<vmem>>
        %dma_start3A_1616 = tpu.memref_squeeze %dma_start3A_1615 : memref<1x64x128xf32, #tpu.memory_space<vmem>> -> memref<64x128xf32, #tpu.memory_space<vmem>>
        %dma_start3A_1617 = tpu.memref_slice %arg5[%mul3A_1610] : memref<6400xi32, #tpu.memory_space<vmem>> -> memref<64xi32, #tpu.memory_space<vmem>>
        %dma_start3A_1618 = arith.constant 0 : i32
        %dma_start3A_1619 = arith.constant 0 : i32
        %dma_start3A_1620 = tpu.memref_slice %arg3[%dma_start3A_1618, %dma_start3A_1619] : memref<100000x128xf32, #tpu.memory_space<hbm>> -> memref<100000x128xf32, #tpu.memory_space<hbm>>
        %dma_start3A_1621 = tpu.memref_slice %arg7[%dma_start3A_1612] : memref<14x!tpu.dma_semaphore, #tpu.memory_space<semaphore_mem>> -> memref<1x!tpu.dma_semaphore, #tpu.memory_space<semaphore_mem>>
        %dma_start3A_1622 = tpu.memref_squeeze %dma_start3A_1621 : memref<1x!tpu.dma_semaphore, #tpu.memory_space<semaphore_mem>> -> memref<!tpu.dma_semaphore, #tpu.memory_space<semaphore_mem>>
        tpu.enqueue_indirect_dma source(%dma_start3A_1620 : memref<100000x128xf32, #tpu.memory_space<hbm>>) target(%dma_start3A_1616 : memref<64x128xf32, #tpu.memory_space<vmem>>) offsets(%dma_start3A_1617 : memref<64xi32, #tpu.memory_space<vmem>>) semaphore(%dma_start3A_1622 : memref<!tpu.dma_semaphore, #tpu.memory_space<semaphore_mem>>)
      } else {
      }
      %dma_wait3A_1205 = arith.constant 4 : i32
      %dma_wait3A_1206 = arith.constant 0 : i32
      %dma_wait3A_1207 = arith.constant 4 : i32
      %dma_wait3A_1208 = arith.constant 0 : i32
      %dma_wait3A_1209 = arith.constant 0 : i32
      %dma_wait3A_1210 = tpu.memref_slice %arg6[%dma_wait3A_1205, %dma_wait3A_1208, %dma_wait3A_1209] : memref<14x64x128xf32, #tpu.memory_space<vmem>> -> memref<1x64x128xf32, #tpu.memory_space<vmem>>
      %dma_wait3A_1211 = tpu.memref_squeeze %dma_wait3A_1210 : memref<1x64x128xf32, #tpu.memory_space<vmem>> -> memref<64x128xf32, #tpu.memory_space<vmem>>
      %dma_wait3A_1212 = arith.constant 0 : i32
      %dma_wait3A_1213 = arith.constant 0 : i32
      %dma_wait3A_1214 = arith.constant 0 : i32
      %dma_wait3A_1215 = tpu.memref_slice %arg4[%add3A, %dma_wait3A_1212, %dma_wait3A_1213, %dma_wait3A_1214] : memref<32x100x64x128xf32, #tpu.memory_space<hbm>> -> memref<1x100x64x128xf32, #tpu.memory_space<hbm>>
      %dma_wait3A_1216 = tpu.memref_squeeze %dma_wait3A_1215 : memref<1x100x64x128xf32, #tpu.memory_space<hbm>> -> memref<100x64x128xf32, #tpu.memory_space<hbm>>
      %dma_wait3A_1217 = arith.constant 0 : i32
      %dma_wait3A_1218 = arith.constant 0 : i32
      %dma_wait3A_1219 = tpu.memref_slice %dma_wait3A_1216[%dma_wait3A_1206, %dma_wait3A_1217, %dma_wait3A_1218] : memref<100x64x128xf32, #tpu.memory_space<hbm>> -> memref<1x64x128xf32, #tpu.memory_space<hbm>>
      %dma_wait3A_1220 = tpu.memref_squeeze %dma_wait3A_1219 : memref<1x64x128xf32, #tpu.memory_space<hbm>> -> memref<64x128xf32, #tpu.memory_space<hbm>>
      %dma_wait3A_1221 = tpu.memref_slice %arg8[%dma_wait3A_1207] : memref<14x!tpu.dma_semaphore, #tpu.memory_space<semaphore_mem>> -> memref<1x!tpu.dma_semaphore, #tpu.memory_space<semaphore_mem>>
      %dma_wait3A_1222 = tpu.memref_squeeze %dma_wait3A_1221 : memref<1x!tpu.dma_semaphore, #tpu.memory_space<semaphore_mem>> -> memref<!tpu.dma_semaphore, #tpu.memory_space<semaphore_mem>>
      %dma_wait3A_1223 = arith.constant 0 : i32
      %dma_wait3A_1224 = arith.constant 0 : i32
      %dma_wait3A_1225 = arith.constant 0 : i32
      %dma_wait3A_1226 = tpu.memref_slice %arg4[%add3A, %dma_wait3A_1223, %dma_wait3A_1224, %dma_wait3A_1225] : memref<32x100x64x128xf32, #tpu.memory_space<hbm>> -> memref<1x100x64x128xf32, #tpu.memory_space<hbm>>
      %dma_wait3A_1227 = tpu.memref_squeeze %dma_wait3A_1226 : memref<1x100x64x128xf32, #tpu.memory_space<hbm>> -> memref<100x64x128xf32, #tpu.memory_space<hbm>>
      %dma_wait3A_1228 = arith.constant 0 : i32
      %dma_wait3A_1229 = arith.constant 0 : i32
      %dma_wait3A_1230 = tpu.memref_slice %dma_wait3A_1227[%dma_wait3A_1206, %dma_wait3A_1228, %dma_wait3A_1229] : memref<100x64x128xf32, #tpu.memory_space<hbm>> -> memref<1x64x128xf32, #tpu.memory_space<hbm>>
      %dma_wait3A_1231 = tpu.memref_squeeze %dma_wait3A_1230 : memref<1x64x128xf32, #tpu.memory_space<hbm>> -> memref<64x128xf32, #tpu.memory_space<hbm>>
      %dma_wait3A_1232 = arith.constant 0 : i32
      %dma_wait3A_1233 = arith.constant 0 : i32
      %dma_wait3A_1234 = tpu.memref_slice %arg6[%dma_wait3A_1205, %dma_wait3A_1232, %dma_wait3A_1233] : memref<14x64x128xf32, #tpu.memory_space<vmem>> -> memref<1x64x128xf32, #tpu.memory_space<vmem>>
      %dma_wait3A_1235 = tpu.memref_squeeze %dma_wait3A_1234 : memref<1x64x128xf32, #tpu.memory_space<vmem>> -> memref<64x128xf32, #tpu.memory_space<vmem>>
      tpu.wait_dma2 semaphore(%dma_wait3A_1222 : memref<!tpu.dma_semaphore, #tpu.memory_space<semaphore_mem>>) src(%dma_wait3A_1235 : memref<64x128xf32, #tpu.memory_space<vmem>>) dst(%dma_wait3A_1231 : memref<64x128xf32, #tpu.memory_space<hbm>>)
      %add3A_1236 = arith.constant 14 : i32
      %add3A_1237 = arith.addi %mul3A_347, %add3A_1236 : i32
      %add3A_1238 = arith.constant 4 : i32
      %add3A_1239 = arith.addi %add3A_1237, %add3A_1238 : i32
      %lt3A_1240 = arith.constant 100 : i32
      %lt3A_1241 = arith.cmpi slt, %add3A_1239, %lt3A_1240 : i32
      %convert_element_type3A_1242 = arith.extui %lt3A_1241 : i1 to i32
      %cond3A_1243 = arith.constant 0 : i32
      %cond3A_1244 = arith.cmpi ne, %convert_element_type3A_1242, %cond3A_1243 : i32
      scf.if %cond3A_1244 {
        %add3A_1605 = arith.constant 14 : i32
        %add3A_1606 = arith.addi %mul3A_347, %add3A_1605 : i32
        %add3A_1607 = arith.constant 4 : i32
        %add3A_1608 = arith.addi %add3A_1606, %add3A_1607 : i32
        %mul3A_1609 = arith.constant 64 : i32
        %mul3A_1610 = arith.muli %add3A_1608, %mul3A_1609 : i32
        %dma_start3A_1611 = arith.constant 4 : i32
        %dma_start3A_1612 = arith.constant 4 : i32
        %dma_start3A_1613 = arith.constant 0 : i32
        %dma_start3A_1614 = arith.constant 0 : i32
        %dma_start3A_1615 = tpu.memref_slice %arg6[%dma_start3A_1611, %dma_start3A_1613, %dma_start3A_1614] : memref<14x64x128xf32, #tpu.memory_space<vmem>> -> memref<1x64x128xf32, #tpu.memory_space<vmem>>
        %dma_start3A_1616 = tpu.memref_squeeze %dma_start3A_1615 : memref<1x64x128xf32, #tpu.memory_space<vmem>> -> memref<64x128xf32, #tpu.memory_space<vmem>>
        %dma_start3A_1617 = tpu.memref_slice %arg5[%mul3A_1610] : memref<6400xi32, #tpu.memory_space<vmem>> -> memref<64xi32, #tpu.memory_space<vmem>>
        %dma_start3A_1618 = arith.constant 0 : i32
        %dma_start3A_1619 = arith.constant 0 : i32
        %dma_start3A_1620 = tpu.memref_slice %arg3[%dma_start3A_1618, %dma_start3A_1619] : memref<100000x128xf32, #tpu.memory_space<hbm>> -> memref<100000x128xf32, #tpu.memory_space<hbm>>
        %dma_start3A_1621 = tpu.memref_slice %arg7[%dma_start3A_1612] : memref<14x!tpu.dma_semaphore, #tpu.memory_space<semaphore_mem>> -> memref<1x!tpu.dma_semaphore, #tpu.memory_space<semaphore_mem>>
        %dma_start3A_1622 = tpu.memref_squeeze %dma_start3A_1621 : memref<1x!tpu.dma_semaphore, #tpu.memory_space<semaphore_mem>> -> memref<!tpu.dma_semaphore, #tpu.memory_space<semaphore_mem>>
        tpu.enqueue_indirect_dma source(%dma_start3A_1620 : memref<100000x128xf32, #tpu.memory_space<hbm>>) target(%dma_start3A_1616 : memref<64x128xf32, #tpu.memory_space<vmem>>) offsets(%dma_start3A_1617 : memref<64xi32, #tpu.memory_space<vmem>>) semaphore(%dma_start3A_1622 : memref<!tpu.dma_semaphore, #tpu.memory_space<semaphore_mem>>)
      } else {
      }
      %dma_wait3A_1245 = arith.constant 5 : i32
      %dma_wait3A_1246 = arith.constant 0 : i32
      %dma_wait3A_1247 = arith.constant 5 : i32
      %dma_wait3A_1248 = arith.constant 0 : i32
      %dma_wait3A_1249 = arith.constant 0 : i32
      %dma_wait3A_1250 = tpu.memref_slice %arg6[%dma_wait3A_1245, %dma_wait3A_1248, %dma_wait3A_1249] : memref<14x64x128xf32, #tpu.memory_space<vmem>> -> memref<1x64x128xf32, #tpu.memory_space<vmem>>
      %dma_wait3A_1251 = tpu.memref_squeeze %dma_wait3A_1250 : memref<1x64x128xf32, #tpu.memory_space<vmem>> -> memref<64x128xf32, #tpu.memory_space<vmem>>
      %dma_wait3A_1252 = arith.constant 0 : i32
      %dma_wait3A_1253 = arith.constant 0 : i32
      %dma_wait3A_1254 = arith.constant 0 : i32
      %dma_wait3A_1255 = tpu.memref_slice %arg4[%add3A, %dma_wait3A_1252, %dma_wait3A_1253, %dma_wait3A_1254] : memref<32x100x64x128xf32, #tpu.memory_space<hbm>> -> memref<1x100x64x128xf32, #tpu.memory_space<hbm>>
      %dma_wait3A_1256 = tpu.memref_squeeze %dma_wait3A_1255 : memref<1x100x64x128xf32, #tpu.memory_space<hbm>> -> memref<100x64x128xf32, #tpu.memory_space<hbm>>
      %dma_wait3A_1257 = arith.constant 0 : i32
      %dma_wait3A_1258 = arith.constant 0 : i32
      %dma_wait3A_1259 = tpu.memref_slice %dma_wait3A_1256[%dma_wait3A_1246, %dma_wait3A_1257, %dma_wait3A_1258] : memref<100x64x128xf32, #tpu.memory_space<hbm>> -> memref<1x64x128xf32, #tpu.memory_space<hbm>>
      %dma_wait3A_1260 = tpu.memref_squeeze %dma_wait3A_1259 : memref<1x64x128xf32, #tpu.memory_space<hbm>> -> memref<64x128xf32, #tpu.memory_space<hbm>>
      %dma_wait3A_1261 = tpu.memref_slice %arg8[%dma_wait3A_1247] : memref<14x!tpu.dma_semaphore, #tpu.memory_space<semaphore_mem>> -> memref<1x!tpu.dma_semaphore, #tpu.memory_space<semaphore_mem>>
      %dma_wait3A_1262 = tpu.memref_squeeze %dma_wait3A_1261 : memref<1x!tpu.dma_semaphore, #tpu.memory_space<semaphore_mem>> -> memref<!tpu.dma_semaphore, #tpu.memory_space<semaphore_mem>>
      %dma_wait3A_1263 = arith.constant 0 : i32
      %dma_wait3A_1264 = arith.constant 0 : i32
      %dma_wait3A_1265 = arith.constant 0 : i32
      %dma_wait3A_1266 = tpu.memref_slice %arg4[%add3A, %dma_wait3A_1263, %dma_wait3A_1264, %dma_wait3A_1265] : memref<32x100x64x128xf32, #tpu.memory_space<hbm>> -> memref<1x100x64x128xf32, #tpu.memory_space<hbm>>
      %dma_wait3A_1267 = tpu.memref_squeeze %dma_wait3A_1266 : memref<1x100x64x128xf32, #tpu.memory_space<hbm>> -> memref<100x64x128xf32, #tpu.memory_space<hbm>>
      %dma_wait3A_1268 = arith.constant 0 : i32
      %dma_wait3A_1269 = arith.constant 0 : i32
      %dma_wait3A_1270 = tpu.memref_slice %dma_wait3A_1267[%dma_wait3A_1246, %dma_wait3A_1268, %dma_wait3A_1269] : memref<100x64x128xf32, #tpu.memory_space<hbm>> -> memref<1x64x128xf32, #tpu.memory_space<hbm>>
      %dma_wait3A_1271 = tpu.memref_squeeze %dma_wait3A_1270 : memref<1x64x128xf32, #tpu.memory_space<hbm>> -> memref<64x128xf32, #tpu.memory_space<hbm>>
      %dma_wait3A_1272 = arith.constant 0 : i32
      %dma_wait3A_1273 = arith.constant 0 : i32
      %dma_wait3A_1274 = tpu.memref_slice %arg6[%dma_wait3A_1245, %dma_wait3A_1272, %dma_wait3A_1273] : memref<14x64x128xf32, #tpu.memory_space<vmem>> -> memref<1x64x128xf32, #tpu.memory_space<vmem>>
      %dma_wait3A_1275 = tpu.memref_squeeze %dma_wait3A_1274 : memref<1x64x128xf32, #tpu.memory_space<vmem>> -> memref<64x128xf32, #tpu.memory_space<vmem>>
      tpu.wait_dma2 semaphore(%dma_wait3A_1262 : memref<!tpu.dma_semaphore, #tpu.memory_space<semaphore_mem>>) src(%dma_wait3A_1275 : memref<64x128xf32, #tpu.memory_space<vmem>>) dst(%dma_wait3A_1271 : memref<64x128xf32, #tpu.memory_space<hbm>>)
      %add3A_1276 = arith.constant 14 : i32
      %add3A_1277 = arith.addi %mul3A_347, %add3A_1276 : i32
      %add3A_1278 = arith.constant 5 : i32
      %add3A_1279 = arith.addi %add3A_1277, %add3A_1278 : i32
      %lt3A_1280 = arith.constant 100 : i32
      %lt3A_1281 = arith.cmpi slt, %add3A_1279, %lt3A_1280 : i32
      %convert_element_type3A_1282 = arith.extui %lt3A_1281 : i1 to i32
      %cond3A_1283 = arith.constant 0 : i32
      %cond3A_1284 = arith.cmpi ne, %convert_element_type3A_1282, %cond3A_1283 : i32
      scf.if %cond3A_1284 {
        %add3A_1605 = arith.constant 14 : i32
        %add3A_1606 = arith.addi %mul3A_347, %add3A_1605 : i32
        %add3A_1607 = arith.constant 5 : i32
        %add3A_1608 = arith.addi %add3A_1606, %add3A_1607 : i32
        %mul3A_1609 = arith.constant 64 : i32
        %mul3A_1610 = arith.muli %add3A_1608, %mul3A_1609 : i32
        %dma_start3A_1611 = arith.constant 5 : i32
        %dma_start3A_1612 = arith.constant 5 : i32
        %dma_start3A_1613 = arith.constant 0 : i32
        %dma_start3A_1614 = arith.constant 0 : i32
        %dma_start3A_1615 = tpu.memref_slice %arg6[%dma_start3A_1611, %dma_start3A_1613, %dma_start3A_1614] : memref<14x64x128xf32, #tpu.memory_space<vmem>> -> memref<1x64x128xf32, #tpu.memory_space<vmem>>
        %dma_start3A_1616 = tpu.memref_squeeze %dma_start3A_1615 : memref<1x64x128xf32, #tpu.memory_space<vmem>> -> memref<64x128xf32, #tpu.memory_space<vmem>>
        %dma_start3A_1617 = tpu.memref_slice %arg5[%mul3A_1610] : memref<6400xi32, #tpu.memory_space<vmem>> -> memref<64xi32, #tpu.memory_space<vmem>>
        %dma_start3A_1618 = arith.constant 0 : i32
        %dma_start3A_1619 = arith.constant 0 : i32
        %dma_start3A_1620 = tpu.memref_slice %arg3[%dma_start3A_1618, %dma_start3A_1619] : memref<100000x128xf32, #tpu.memory_space<hbm>> -> memref<100000x128xf32, #tpu.memory_space<hbm>>
        %dma_start3A_1621 = tpu.memref_slice %arg7[%dma_start3A_1612] : memref<14x!tpu.dma_semaphore, #tpu.memory_space<semaphore_mem>> -> memref<1x!tpu.dma_semaphore, #tpu.memory_space<semaphore_mem>>
        %dma_start3A_1622 = tpu.memref_squeeze %dma_start3A_1621 : memref<1x!tpu.dma_semaphore, #tpu.memory_space<semaphore_mem>> -> memref<!tpu.dma_semaphore, #tpu.memory_space<semaphore_mem>>
        tpu.enqueue_indirect_dma source(%dma_start3A_1620 : memref<100000x128xf32, #tpu.memory_space<hbm>>) target(%dma_start3A_1616 : memref<64x128xf32, #tpu.memory_space<vmem>>) offsets(%dma_start3A_1617 : memref<64xi32, #tpu.memory_space<vmem>>) semaphore(%dma_start3A_1622 : memref<!tpu.dma_semaphore, #tpu.memory_space<semaphore_mem>>)
      } else {
      }
      %dma_wait3A_1285 = arith.constant 6 : i32
      %dma_wait3A_1286 = arith.constant 0 : i32
      %dma_wait3A_1287 = arith.constant 6 : i32
      %dma_wait3A_1288 = arith.constant 0 : i32
      %dma_wait3A_1289 = arith.constant 0 : i32
      %dma_wait3A_1290 = tpu.memref_slice %arg6[%dma_wait3A_1285, %dma_wait3A_1288, %dma_wait3A_1289] : memref<14x64x128xf32, #tpu.memory_space<vmem>> -> memref<1x64x128xf32, #tpu.memory_space<vmem>>
      %dma_wait3A_1291 = tpu.memref_squeeze %dma_wait3A_1290 : memref<1x64x128xf32, #tpu.memory_space<vmem>> -> memref<64x128xf32, #tpu.memory_space<vmem>>
      %dma_wait3A_1292 = arith.constant 0 : i32
      %dma_wait3A_1293 = arith.constant 0 : i32
      %dma_wait3A_1294 = arith.constant 0 : i32
      %dma_wait3A_1295 = tpu.memref_slice %arg4[%add3A, %dma_wait3A_1292, %dma_wait3A_1293, %dma_wait3A_1294] : memref<32x100x64x128xf32, #tpu.memory_space<hbm>> -> memref<1x100x64x128xf32, #tpu.memory_space<hbm>>
      %dma_wait3A_1296 = tpu.memref_squeeze %dma_wait3A_1295 : memref<1x100x64x128xf32, #tpu.memory_space<hbm>> -> memref<100x64x128xf32, #tpu.memory_space<hbm>>
      %dma_wait3A_1297 = arith.constant 0 : i32
      %dma_wait3A_1298 = arith.constant 0 : i32
      %dma_wait3A_1299 = tpu.memref_slice %dma_wait3A_1296[%dma_wait3A_1286, %dma_wait3A_1297, %dma_wait3A_1298] : memref<100x64x128xf32, #tpu.memory_space<hbm>> -> memref<1x64x128xf32, #tpu.memory_space<hbm>>
      %dma_wait3A_1300 = tpu.memref_squeeze %dma_wait3A_1299 : memref<1x64x128xf32, #tpu.memory_space<hbm>> -> memref<64x128xf32, #tpu.memory_space<hbm>>
      %dma_wait3A_1301 = tpu.memref_slice %arg8[%dma_wait3A_1287] : memref<14x!tpu.dma_semaphore, #tpu.memory_space<semaphore_mem>> -> memref<1x!tpu.dma_semaphore, #tpu.memory_space<semaphore_mem>>
      %dma_wait3A_1302 = tpu.memref_squeeze %dma_wait3A_1301 : memref<1x!tpu.dma_semaphore, #tpu.memory_space<semaphore_mem>> -> memref<!tpu.dma_semaphore, #tpu.memory_space<semaphore_mem>>
      %dma_wait3A_1303 = arith.constant 0 : i32
      %dma_wait3A_1304 = arith.constant 0 : i32
      %dma_wait3A_1305 = arith.constant 0 : i32
      %dma_wait3A_1306 = tpu.memref_slice %arg4[%add3A, %dma_wait3A_1303, %dma_wait3A_1304, %dma_wait3A_1305] : memref<32x100x64x128xf32, #tpu.memory_space<hbm>> -> memref<1x100x64x128xf32, #tpu.memory_space<hbm>>
      %dma_wait3A_1307 = tpu.memref_squeeze %dma_wait3A_1306 : memref<1x100x64x128xf32, #tpu.memory_space<hbm>> -> memref<100x64x128xf32, #tpu.memory_space<hbm>>
      %dma_wait3A_1308 = arith.constant 0 : i32
      %dma_wait3A_1309 = arith.constant 0 : i32
      %dma_wait3A_1310 = tpu.memref_slice %dma_wait3A_1307[%dma_wait3A_1286, %dma_wait3A_1308, %dma_wait3A_1309] : memref<100x64x128xf32, #tpu.memory_space<hbm>> -> memref<1x64x128xf32, #tpu.memory_space<hbm>>
      %dma_wait3A_1311 = tpu.memref_squeeze %dma_wait3A_1310 : memref<1x64x128xf32, #tpu.memory_space<hbm>> -> memref<64x128xf32, #tpu.memory_space<hbm>>
      %dma_wait3A_1312 = arith.constant 0 : i32
      %dma_wait3A_1313 = arith.constant 0 : i32
      %dma_wait3A_1314 = tpu.memref_slice %arg6[%dma_wait3A_1285, %dma_wait3A_1312, %dma_wait3A_1313] : memref<14x64x128xf32, #tpu.memory_space<vmem>> -> memref<1x64x128xf32, #tpu.memory_space<vmem>>
      %dma_wait3A_1315 = tpu.memref_squeeze %dma_wait3A_1314 : memref<1x64x128xf32, #tpu.memory_space<vmem>> -> memref<64x128xf32, #tpu.memory_space<vmem>>
      tpu.wait_dma2 semaphore(%dma_wait3A_1302 : memref<!tpu.dma_semaphore, #tpu.memory_space<semaphore_mem>>) src(%dma_wait3A_1315 : memref<64x128xf32, #tpu.memory_space<vmem>>) dst(%dma_wait3A_1311 : memref<64x128xf32, #tpu.memory_space<hbm>>)
      %add3A_1316 = arith.constant 14 : i32
      %add3A_1317 = arith.addi %mul3A_347, %add3A_1316 : i32
      %add3A_1318 = arith.constant 6 : i32
      %add3A_1319 = arith.addi %add3A_1317, %add3A_1318 : i32
      %lt3A_1320 = arith.constant 100 : i32
      %lt3A_1321 = arith.cmpi slt, %add3A_1319, %lt3A_1320 : i32
      %convert_element_type3A_1322 = arith.extui %lt3A_1321 : i1 to i32
      %cond3A_1323 = arith.constant 0 : i32
      %cond3A_1324 = arith.cmpi ne, %convert_element_type3A_1322, %cond3A_1323 : i32
      scf.if %cond3A_1324 {
        %add3A_1605 = arith.constant 14 : i32
        %add3A_1606 = arith.addi %mul3A_347, %add3A_1605 : i32
        %add3A_1607 = arith.constant 6 : i32
        %add3A_1608 = arith.addi %add3A_1606, %add3A_1607 : i32
        %mul3A_1609 = arith.constant 64 : i32
        %mul3A_1610 = arith.muli %add3A_1608, %mul3A_1609 : i32
        %dma_start3A_1611 = arith.constant 6 : i32
        %dma_start3A_1612 = arith.constant 6 : i32
        %dma_start3A_1613 = arith.constant 0 : i32
        %dma_start3A_1614 = arith.constant 0 : i32
        %dma_start3A_1615 = tpu.memref_slice %arg6[%dma_start3A_1611, %dma_start3A_1613, %dma_start3A_1614] : memref<14x64x128xf32, #tpu.memory_space<vmem>> -> memref<1x64x128xf32, #tpu.memory_space<vmem>>
        %dma_start3A_1616 = tpu.memref_squeeze %dma_start3A_1615 : memref<1x64x128xf32, #tpu.memory_space<vmem>> -> memref<64x128xf32, #tpu.memory_space<vmem>>
        %dma_start3A_1617 = tpu.memref_slice %arg5[%mul3A_1610] : memref<6400xi32, #tpu.memory_space<vmem>> -> memref<64xi32, #tpu.memory_space<vmem>>
        %dma_start3A_1618 = arith.constant 0 : i32
        %dma_start3A_1619 = arith.constant 0 : i32
        %dma_start3A_1620 = tpu.memref_slice %arg3[%dma_start3A_1618, %dma_start3A_1619] : memref<100000x128xf32, #tpu.memory_space<hbm>> -> memref<100000x128xf32, #tpu.memory_space<hbm>>
        %dma_start3A_1621 = tpu.memref_slice %arg7[%dma_start3A_1612] : memref<14x!tpu.dma_semaphore, #tpu.memory_space<semaphore_mem>> -> memref<1x!tpu.dma_semaphore, #tpu.memory_space<semaphore_mem>>
        %dma_start3A_1622 = tpu.memref_squeeze %dma_start3A_1621 : memref<1x!tpu.dma_semaphore, #tpu.memory_space<semaphore_mem>> -> memref<!tpu.dma_semaphore, #tpu.memory_space<semaphore_mem>>
        tpu.enqueue_indirect_dma source(%dma_start3A_1620 : memref<100000x128xf32, #tpu.memory_space<hbm>>) target(%dma_start3A_1616 : memref<64x128xf32, #tpu.memory_space<vmem>>) offsets(%dma_start3A_1617 : memref<64xi32, #tpu.memory_space<vmem>>) semaphore(%dma_start3A_1622 : memref<!tpu.dma_semaphore, #tpu.memory_space<semaphore_mem>>)
      } else {
      }
      %dma_wait3A_1325 = arith.constant 7 : i32
      %dma_wait3A_1326 = arith.constant 0 : i32
      %dma_wait3A_1327 = arith.constant 7 : i32
      %dma_wait3A_1328 = arith.constant 0 : i32
      %dma_wait3A_1329 = arith.constant 0 : i32
      %dma_wait3A_1330 = tpu.memref_slice %arg6[%dma_wait3A_1325, %dma_wait3A_1328, %dma_wait3A_1329] : memref<14x64x128xf32, #tpu.memory_space<vmem>> -> memref<1x64x128xf32, #tpu.memory_space<vmem>>
      %dma_wait3A_1331 = tpu.memref_squeeze %dma_wait3A_1330 : memref<1x64x128xf32, #tpu.memory_space<vmem>> -> memref<64x128xf32, #tpu.memory_space<vmem>>
      %dma_wait3A_1332 = arith.constant 0 : i32
      %dma_wait3A_1333 = arith.constant 0 : i32
      %dma_wait3A_1334 = arith.constant 0 : i32
      %dma_wait3A_1335 = tpu.memref_slice %arg4[%add3A, %dma_wait3A_1332, %dma_wait3A_1333, %dma_wait3A_1334] : memref<32x100x64x128xf32, #tpu.memory_space<hbm>> -> memref<1x100x64x128xf32, #tpu.memory_space<hbm>>
      %dma_wait3A_1336 = tpu.memref_squeeze %dma_wait3A_1335 : memref<1x100x64x128xf32, #tpu.memory_space<hbm>> -> memref<100x64x128xf32, #tpu.memory_space<hbm>>
      %dma_wait3A_1337 = arith.constant 0 : i32
      %dma_wait3A_1338 = arith.constant 0 : i32
      %dma_wait3A_1339 = tpu.memref_slice %dma_wait3A_1336[%dma_wait3A_1326, %dma_wait3A_1337, %dma_wait3A_1338] : memref<100x64x128xf32, #tpu.memory_space<hbm>> -> memref<1x64x128xf32, #tpu.memory_space<hbm>>
      %dma_wait3A_1340 = tpu.memref_squeeze %dma_wait3A_1339 : memref<1x64x128xf32, #tpu.memory_space<hbm>> -> memref<64x128xf32, #tpu.memory_space<hbm>>
      %dma_wait3A_1341 = tpu.memref_slice %arg8[%dma_wait3A_1327] : memref<14x!tpu.dma_semaphore, #tpu.memory_space<semaphore_mem>> -> memref<1x!tpu.dma_semaphore, #tpu.memory_space<semaphore_mem>>
      %dma_wait3A_1342 = tpu.memref_squeeze %dma_wait3A_1341 : memref<1x!tpu.dma_semaphore, #tpu.memory_space<semaphore_mem>> -> memref<!tpu.dma_semaphore, #tpu.memory_space<semaphore_mem>>
      %dma_wait3A_1343 = arith.constant 0 : i32
      %dma_wait3A_1344 = arith.constant 0 : i32
      %dma_wait3A_1345 = arith.constant 0 : i32
      %dma_wait3A_1346 = tpu.memref_slice %arg4[%add3A, %dma_wait3A_1343, %dma_wait3A_1344, %dma_wait3A_1345] : memref<32x100x64x128xf32, #tpu.memory_space<hbm>> -> memref<1x100x64x128xf32, #tpu.memory_space<hbm>>
      %dma_wait3A_1347 = tpu.memref_squeeze %dma_wait3A_1346 : memref<1x100x64x128xf32, #tpu.memory_space<hbm>> -> memref<100x64x128xf32, #tpu.memory_space<hbm>>
      %dma_wait3A_1348 = arith.constant 0 : i32
      %dma_wait3A_1349 = arith.constant 0 : i32
      %dma_wait3A_1350 = tpu.memref_slice %dma_wait3A_1347[%dma_wait3A_1326, %dma_wait3A_1348, %dma_wait3A_1349] : memref<100x64x128xf32, #tpu.memory_space<hbm>> -> memref<1x64x128xf32, #tpu.memory_space<hbm>>
      %dma_wait3A_1351 = tpu.memref_squeeze %dma_wait3A_1350 : memref<1x64x128xf32, #tpu.memory_space<hbm>> -> memref<64x128xf32, #tpu.memory_space<hbm>>
      %dma_wait3A_1352 = arith.constant 0 : i32
      %dma_wait3A_1353 = arith.constant 0 : i32
      %dma_wait3A_1354 = tpu.memref_slice %arg6[%dma_wait3A_1325, %dma_wait3A_1352, %dma_wait3A_1353] : memref<14x64x128xf32, #tpu.memory_space<vmem>> -> memref<1x64x128xf32, #tpu.memory_space<vmem>>
      %dma_wait3A_1355 = tpu.memref_squeeze %dma_wait3A_1354 : memref<1x64x128xf32, #tpu.memory_space<vmem>> -> memref<64x128xf32, #tpu.memory_space<vmem>>
      tpu.wait_dma2 semaphore(%dma_wait3A_1342 : memref<!tpu.dma_semaphore, #tpu.memory_space<semaphore_mem>>) src(%dma_wait3A_1355 : memref<64x128xf32, #tpu.memory_space<vmem>>) dst(%dma_wait3A_1351 : memref<64x128xf32, #tpu.memory_space<hbm>>)
      %add3A_1356 = arith.constant 14 : i32
      %add3A_1357 = arith.addi %mul3A_347, %add3A_1356 : i32
      %add3A_1358 = arith.constant 7 : i32
      %add3A_1359 = arith.addi %add3A_1357, %add3A_1358 : i32
      %lt3A_1360 = arith.constant 100 : i32
      %lt3A_1361 = arith.cmpi slt, %add3A_1359, %lt3A_1360 : i32
      %convert_element_type3A_1362 = arith.extui %lt3A_1361 : i1 to i32
      %cond3A_1363 = arith.constant 0 : i32
      %cond3A_1364 = arith.cmpi ne, %convert_element_type3A_1362, %cond3A_1363 : i32
      scf.if %cond3A_1364 {
        %add3A_1605 = arith.constant 14 : i32
        %add3A_1606 = arith.addi %mul3A_347, %add3A_1605 : i32
        %add3A_1607 = arith.constant 7 : i32
        %add3A_1608 = arith.addi %add3A_1606, %add3A_1607 : i32
        %mul3A_1609 = arith.constant 64 : i32
        %mul3A_1610 = arith.muli %add3A_1608, %mul3A_1609 : i32
        %dma_start3A_1611 = arith.constant 7 : i32
        %dma_start3A_1612 = arith.constant 7 : i32
        %dma_start3A_1613 = arith.constant 0 : i32
        %dma_start3A_1614 = arith.constant 0 : i32
        %dma_start3A_1615 = tpu.memref_slice %arg6[%dma_start3A_1611, %dma_start3A_1613, %dma_start3A_1614] : memref<14x64x128xf32, #tpu.memory_space<vmem>> -> memref<1x64x128xf32, #tpu.memory_space<vmem>>
        %dma_start3A_1616 = tpu.memref_squeeze %dma_start3A_1615 : memref<1x64x128xf32, #tpu.memory_space<vmem>> -> memref<64x128xf32, #tpu.memory_space<vmem>>
        %dma_start3A_1617 = tpu.memref_slice %arg5[%mul3A_1610] : memref<6400xi32, #tpu.memory_space<vmem>> -> memref<64xi32, #tpu.memory_space<vmem>>
        %dma_start3A_1618 = arith.constant 0 : i32
        %dma_start3A_1619 = arith.constant 0 : i32
        %dma_start3A_1620 = tpu.memref_slice %arg3[%dma_start3A_1618, %dma_start3A_1619] : memref<100000x128xf32, #tpu.memory_space<hbm>> -> memref<100000x128xf32, #tpu.memory_space<hbm>>
        %dma_start3A_1621 = tpu.memref_slice %arg7[%dma_start3A_1612] : memref<14x!tpu.dma_semaphore, #tpu.memory_space<semaphore_mem>> -> memref<1x!tpu.dma_semaphore, #tpu.memory_space<semaphore_mem>>
        %dma_start3A_1622 = tpu.memref_squeeze %dma_start3A_1621 : memref<1x!tpu.dma_semaphore, #tpu.memory_space<semaphore_mem>> -> memref<!tpu.dma_semaphore, #tpu.memory_space<semaphore_mem>>
        tpu.enqueue_indirect_dma source(%dma_start3A_1620 : memref<100000x128xf32, #tpu.memory_space<hbm>>) target(%dma_start3A_1616 : memref<64x128xf32, #tpu.memory_space<vmem>>) offsets(%dma_start3A_1617 : memref<64xi32, #tpu.memory_space<vmem>>) semaphore(%dma_start3A_1622 : memref<!tpu.dma_semaphore, #tpu.memory_space<semaphore_mem>>)
      } else {
      }
      %dma_wait3A_1365 = arith.constant 8 : i32
      %dma_wait3A_1366 = arith.constant 0 : i32
      %dma_wait3A_1367 = arith.constant 8 : i32
      %dma_wait3A_1368 = arith.constant 0 : i32
      %dma_wait3A_1369 = arith.constant 0 : i32
      %dma_wait3A_1370 = tpu.memref_slice %arg6[%dma_wait3A_1365, %dma_wait3A_1368, %dma_wait3A_1369] : memref<14x64x128xf32, #tpu.memory_space<vmem>> -> memref<1x64x128xf32, #tpu.memory_space<vmem>>
      %dma_wait3A_1371 = tpu.memref_squeeze %dma_wait3A_1370 : memref<1x64x128xf32, #tpu.memory_space<vmem>> -> memref<64x128xf32, #tpu.memory_space<vmem>>
      %dma_wait3A_1372 = arith.constant 0 : i32
      %dma_wait3A_1373 = arith.constant 0 : i32
      %dma_wait3A_1374 = arith.constant 0 : i32
      %dma_wait3A_1375 = tpu.memref_slice %arg4[%add3A, %dma_wait3A_1372, %dma_wait3A_1373, %dma_wait3A_1374] : memref<32x100x64x128xf32, #tpu.memory_space<hbm>> -> memref<1x100x64x128xf32, #tpu.memory_space<hbm>>
      %dma_wait3A_1376 = tpu.memref_squeeze %dma_wait3A_1375 : memref<1x100x64x128xf32, #tpu.memory_space<hbm>> -> memref<100x64x128xf32, #tpu.memory_space<hbm>>
      %dma_wait3A_1377 = arith.constant 0 : i32
      %dma_wait3A_1378 = arith.constant 0 : i32
      %dma_wait3A_1379 = tpu.memref_slice %dma_wait3A_1376[%dma_wait3A_1366, %dma_wait3A_1377, %dma_wait3A_1378] : memref<100x64x128xf32, #tpu.memory_space<hbm>> -> memref<1x64x128xf32, #tpu.memory_space<hbm>>
      %dma_wait3A_1380 = tpu.memref_squeeze %dma_wait3A_1379 : memref<1x64x128xf32, #tpu.memory_space<hbm>> -> memref<64x128xf32, #tpu.memory_space<hbm>>
      %dma_wait3A_1381 = tpu.memref_slice %arg8[%dma_wait3A_1367] : memref<14x!tpu.dma_semaphore, #tpu.memory_space<semaphore_mem>> -> memref<1x!tpu.dma_semaphore, #tpu.memory_space<semaphore_mem>>
      %dma_wait3A_1382 = tpu.memref_squeeze %dma_wait3A_1381 : memref<1x!tpu.dma_semaphore, #tpu.memory_space<semaphore_mem>> -> memref<!tpu.dma_semaphore, #tpu.memory_space<semaphore_mem>>
      %dma_wait3A_1383 = arith.constant 0 : i32
      %dma_wait3A_1384 = arith.constant 0 : i32
      %dma_wait3A_1385 = arith.constant 0 : i32
      %dma_wait3A_1386 = tpu.memref_slice %arg4[%add3A, %dma_wait3A_1383, %dma_wait3A_1384, %dma_wait3A_1385] : memref<32x100x64x128xf32, #tpu.memory_space<hbm>> -> memref<1x100x64x128xf32, #tpu.memory_space<hbm>>
      %dma_wait3A_1387 = tpu.memref_squeeze %dma_wait3A_1386 : memref<1x100x64x128xf32, #tpu.memory_space<hbm>> -> memref<100x64x128xf32, #tpu.memory_space<hbm>>
      %dma_wait3A_1388 = arith.constant 0 : i32
      %dma_wait3A_1389 = arith.constant 0 : i32
      %dma_wait3A_1390 = tpu.memref_slice %dma_wait3A_1387[%dma_wait3A_1366, %dma_wait3A_1388, %dma_wait3A_1389] : memref<100x64x128xf32, #tpu.memory_space<hbm>> -> memref<1x64x128xf32, #tpu.memory_space<hbm>>
      %dma_wait3A_1391 = tpu.memref_squeeze %dma_wait3A_1390 : memref<1x64x128xf32, #tpu.memory_space<hbm>> -> memref<64x128xf32, #tpu.memory_space<hbm>>
      %dma_wait3A_1392 = arith.constant 0 : i32
      %dma_wait3A_1393 = arith.constant 0 : i32
      %dma_wait3A_1394 = tpu.memref_slice %arg6[%dma_wait3A_1365, %dma_wait3A_1392, %dma_wait3A_1393] : memref<14x64x128xf32, #tpu.memory_space<vmem>> -> memref<1x64x128xf32, #tpu.memory_space<vmem>>
      %dma_wait3A_1395 = tpu.memref_squeeze %dma_wait3A_1394 : memref<1x64x128xf32, #tpu.memory_space<vmem>> -> memref<64x128xf32, #tpu.memory_space<vmem>>
      tpu.wait_dma2 semaphore(%dma_wait3A_1382 : memref<!tpu.dma_semaphore, #tpu.memory_space<semaphore_mem>>) src(%dma_wait3A_1395 : memref<64x128xf32, #tpu.memory_space<vmem>>) dst(%dma_wait3A_1391 : memref<64x128xf32, #tpu.memory_space<hbm>>)
      %add3A_1396 = arith.constant 14 : i32
      %add3A_1397 = arith.addi %mul3A_347, %add3A_1396 : i32
      %add3A_1398 = arith.constant 8 : i32
      %add3A_1399 = arith.addi %add3A_1397, %add3A_1398 : i32
      %lt3A_1400 = arith.constant 100 : i32
      %lt3A_1401 = arith.cmpi slt, %add3A_1399, %lt3A_1400 : i32
      %convert_element_type3A_1402 = arith.extui %lt3A_1401 : i1 to i32
      %cond3A_1403 = arith.constant 0 : i32
      %cond3A_1404 = arith.cmpi ne, %convert_element_type3A_1402, %cond3A_1403 : i32
      scf.if %cond3A_1404 {
        %add3A_1605 = arith.constant 14 : i32
        %add3A_1606 = arith.addi %mul3A_347, %add3A_1605 : i32
        %add3A_1607 = arith.constant 8 : i32
        %add3A_1608 = arith.addi %add3A_1606, %add3A_1607 : i32
        %mul3A_1609 = arith.constant 64 : i32
        %mul3A_1610 = arith.muli %add3A_1608, %mul3A_1609 : i32
        %dma_start3A_1611 = arith.constant 8 : i32
        %dma_start3A_1612 = arith.constant 8 : i32
        %dma_start3A_1613 = arith.constant 0 : i32
        %dma_start3A_1614 = arith.constant 0 : i32
        %dma_start3A_1615 = tpu.memref_slice %arg6[%dma_start3A_1611, %dma_start3A_1613, %dma_start3A_1614] : memref<14x64x128xf32, #tpu.memory_space<vmem>> -> memref<1x64x128xf32, #tpu.memory_space<vmem>>
        %dma_start3A_1616 = tpu.memref_squeeze %dma_start3A_1615 : memref<1x64x128xf32, #tpu.memory_space<vmem>> -> memref<64x128xf32, #tpu.memory_space<vmem>>
        %dma_start3A_1617 = tpu.memref_slice %arg5[%mul3A_1610] : memref<6400xi32, #tpu.memory_space<vmem>> -> memref<64xi32, #tpu.memory_space<vmem>>
        %dma_start3A_1618 = arith.constant 0 : i32
        %dma_start3A_1619 = arith.constant 0 : i32
        %dma_start3A_1620 = tpu.memref_slice %arg3[%dma_start3A_1618, %dma_start3A_1619] : memref<100000x128xf32, #tpu.memory_space<hbm>> -> memref<100000x128xf32, #tpu.memory_space<hbm>>
        %dma_start3A_1621 = tpu.memref_slice %arg7[%dma_start3A_1612] : memref<14x!tpu.dma_semaphore, #tpu.memory_space<semaphore_mem>> -> memref<1x!tpu.dma_semaphore, #tpu.memory_space<semaphore_mem>>
        %dma_start3A_1622 = tpu.memref_squeeze %dma_start3A_1621 : memref<1x!tpu.dma_semaphore, #tpu.memory_space<semaphore_mem>> -> memref<!tpu.dma_semaphore, #tpu.memory_space<semaphore_mem>>
        tpu.enqueue_indirect_dma source(%dma_start3A_1620 : memref<100000x128xf32, #tpu.memory_space<hbm>>) target(%dma_start3A_1616 : memref<64x128xf32, #tpu.memory_space<vmem>>) offsets(%dma_start3A_1617 : memref<64xi32, #tpu.memory_space<vmem>>) semaphore(%dma_start3A_1622 : memref<!tpu.dma_semaphore, #tpu.memory_space<semaphore_mem>>)
      } else {
      }
      %dma_wait3A_1405 = arith.constant 9 : i32
      %dma_wait3A_1406 = arith.constant 0 : i32
      %dma_wait3A_1407 = arith.constant 9 : i32
      %dma_wait3A_1408 = arith.constant 0 : i32
      %dma_wait3A_1409 = arith.constant 0 : i32
      %dma_wait3A_1410 = tpu.memref_slice %arg6[%dma_wait3A_1405, %dma_wait3A_1408, %dma_wait3A_1409] : memref<14x64x128xf32, #tpu.memory_space<vmem>> -> memref<1x64x128xf32, #tpu.memory_space<vmem>>
      %dma_wait3A_1411 = tpu.memref_squeeze %dma_wait3A_1410 : memref<1x64x128xf32, #tpu.memory_space<vmem>> -> memref<64x128xf32, #tpu.memory_space<vmem>>
      %dma_wait3A_1412 = arith.constant 0 : i32
      %dma_wait3A_1413 = arith.constant 0 : i32
      %dma_wait3A_1414 = arith.constant 0 : i32
      %dma_wait3A_1415 = tpu.memref_slice %arg4[%add3A, %dma_wait3A_1412, %dma_wait3A_1413, %dma_wait3A_1414] : memref<32x100x64x128xf32, #tpu.memory_space<hbm>> -> memref<1x100x64x128xf32, #tpu.memory_space<hbm>>
      %dma_wait3A_1416 = tpu.memref_squeeze %dma_wait3A_1415 : memref<1x100x64x128xf32, #tpu.memory_space<hbm>> -> memref<100x64x128xf32, #tpu.memory_space<hbm>>
      %dma_wait3A_1417 = arith.constant 0 : i32
      %dma_wait3A_1418 = arith.constant 0 : i32
      %dma_wait3A_1419 = tpu.memref_slice %dma_wait3A_1416[%dma_wait3A_1406, %dma_wait3A_1417, %dma_wait3A_1418] : memref<100x64x128xf32, #tpu.memory_space<hbm>> -> memref<1x64x128xf32, #tpu.memory_space<hbm>>
      %dma_wait3A_1420 = tpu.memref_squeeze %dma_wait3A_1419 : memref<1x64x128xf32, #tpu.memory_space<hbm>> -> memref<64x128xf32, #tpu.memory_space<hbm>>
      %dma_wait3A_1421 = tpu.memref_slice %arg8[%dma_wait3A_1407] : memref<14x!tpu.dma_semaphore, #tpu.memory_space<semaphore_mem>> -> memref<1x!tpu.dma_semaphore, #tpu.memory_space<semaphore_mem>>
      %dma_wait3A_1422 = tpu.memref_squeeze %dma_wait3A_1421 : memref<1x!tpu.dma_semaphore, #tpu.memory_space<semaphore_mem>> -> memref<!tpu.dma_semaphore, #tpu.memory_space<semaphore_mem>>
      %dma_wait3A_1423 = arith.constant 0 : i32
      %dma_wait3A_1424 = arith.constant 0 : i32
      %dma_wait3A_1425 = arith.constant 0 : i32
      %dma_wait3A_1426 = tpu.memref_slice %arg4[%add3A, %dma_wait3A_1423, %dma_wait3A_1424, %dma_wait3A_1425] : memref<32x100x64x128xf32, #tpu.memory_space<hbm>> -> memref<1x100x64x128xf32, #tpu.memory_space<hbm>>
      %dma_wait3A_1427 = tpu.memref_squeeze %dma_wait3A_1426 : memref<1x100x64x128xf32, #tpu.memory_space<hbm>> -> memref<100x64x128xf32, #tpu.memory_space<hbm>>
      %dma_wait3A_1428 = arith.constant 0 : i32
      %dma_wait3A_1429 = arith.constant 0 : i32
      %dma_wait3A_1430 = tpu.memref_slice %dma_wait3A_1427[%dma_wait3A_1406, %dma_wait3A_1428, %dma_wait3A_1429] : memref<100x64x128xf32, #tpu.memory_space<hbm>> -> memref<1x64x128xf32, #tpu.memory_space<hbm>>
      %dma_wait3A_1431 = tpu.memref_squeeze %dma_wait3A_1430 : memref<1x64x128xf32, #tpu.memory_space<hbm>> -> memref<64x128xf32, #tpu.memory_space<hbm>>
      %dma_wait3A_1432 = arith.constant 0 : i32
      %dma_wait3A_1433 = arith.constant 0 : i32
      %dma_wait3A_1434 = tpu.memref_slice %arg6[%dma_wait3A_1405, %dma_wait3A_1432, %dma_wait3A_1433] : memref<14x64x128xf32, #tpu.memory_space<vmem>> -> memref<1x64x128xf32, #tpu.memory_space<vmem>>
      %dma_wait3A_1435 = tpu.memref_squeeze %dma_wait3A_1434 : memref<1x64x128xf32, #tpu.memory_space<vmem>> -> memref<64x128xf32, #tpu.memory_space<vmem>>
      tpu.wait_dma2 semaphore(%dma_wait3A_1422 : memref<!tpu.dma_semaphore, #tpu.memory_space<semaphore_mem>>) src(%dma_wait3A_1435 : memref<64x128xf32, #tpu.memory_space<vmem>>) dst(%dma_wait3A_1431 : memref<64x128xf32, #tpu.memory_space<hbm>>)
      %add3A_1436 = arith.constant 14 : i32
      %add3A_1437 = arith.addi %mul3A_347, %add3A_1436 : i32
      %add3A_1438 = arith.constant 9 : i32
      %add3A_1439 = arith.addi %add3A_1437, %add3A_1438 : i32
      %lt3A_1440 = arith.constant 100 : i32
      %lt3A_1441 = arith.cmpi slt, %add3A_1439, %lt3A_1440 : i32
      %convert_element_type3A_1442 = arith.extui %lt3A_1441 : i1 to i32
      %cond3A_1443 = arith.constant 0 : i32
      %cond3A_1444 = arith.cmpi ne, %convert_element_type3A_1442, %cond3A_1443 : i32
      scf.if %cond3A_1444 {
        %add3A_1605 = arith.constant 14 : i32
        %add3A_1606 = arith.addi %mul3A_347, %add3A_1605 : i32
        %add3A_1607 = arith.constant 9 : i32
        %add3A_1608 = arith.addi %add3A_1606, %add3A_1607 : i32
        %mul3A_1609 = arith.constant 64 : i32
        %mul3A_1610 = arith.muli %add3A_1608, %mul3A_1609 : i32
        %dma_start3A_1611 = arith.constant 9 : i32
        %dma_start3A_1612 = arith.constant 9 : i32
        %dma_start3A_1613 = arith.constant 0 : i32
        %dma_start3A_1614 = arith.constant 0 : i32
        %dma_start3A_1615 = tpu.memref_slice %arg6[%dma_start3A_1611, %dma_start3A_1613, %dma_start3A_1614] : memref<14x64x128xf32, #tpu.memory_space<vmem>> -> memref<1x64x128xf32, #tpu.memory_space<vmem>>
        %dma_start3A_1616 = tpu.memref_squeeze %dma_start3A_1615 : memref<1x64x128xf32, #tpu.memory_space<vmem>> -> memref<64x128xf32, #tpu.memory_space<vmem>>
        %dma_start3A_1617 = tpu.memref_slice %arg5[%mul3A_1610] : memref<6400xi32, #tpu.memory_space<vmem>> -> memref<64xi32, #tpu.memory_space<vmem>>
        %dma_start3A_1618 = arith.constant 0 : i32
        %dma_start3A_1619 = arith.constant 0 : i32
        %dma_start3A_1620 = tpu.memref_slice %arg3[%dma_start3A_1618, %dma_start3A_1619] : memref<100000x128xf32, #tpu.memory_space<hbm>> -> memref<100000x128xf32, #tpu.memory_space<hbm>>
        %dma_start3A_1621 = tpu.memref_slice %arg7[%dma_start3A_1612] : memref<14x!tpu.dma_semaphore, #tpu.memory_space<semaphore_mem>> -> memref<1x!tpu.dma_semaphore, #tpu.memory_space<semaphore_mem>>
        %dma_start3A_1622 = tpu.memref_squeeze %dma_start3A_1621 : memref<1x!tpu.dma_semaphore, #tpu.memory_space<semaphore_mem>> -> memref<!tpu.dma_semaphore, #tpu.memory_space<semaphore_mem>>
        tpu.enqueue_indirect_dma source(%dma_start3A_1620 : memref<100000x128xf32, #tpu.memory_space<hbm>>) target(%dma_start3A_1616 : memref<64x128xf32, #tpu.memory_space<vmem>>) offsets(%dma_start3A_1617 : memref<64xi32, #tpu.memory_space<vmem>>) semaphore(%dma_start3A_1622 : memref<!tpu.dma_semaphore, #tpu.memory_space<semaphore_mem>>)
      } else {
      }
      %dma_wait3A_1445 = arith.constant 10 : i32
      %dma_wait3A_1446 = arith.constant 0 : i32
      %dma_wait3A_1447 = arith.constant 10 : i32
      %dma_wait3A_1448 = arith.constant 0 : i32
      %dma_wait3A_1449 = arith.constant 0 : i32
      %dma_wait3A_1450 = tpu.memref_slice %arg6[%dma_wait3A_1445, %dma_wait3A_1448, %dma_wait3A_1449] : memref<14x64x128xf32, #tpu.memory_space<vmem>> -> memref<1x64x128xf32, #tpu.memory_space<vmem>>
      %dma_wait3A_1451 = tpu.memref_squeeze %dma_wait3A_1450 : memref<1x64x128xf32, #tpu.memory_space<vmem>> -> memref<64x128xf32, #tpu.memory_space<vmem>>
      %dma_wait3A_1452 = arith.constant 0 : i32
      %dma_wait3A_1453 = arith.constant 0 : i32
      %dma_wait3A_1454 = arith.constant 0 : i32
      %dma_wait3A_1455 = tpu.memref_slice %arg4[%add3A, %dma_wait3A_1452, %dma_wait3A_1453, %dma_wait3A_1454] : memref<32x100x64x128xf32, #tpu.memory_space<hbm>> -> memref<1x100x64x128xf32, #tpu.memory_space<hbm>>
      %dma_wait3A_1456 = tpu.memref_squeeze %dma_wait3A_1455 : memref<1x100x64x128xf32, #tpu.memory_space<hbm>> -> memref<100x64x128xf32, #tpu.memory_space<hbm>>
      %dma_wait3A_1457 = arith.constant 0 : i32
      %dma_wait3A_1458 = arith.constant 0 : i32
      %dma_wait3A_1459 = tpu.memref_slice %dma_wait3A_1456[%dma_wait3A_1446, %dma_wait3A_1457, %dma_wait3A_1458] : memref<100x64x128xf32, #tpu.memory_space<hbm>> -> memref<1x64x128xf32, #tpu.memory_space<hbm>>
      %dma_wait3A_1460 = tpu.memref_squeeze %dma_wait3A_1459 : memref<1x64x128xf32, #tpu.memory_space<hbm>> -> memref<64x128xf32, #tpu.memory_space<hbm>>
      %dma_wait3A_1461 = tpu.memref_slice %arg8[%dma_wait3A_1447] : memref<14x!tpu.dma_semaphore, #tpu.memory_space<semaphore_mem>> -> memref<1x!tpu.dma_semaphore, #tpu.memory_space<semaphore_mem>>
      %dma_wait3A_1462 = tpu.memref_squeeze %dma_wait3A_1461 : memref<1x!tpu.dma_semaphore, #tpu.memory_space<semaphore_mem>> -> memref<!tpu.dma_semaphore, #tpu.memory_space<semaphore_mem>>
      %dma_wait3A_1463 = arith.constant 0 : i32
      %dma_wait3A_1464 = arith.constant 0 : i32
      %dma_wait3A_1465 = arith.constant 0 : i32
      %dma_wait3A_1466 = tpu.memref_slice %arg4[%add3A, %dma_wait3A_1463, %dma_wait3A_1464, %dma_wait3A_1465] : memref<32x100x64x128xf32, #tpu.memory_space<hbm>> -> memref<1x100x64x128xf32, #tpu.memory_space<hbm>>
      %dma_wait3A_1467 = tpu.memref_squeeze %dma_wait3A_1466 : memref<1x100x64x128xf32, #tpu.memory_space<hbm>> -> memref<100x64x128xf32, #tpu.memory_space<hbm>>
      %dma_wait3A_1468 = arith.constant 0 : i32
      %dma_wait3A_1469 = arith.constant 0 : i32
      %dma_wait3A_1470 = tpu.memref_slice %dma_wait3A_1467[%dma_wait3A_1446, %dma_wait3A_1468, %dma_wait3A_1469] : memref<100x64x128xf32, #tpu.memory_space<hbm>> -> memref<1x64x128xf32, #tpu.memory_space<hbm>>
      %dma_wait3A_1471 = tpu.memref_squeeze %dma_wait3A_1470 : memref<1x64x128xf32, #tpu.memory_space<hbm>> -> memref<64x128xf32, #tpu.memory_space<hbm>>
      %dma_wait3A_1472 = arith.constant 0 : i32
      %dma_wait3A_1473 = arith.constant 0 : i32
      %dma_wait3A_1474 = tpu.memref_slice %arg6[%dma_wait3A_1445, %dma_wait3A_1472, %dma_wait3A_1473] : memref<14x64x128xf32, #tpu.memory_space<vmem>> -> memref<1x64x128xf32, #tpu.memory_space<vmem>>
      %dma_wait3A_1475 = tpu.memref_squeeze %dma_wait3A_1474 : memref<1x64x128xf32, #tpu.memory_space<vmem>> -> memref<64x128xf32, #tpu.memory_space<vmem>>
      tpu.wait_dma2 semaphore(%dma_wait3A_1462 : memref<!tpu.dma_semaphore, #tpu.memory_space<semaphore_mem>>) src(%dma_wait3A_1475 : memref<64x128xf32, #tpu.memory_space<vmem>>) dst(%dma_wait3A_1471 : memref<64x128xf32, #tpu.memory_space<hbm>>)
      %add3A_1476 = arith.constant 14 : i32
      %add3A_1477 = arith.addi %mul3A_347, %add3A_1476 : i32
      %add3A_1478 = arith.constant 10 : i32
      %add3A_1479 = arith.addi %add3A_1477, %add3A_1478 : i32
      %lt3A_1480 = arith.constant 100 : i32
      %lt3A_1481 = arith.cmpi slt, %add3A_1479, %lt3A_1480 : i32
      %convert_element_type3A_1482 = arith.extui %lt3A_1481 : i1 to i32
      %cond3A_1483 = arith.constant 0 : i32
      %cond3A_1484 = arith.cmpi ne, %convert_element_type3A_1482, %cond3A_1483 : i32
      scf.if %cond3A_1484 {
        %add3A_1605 = arith.constant 14 : i32
        %add3A_1606 = arith.addi %mul3A_347, %add3A_1605 : i32
        %add3A_1607 = arith.constant 10 : i32
        %add3A_1608 = arith.addi %add3A_1606, %add3A_1607 : i32
        %mul3A_1609 = arith.constant 64 : i32
        %mul3A_1610 = arith.muli %add3A_1608, %mul3A_1609 : i32
        %dma_start3A_1611 = arith.constant 10 : i32
        %dma_start3A_1612 = arith.constant 10 : i32
        %dma_start3A_1613 = arith.constant 0 : i32
        %dma_start3A_1614 = arith.constant 0 : i32
        %dma_start3A_1615 = tpu.memref_slice %arg6[%dma_start3A_1611, %dma_start3A_1613, %dma_start3A_1614] : memref<14x64x128xf32, #tpu.memory_space<vmem>> -> memref<1x64x128xf32, #tpu.memory_space<vmem>>
        %dma_start3A_1616 = tpu.memref_squeeze %dma_start3A_1615 : memref<1x64x128xf32, #tpu.memory_space<vmem>> -> memref<64x128xf32, #tpu.memory_space<vmem>>
        %dma_start3A_1617 = tpu.memref_slice %arg5[%mul3A_1610] : memref<6400xi32, #tpu.memory_space<vmem>> -> memref<64xi32, #tpu.memory_space<vmem>>
        %dma_start3A_1618 = arith.constant 0 : i32
        %dma_start3A_1619 = arith.constant 0 : i32
        %dma_start3A_1620 = tpu.memref_slice %arg3[%dma_start3A_1618, %dma_start3A_1619] : memref<100000x128xf32, #tpu.memory_space<hbm>> -> memref<100000x128xf32, #tpu.memory_space<hbm>>
        %dma_start3A_1621 = tpu.memref_slice %arg7[%dma_start3A_1612] : memref<14x!tpu.dma_semaphore, #tpu.memory_space<semaphore_mem>> -> memref<1x!tpu.dma_semaphore, #tpu.memory_space<semaphore_mem>>
        %dma_start3A_1622 = tpu.memref_squeeze %dma_start3A_1621 : memref<1x!tpu.dma_semaphore, #tpu.memory_space<semaphore_mem>> -> memref<!tpu.dma_semaphore, #tpu.memory_space<semaphore_mem>>
        tpu.enqueue_indirect_dma source(%dma_start3A_1620 : memref<100000x128xf32, #tpu.memory_space<hbm>>) target(%dma_start3A_1616 : memref<64x128xf32, #tpu.memory_space<vmem>>) offsets(%dma_start3A_1617 : memref<64xi32, #tpu.memory_space<vmem>>) semaphore(%dma_start3A_1622 : memref<!tpu.dma_semaphore, #tpu.memory_space<semaphore_mem>>)
      } else {
      }
      %dma_wait3A_1485 = arith.constant 11 : i32
      %dma_wait3A_1486 = arith.constant 0 : i32
      %dma_wait3A_1487 = arith.constant 11 : i32
      %dma_wait3A_1488 = arith.constant 0 : i32
      %dma_wait3A_1489 = arith.constant 0 : i32
      %dma_wait3A_1490 = tpu.memref_slice %arg6[%dma_wait3A_1485, %dma_wait3A_1488, %dma_wait3A_1489] : memref<14x64x128xf32, #tpu.memory_space<vmem>> -> memref<1x64x128xf32, #tpu.memory_space<vmem>>
      %dma_wait3A_1491 = tpu.memref_squeeze %dma_wait3A_1490 : memref<1x64x128xf32, #tpu.memory_space<vmem>> -> memref<64x128xf32, #tpu.memory_space<vmem>>
      %dma_wait3A_1492 = arith.constant 0 : i32
      %dma_wait3A_1493 = arith.constant 0 : i32
      %dma_wait3A_1494 = arith.constant 0 : i32
      %dma_wait3A_1495 = tpu.memref_slice %arg4[%add3A, %dma_wait3A_1492, %dma_wait3A_1493, %dma_wait3A_1494] : memref<32x100x64x128xf32, #tpu.memory_space<hbm>> -> memref<1x100x64x128xf32, #tpu.memory_space<hbm>>
      %dma_wait3A_1496 = tpu.memref_squeeze %dma_wait3A_1495 : memref<1x100x64x128xf32, #tpu.memory_space<hbm>> -> memref<100x64x128xf32, #tpu.memory_space<hbm>>
      %dma_wait3A_1497 = arith.constant 0 : i32
      %dma_wait3A_1498 = arith.constant 0 : i32
      %dma_wait3A_1499 = tpu.memref_slice %dma_wait3A_1496[%dma_wait3A_1486, %dma_wait3A_1497, %dma_wait3A_1498] : memref<100x64x128xf32, #tpu.memory_space<hbm>> -> memref<1x64x128xf32, #tpu.memory_space<hbm>>
      %dma_wait3A_1500 = tpu.memref_squeeze %dma_wait3A_1499 : memref<1x64x128xf32, #tpu.memory_space<hbm>> -> memref<64x128xf32, #tpu.memory_space<hbm>>
      %dma_wait3A_1501 = tpu.memref_slice %arg8[%dma_wait3A_1487] : memref<14x!tpu.dma_semaphore, #tpu.memory_space<semaphore_mem>> -> memref<1x!tpu.dma_semaphore, #tpu.memory_space<semaphore_mem>>
      %dma_wait3A_1502 = tpu.memref_squeeze %dma_wait3A_1501 : memref<1x!tpu.dma_semaphore, #tpu.memory_space<semaphore_mem>> -> memref<!tpu.dma_semaphore, #tpu.memory_space<semaphore_mem>>
      %dma_wait3A_1503 = arith.constant 0 : i32
      %dma_wait3A_1504 = arith.constant 0 : i32
      %dma_wait3A_1505 = arith.constant 0 : i32
      %dma_wait3A_1506 = tpu.memref_slice %arg4[%add3A, %dma_wait3A_1503, %dma_wait3A_1504, %dma_wait3A_1505] : memref<32x100x64x128xf32, #tpu.memory_space<hbm>> -> memref<1x100x64x128xf32, #tpu.memory_space<hbm>>
      %dma_wait3A_1507 = tpu.memref_squeeze %dma_wait3A_1506 : memref<1x100x64x128xf32, #tpu.memory_space<hbm>> -> memref<100x64x128xf32, #tpu.memory_space<hbm>>
      %dma_wait3A_1508 = arith.constant 0 : i32
      %dma_wait3A_1509 = arith.constant 0 : i32
      %dma_wait3A_1510 = tpu.memref_slice %dma_wait3A_1507[%dma_wait3A_1486, %dma_wait3A_1508, %dma_wait3A_1509] : memref<100x64x128xf32, #tpu.memory_space<hbm>> -> memref<1x64x128xf32, #tpu.memory_space<hbm>>
      %dma_wait3A_1511 = tpu.memref_squeeze %dma_wait3A_1510 : memref<1x64x128xf32, #tpu.memory_space<hbm>> -> memref<64x128xf32, #tpu.memory_space<hbm>>
      %dma_wait3A_1512 = arith.constant 0 : i32
      %dma_wait3A_1513 = arith.constant 0 : i32
      %dma_wait3A_1514 = tpu.memref_slice %arg6[%dma_wait3A_1485, %dma_wait3A_1512, %dma_wait3A_1513] : memref<14x64x128xf32, #tpu.memory_space<vmem>> -> memref<1x64x128xf32, #tpu.memory_space<vmem>>
      %dma_wait3A_1515 = tpu.memref_squeeze %dma_wait3A_1514 : memref<1x64x128xf32, #tpu.memory_space<vmem>> -> memref<64x128xf32, #tpu.memory_space<vmem>>
      tpu.wait_dma2 semaphore(%dma_wait3A_1502 : memref<!tpu.dma_semaphore, #tpu.memory_space<semaphore_mem>>) src(%dma_wait3A_1515 : memref<64x128xf32, #tpu.memory_space<vmem>>) dst(%dma_wait3A_1511 : memref<64x128xf32, #tpu.memory_space<hbm>>)
      %add3A_1516 = arith.constant 14 : i32
      %add3A_1517 = arith.addi %mul3A_347, %add3A_1516 : i32
      %add3A_1518 = arith.constant 11 : i32
      %add3A_1519 = arith.addi %add3A_1517, %add3A_1518 : i32
      %lt3A_1520 = arith.constant 100 : i32
      %lt3A_1521 = arith.cmpi slt, %add3A_1519, %lt3A_1520 : i32
      %convert_element_type3A_1522 = arith.extui %lt3A_1521 : i1 to i32
      %cond3A_1523 = arith.constant 0 : i32
      %cond3A_1524 = arith.cmpi ne, %convert_element_type3A_1522, %cond3A_1523 : i32
      scf.if %cond3A_1524 {
        %add3A_1605 = arith.constant 14 : i32
        %add3A_1606 = arith.addi %mul3A_347, %add3A_1605 : i32
        %add3A_1607 = arith.constant 11 : i32
        %add3A_1608 = arith.addi %add3A_1606, %add3A_1607 : i32
        %mul3A_1609 = arith.constant 64 : i32
        %mul3A_1610 = arith.muli %add3A_1608, %mul3A_1609 : i32
        %dma_start3A_1611 = arith.constant 11 : i32
        %dma_start3A_1612 = arith.constant 11 : i32
        %dma_start3A_1613 = arith.constant 0 : i32
        %dma_start3A_1614 = arith.constant 0 : i32
        %dma_start3A_1615 = tpu.memref_slice %arg6[%dma_start3A_1611, %dma_start3A_1613, %dma_start3A_1614] : memref<14x64x128xf32, #tpu.memory_space<vmem>> -> memref<1x64x128xf32, #tpu.memory_space<vmem>>
        %dma_start3A_1616 = tpu.memref_squeeze %dma_start3A_1615 : memref<1x64x128xf32, #tpu.memory_space<vmem>> -> memref<64x128xf32, #tpu.memory_space<vmem>>
        %dma_start3A_1617 = tpu.memref_slice %arg5[%mul3A_1610] : memref<6400xi32, #tpu.memory_space<vmem>> -> memref<64xi32, #tpu.memory_space<vmem>>
        %dma_start3A_1618 = arith.constant 0 : i32
        %dma_start3A_1619 = arith.constant 0 : i32
        %dma_start3A_1620 = tpu.memref_slice %arg3[%dma_start3A_1618, %dma_start3A_1619] : memref<100000x128xf32, #tpu.memory_space<hbm>> -> memref<100000x128xf32, #tpu.memory_space<hbm>>
        %dma_start3A_1621 = tpu.memref_slice %arg7[%dma_start3A_1612] : memref<14x!tpu.dma_semaphore, #tpu.memory_space<semaphore_mem>> -> memref<1x!tpu.dma_semaphore, #tpu.memory_space<semaphore_mem>>
        %dma_start3A_1622 = tpu.memref_squeeze %dma_start3A_1621 : memref<1x!tpu.dma_semaphore, #tpu.memory_space<semaphore_mem>> -> memref<!tpu.dma_semaphore, #tpu.memory_space<semaphore_mem>>
        tpu.enqueue_indirect_dma source(%dma_start3A_1620 : memref<100000x128xf32, #tpu.memory_space<hbm>>) target(%dma_start3A_1616 : memref<64x128xf32, #tpu.memory_space<vmem>>) offsets(%dma_start3A_1617 : memref<64xi32, #tpu.memory_space<vmem>>) semaphore(%dma_start3A_1622 : memref<!tpu.dma_semaphore, #tpu.memory_space<semaphore_mem>>)
      } else {
      }
      %dma_wait3A_1525 = arith.constant 12 : i32
      %dma_wait3A_1526 = arith.constant 0 : i32
      %dma_wait3A_1527 = arith.constant 12 : i32
      %dma_wait3A_1528 = arith.constant 0 : i32
      %dma_wait3A_1529 = arith.constant 0 : i32
      %dma_wait3A_1530 = tpu.memref_slice %arg6[%dma_wait3A_1525, %dma_wait3A_1528, %dma_wait3A_1529] : memref<14x64x128xf32, #tpu.memory_space<vmem>> -> memref<1x64x128xf32, #tpu.memory_space<vmem>>
      %dma_wait3A_1531 = tpu.memref_squeeze %dma_wait3A_1530 : memref<1x64x128xf32, #tpu.memory_space<vmem>> -> memref<64x128xf32, #tpu.memory_space<vmem>>
      %dma_wait3A_1532 = arith.constant 0 : i32
      %dma_wait3A_1533 = arith.constant 0 : i32
      %dma_wait3A_1534 = arith.constant 0 : i32
      %dma_wait3A_1535 = tpu.memref_slice %arg4[%add3A, %dma_wait3A_1532, %dma_wait3A_1533, %dma_wait3A_1534] : memref<32x100x64x128xf32, #tpu.memory_space<hbm>> -> memref<1x100x64x128xf32, #tpu.memory_space<hbm>>
      %dma_wait3A_1536 = tpu.memref_squeeze %dma_wait3A_1535 : memref<1x100x64x128xf32, #tpu.memory_space<hbm>> -> memref<100x64x128xf32, #tpu.memory_space<hbm>>
      %dma_wait3A_1537 = arith.constant 0 : i32
      %dma_wait3A_1538 = arith.constant 0 : i32
      %dma_wait3A_1539 = tpu.memref_slice %dma_wait3A_1536[%dma_wait3A_1526, %dma_wait3A_1537, %dma_wait3A_1538] : memref<100x64x128xf32, #tpu.memory_space<hbm>> -> memref<1x64x128xf32, #tpu.memory_space<hbm>>
      %dma_wait3A_1540 = tpu.memref_squeeze %dma_wait3A_1539 : memref<1x64x128xf32, #tpu.memory_space<hbm>> -> memref<64x128xf32, #tpu.memory_space<hbm>>
      %dma_wait3A_1541 = tpu.memref_slice %arg8[%dma_wait3A_1527] : memref<14x!tpu.dma_semaphore, #tpu.memory_space<semaphore_mem>> -> memref<1x!tpu.dma_semaphore, #tpu.memory_space<semaphore_mem>>
      %dma_wait3A_1542 = tpu.memref_squeeze %dma_wait3A_1541 : memref<1x!tpu.dma_semaphore, #tpu.memory_space<semaphore_mem>> -> memref<!tpu.dma_semaphore, #tpu.memory_space<semaphore_mem>>
      %dma_wait3A_1543 = arith.constant 0 : i32
      %dma_wait3A_1544 = arith.constant 0 : i32
      %dma_wait3A_1545 = arith.constant 0 : i32
      %dma_wait3A_1546 = tpu.memref_slice %arg4[%add3A, %dma_wait3A_1543, %dma_wait3A_1544, %dma_wait3A_1545] : memref<32x100x64x128xf32, #tpu.memory_space<hbm>> -> memref<1x100x64x128xf32, #tpu.memory_space<hbm>>
      %dma_wait3A_1547 = tpu.memref_squeeze %dma_wait3A_1546 : memref<1x100x64x128xf32, #tpu.memory_space<hbm>> -> memref<100x64x128xf32, #tpu.memory_space<hbm>>
      %dma_wait3A_1548 = arith.constant 0 : i32
      %dma_wait3A_1549 = arith.constant 0 : i32
      %dma_wait3A_1550 = tpu.memref_slice %dma_wait3A_1547[%dma_wait3A_1526, %dma_wait3A_1548, %dma_wait3A_1549] : memref<100x64x128xf32, #tpu.memory_space<hbm>> -> memref<1x64x128xf32, #tpu.memory_space<hbm>>
      %dma_wait3A_1551 = tpu.memref_squeeze %dma_wait3A_1550 : memref<1x64x128xf32, #tpu.memory_space<hbm>> -> memref<64x128xf32, #tpu.memory_space<hbm>>
      %dma_wait3A_1552 = arith.constant 0 : i32
      %dma_wait3A_1553 = arith.constant 0 : i32
      %dma_wait3A_1554 = tpu.memref_slice %arg6[%dma_wait3A_1525, %dma_wait3A_1552, %dma_wait3A_1553] : memref<14x64x128xf32, #tpu.memory_space<vmem>> -> memref<1x64x128xf32, #tpu.memory_space<vmem>>
      %dma_wait3A_1555 = tpu.memref_squeeze %dma_wait3A_1554 : memref<1x64x128xf32, #tpu.memory_space<vmem>> -> memref<64x128xf32, #tpu.memory_space<vmem>>
      tpu.wait_dma2 semaphore(%dma_wait3A_1542 : memref<!tpu.dma_semaphore, #tpu.memory_space<semaphore_mem>>) src(%dma_wait3A_1555 : memref<64x128xf32, #tpu.memory_space<vmem>>) dst(%dma_wait3A_1551 : memref<64x128xf32, #tpu.memory_space<hbm>>)
      %add3A_1556 = arith.constant 14 : i32
      %add3A_1557 = arith.addi %mul3A_347, %add3A_1556 : i32
      %add3A_1558 = arith.constant 12 : i32
      %add3A_1559 = arith.addi %add3A_1557, %add3A_1558 : i32
      %lt3A_1560 = arith.constant 100 : i32
      %lt3A_1561 = arith.cmpi slt, %add3A_1559, %lt3A_1560 : i32
      %convert_element_type3A_1562 = arith.extui %lt3A_1561 : i1 to i32
      %cond3A_1563 = arith.constant 0 : i32
      %cond3A_1564 = arith.cmpi ne, %convert_element_type3A_1562, %cond3A_1563 : i32
      scf.if %cond3A_1564 {
        %add3A_1605 = arith.constant 14 : i32
        %add3A_1606 = arith.addi %mul3A_347, %add3A_1605 : i32
        %add3A_1607 = arith.constant 12 : i32
        %add3A_1608 = arith.addi %add3A_1606, %add3A_1607 : i32
        %mul3A_1609 = arith.constant 64 : i32
        %mul3A_1610 = arith.muli %add3A_1608, %mul3A_1609 : i32
        %dma_start3A_1611 = arith.constant 12 : i32
        %dma_start3A_1612 = arith.constant 12 : i32
        %dma_start3A_1613 = arith.constant 0 : i32
        %dma_start3A_1614 = arith.constant 0 : i32
        %dma_start3A_1615 = tpu.memref_slice %arg6[%dma_start3A_1611, %dma_start3A_1613, %dma_start3A_1614] : memref<14x64x128xf32, #tpu.memory_space<vmem>> -> memref<1x64x128xf32, #tpu.memory_space<vmem>>
        %dma_start3A_1616 = tpu.memref_squeeze %dma_start3A_1615 : memref<1x64x128xf32, #tpu.memory_space<vmem>> -> memref<64x128xf32, #tpu.memory_space<vmem>>
        %dma_start3A_1617 = tpu.memref_slice %arg5[%mul3A_1610] : memref<6400xi32, #tpu.memory_space<vmem>> -> memref<64xi32, #tpu.memory_space<vmem>>
        %dma_start3A_1618 = arith.constant 0 : i32
        %dma_start3A_1619 = arith.constant 0 : i32
        %dma_start3A_1620 = tpu.memref_slice %arg3[%dma_start3A_1618, %dma_start3A_1619] : memref<100000x128xf32, #tpu.memory_space<hbm>> -> memref<100000x128xf32, #tpu.memory_space<hbm>>
        %dma_start3A_1621 = tpu.memref_slice %arg7[%dma_start3A_1612] : memref<14x!tpu.dma_semaphore, #tpu.memory_space<semaphore_mem>> -> memref<1x!tpu.dma_semaphore, #tpu.memory_space<semaphore_mem>>
        %dma_start3A_1622 = tpu.memref_squeeze %dma_start3A_1621 : memref<1x!tpu.dma_semaphore, #tpu.memory_space<semaphore_mem>> -> memref<!tpu.dma_semaphore, #tpu.memory_space<semaphore_mem>>
        tpu.enqueue_indirect_dma source(%dma_start3A_1620 : memref<100000x128xf32, #tpu.memory_space<hbm>>) target(%dma_start3A_1616 : memref<64x128xf32, #tpu.memory_space<vmem>>) offsets(%dma_start3A_1617 : memref<64xi32, #tpu.memory_space<vmem>>) semaphore(%dma_start3A_1622 : memref<!tpu.dma_semaphore, #tpu.memory_space<semaphore_mem>>)
      } else {
      }
      %dma_wait3A_1565 = arith.constant 13 : i32
      %dma_wait3A_1566 = arith.constant 0 : i32
      %dma_wait3A_1567 = arith.constant 13 : i32
      %dma_wait3A_1568 = arith.constant 0 : i32
      %dma_wait3A_1569 = arith.constant 0 : i32
      %dma_wait3A_1570 = tpu.memref_slice %arg6[%dma_wait3A_1565, %dma_wait3A_1568, %dma_wait3A_1569] : memref<14x64x128xf32, #tpu.memory_space<vmem>> -> memref<1x64x128xf32, #tpu.memory_space<vmem>>
      %dma_wait3A_1571 = tpu.memref_squeeze %dma_wait3A_1570 : memref<1x64x128xf32, #tpu.memory_space<vmem>> -> memref<64x128xf32, #tpu.memory_space<vmem>>
      %dma_wait3A_1572 = arith.constant 0 : i32
      %dma_wait3A_1573 = arith.constant 0 : i32
      %dma_wait3A_1574 = arith.constant 0 : i32
      %dma_wait3A_1575 = tpu.memref_slice %arg4[%add3A, %dma_wait3A_1572, %dma_wait3A_1573, %dma_wait3A_1574] : memref<32x100x64x128xf32, #tpu.memory_space<hbm>> -> memref<1x100x64x128xf32, #tpu.memory_space<hbm>>
      %dma_wait3A_1576 = tpu.memref_squeeze %dma_wait3A_1575 : memref<1x100x64x128xf32, #tpu.memory_space<hbm>> -> memref<100x64x128xf32, #tpu.memory_space<hbm>>
      %dma_wait3A_1577 = arith.constant 0 : i32
      %dma_wait3A_1578 = arith.constant 0 : i32
      %dma_wait3A_1579 = tpu.memref_slice %dma_wait3A_1576[%dma_wait3A_1566, %dma_wait3A_1577, %dma_wait3A_1578] : memref<100x64x128xf32, #tpu.memory_space<hbm>> -> memref<1x64x128xf32, #tpu.memory_space<hbm>>
      %dma_wait3A_1580 = tpu.memref_squeeze %dma_wait3A_1579 : memref<1x64x128xf32, #tpu.memory_space<hbm>> -> memref<64x128xf32, #tpu.memory_space<hbm>>
      %dma_wait3A_1581 = tpu.memref_slice %arg8[%dma_wait3A_1567] : memref<14x!tpu.dma_semaphore, #tpu.memory_space<semaphore_mem>> -> memref<1x!tpu.dma_semaphore, #tpu.memory_space<semaphore_mem>>
      %dma_wait3A_1582 = tpu.memref_squeeze %dma_wait3A_1581 : memref<1x!tpu.dma_semaphore, #tpu.memory_space<semaphore_mem>> -> memref<!tpu.dma_semaphore, #tpu.memory_space<semaphore_mem>>
      %dma_wait3A_1583 = arith.constant 0 : i32
      %dma_wait3A_1584 = arith.constant 0 : i32
      %dma_wait3A_1585 = arith.constant 0 : i32
      %dma_wait3A_1586 = tpu.memref_slice %arg4[%add3A, %dma_wait3A_1583, %dma_wait3A_1584, %dma_wait3A_1585] : memref<32x100x64x128xf32, #tpu.memory_space<hbm>> -> memref<1x100x64x128xf32, #tpu.memory_space<hbm>>
      %dma_wait3A_1587 = tpu.memref_squeeze %dma_wait3A_1586 : memref<1x100x64x128xf32, #tpu.memory_space<hbm>> -> memref<100x64x128xf32, #tpu.memory_space<hbm>>
      %dma_wait3A_1588 = arith.constant 0 : i32
      %dma_wait3A_1589 = arith.constant 0 : i32
      %dma_wait3A_1590 = tpu.memref_slice %dma_wait3A_1587[%dma_wait3A_1566, %dma_wait3A_1588, %dma_wait3A_1589] : memref<100x64x128xf32, #tpu.memory_space<hbm>> -> memref<1x64x128xf32, #tpu.memory_space<hbm>>
      %dma_wait3A_1591 = tpu.memref_squeeze %dma_wait3A_1590 : memref<1x64x128xf32, #tpu.memory_space<hbm>> -> memref<64x128xf32, #tpu.memory_space<hbm>>
      %dma_wait3A_1592 = arith.constant 0 : i32
      %dma_wait3A_1593 = arith.constant 0 : i32
      %dma_wait3A_1594 = tpu.memref_slice %arg6[%dma_wait3A_1565, %dma_wait3A_1592, %dma_wait3A_1593] : memref<14x64x128xf32, #tpu.memory_space<vmem>> -> memref<1x64x128xf32, #tpu.memory_space<vmem>>
      %dma_wait3A_1595 = tpu.memref_squeeze %dma_wait3A_1594 : memref<1x64x128xf32, #tpu.memory_space<vmem>> -> memref<64x128xf32, #tpu.memory_space<vmem>>
      tpu.wait_dma2 semaphore(%dma_wait3A_1582 : memref<!tpu.dma_semaphore, #tpu.memory_space<semaphore_mem>>) src(%dma_wait3A_1595 : memref<64x128xf32, #tpu.memory_space<vmem>>) dst(%dma_wait3A_1591 : memref<64x128xf32, #tpu.memory_space<hbm>>)
      %add3A_1596 = arith.constant 14 : i32
      %add3A_1597 = arith.addi %mul3A_347, %add3A_1596 : i32
      %add3A_1598 = arith.constant 13 : i32
      %add3A_1599 = arith.addi %add3A_1597, %add3A_1598 : i32
      %lt3A_1600 = arith.constant 100 : i32
      %lt3A_1601 = arith.cmpi slt, %add3A_1599, %lt3A_1600 : i32
      %convert_element_type3A_1602 = arith.extui %lt3A_1601 : i1 to i32
      %cond3A_1603 = arith.constant 0 : i32
      %cond3A_1604 = arith.cmpi ne, %convert_element_type3A_1602, %cond3A_1603 : i32
      scf.if %cond3A_1604 {
        %add3A_1605 = arith.constant 14 : i32
        %add3A_1606 = arith.addi %mul3A_347, %add3A_1605 : i32
        %add3A_1607 = arith.constant 13 : i32
        %add3A_1608 = arith.addi %add3A_1606, %add3A_1607 : i32
        %mul3A_1609 = arith.constant 64 : i32
        %mul3A_1610 = arith.muli %add3A_1608, %mul3A_1609 : i32
        %dma_start3A_1611 = arith.constant 13 : i32
        %dma_start3A_1612 = arith.constant 13 : i32
        %dma_start3A_1613 = arith.constant 0 : i32
        %dma_start3A_1614 = arith.constant 0 : i32
        %dma_start3A_1615 = tpu.memref_slice %arg6[%dma_start3A_1611, %dma_start3A_1613, %dma_start3A_1614] : memref<14x64x128xf32, #tpu.memory_space<vmem>> -> memref<1x64x128xf32, #tpu.memory_space<vmem>>
        %dma_start3A_1616 = tpu.memref_squeeze %dma_start3A_1615 : memref<1x64x128xf32, #tpu.memory_space<vmem>> -> memref<64x128xf32, #tpu.memory_space<vmem>>
        %dma_start3A_1617 = tpu.memref_slice %arg5[%mul3A_1610] : memref<6400xi32, #tpu.memory_space<vmem>> -> memref<64xi32, #tpu.memory_space<vmem>>
        %dma_start3A_1618 = arith.constant 0 : i32
        %dma_start3A_1619 = arith.constant 0 : i32
        %dma_start3A_1620 = tpu.memref_slice %arg3[%dma_start3A_1618, %dma_start3A_1619] : memref<100000x128xf32, #tpu.memory_space<hbm>> -> memref<100000x128xf32, #tpu.memory_space<hbm>>
        %dma_start3A_1621 = tpu.memref_slice %arg7[%dma_start3A_1612] : memref<14x!tpu.dma_semaphore, #tpu.memory_space<semaphore_mem>> -> memref<1x!tpu.dma_semaphore, #tpu.memory_space<semaphore_mem>>
        %dma_start3A_1622 = tpu.memref_squeeze %dma_start3A_1621 : memref<1x!tpu.dma_semaphore, #tpu.memory_space<semaphore_mem>> -> memref<!tpu.dma_semaphore, #tpu.memory_space<semaphore_mem>>
        tpu.enqueue_indirect_dma source(%dma_start3A_1620 : memref<100000x128xf32, #tpu.memory_space<hbm>>) target(%dma_start3A_1616 : memref<64x128xf32, #tpu.memory_space<vmem>>) offsets(%dma_start3A_1617 : memref<64xi32, #tpu.memory_space<vmem>>) semaphore(%dma_start3A_1622 : memref<!tpu.dma_semaphore, #tpu.memory_space<semaphore_mem>>)
      } else {
      }
    }
    %scan3A_185 = arith.constant 7 : i32
    %dma_wait3A = arith.constant 0 : i32
    %dma_wait3A_186 = arith.constant 0 : i32
    %dma_wait3A_187 = arith.constant 0 : i32
    %dma_wait3A_188 = arith.constant 0 : i32
    %dma_wait3A_189 = tpu.memref_slice %arg6[%dma_wait3A, %dma_wait3A_187, %dma_wait3A_188] : memref<14x64x128xf32, #tpu.memory_space<vmem>> -> memref<1x64x128xf32, #tpu.memory_space<vmem>>
    %dma_wait3A_190 = tpu.memref_squeeze %dma_wait3A_189 : memref<1x64x128xf32, #tpu.memory_space<vmem>> -> memref<64x128xf32, #tpu.memory_space<vmem>>
    %dma_wait3A_191 = arith.constant 0 : i32
    %dma_wait3A_192 = arith.constant 0 : i32
    %dma_wait3A_193 = tpu.memref_slice %arg3[%dma_wait3A_191, %dma_wait3A_192] : memref<100000x128xf32, #tpu.memory_space<hbm>> -> memref<64x128xf32, #tpu.memory_space<hbm>>
    %dma_wait3A_194 = tpu.memref_slice %arg7[%dma_wait3A_186] : memref<14x!tpu.dma_semaphore, #tpu.memory_space<semaphore_mem>> -> memref<1x!tpu.dma_semaphore, #tpu.memory_space<semaphore_mem>>
    %dma_wait3A_195 = tpu.memref_squeeze %dma_wait3A_194 : memref<1x!tpu.dma_semaphore, #tpu.memory_space<semaphore_mem>> -> memref<!tpu.dma_semaphore, #tpu.memory_space<semaphore_mem>>
    %dma_wait3A_196 = arith.constant 0 : i32
    %dma_wait3A_197 = arith.constant 0 : i32
    %dma_wait3A_198 = tpu.memref_slice %arg6[%dma_wait3A, %dma_wait3A_196, %dma_wait3A_197] : memref<14x64x128xf32, #tpu.memory_space<vmem>> -> memref<1x64x128xf32, #tpu.memory_space<vmem>>
    %dma_wait3A_199 = tpu.memref_squeeze %dma_wait3A_198 : memref<1x64x128xf32, #tpu.memory_space<vmem>> -> memref<64x128xf32, #tpu.memory_space<vmem>>
    %dma_wait3A_200 = arith.constant 0 : i32
    %dma_wait3A_201 = arith.constant 0 : i32
    %dma_wait3A_202 = tpu.memref_slice %arg3[%dma_wait3A_200, %dma_wait3A_201] : memref<100000x128xf32, #tpu.memory_space<hbm>> -> memref<64x128xf32, #tpu.memory_space<hbm>>
    tpu.wait_dma2 semaphore(%dma_wait3A_195 : memref<!tpu.dma_semaphore, #tpu.memory_space<semaphore_mem>>) src(%dma_wait3A_202 : memref<64x128xf32, #tpu.memory_space<hbm>>) dst(%dma_wait3A_199 : memref<64x128xf32, #tpu.memory_space<vmem>>)
    %dma_start3A_203 = arith.constant 0 : i32
    %dma_start3A_204 = arith.constant 98 : i32
    %dma_start3A_205 = arith.constant 0 : i32
    %dma_start3A_206 = arith.constant 0 : i32
    %dma_start3A_207 = arith.constant 0 : i32
    %dma_start3A_208 = tpu.memref_slice %arg6[%dma_start3A_203, %dma_start3A_206, %dma_start3A_207] : memref<14x64x128xf32, #tpu.memory_space<vmem>> -> memref<1x64x128xf32, #tpu.memory_space<vmem>>
    %dma_start3A_209 = tpu.memref_squeeze %dma_start3A_208 : memref<1x64x128xf32, #tpu.memory_space<vmem>> -> memref<64x128xf32, #tpu.memory_space<vmem>>
    %dma_start3A_210 = arith.constant 0 : i32
    %dma_start3A_211 = arith.constant 0 : i32
    %dma_start3A_212 = arith.constant 0 : i32
    %dma_start3A_213 = tpu.memref_slice %arg4[%add3A, %dma_start3A_210, %dma_start3A_211, %dma_start3A_212] : memref<32x100x64x128xf32, #tpu.memory_space<hbm>> -> memref<1x100x64x128xf32, #tpu.memory_space<hbm>>
    %dma_start3A_214 = tpu.memref_squeeze %dma_start3A_213 : memref<1x100x64x128xf32, #tpu.memory_space<hbm>> -> memref<100x64x128xf32, #tpu.memory_space<hbm>>
    %dma_start3A_215 = arith.constant 0 : i32
    %dma_start3A_216 = arith.constant 0 : i32
    %dma_start3A_217 = tpu.memref_slice %dma_start3A_214[%dma_start3A_204, %dma_start3A_215, %dma_start3A_216] : memref<100x64x128xf32, #tpu.memory_space<hbm>> -> memref<1x64x128xf32, #tpu.memory_space<hbm>>
    %dma_start3A_218 = tpu.memref_squeeze %dma_start3A_217 : memref<1x64x128xf32, #tpu.memory_space<hbm>> -> memref<64x128xf32, #tpu.memory_space<hbm>>
    %dma_start3A_219 = tpu.memref_slice %arg8[%dma_start3A_205] : memref<14x!tpu.dma_semaphore, #tpu.memory_space<semaphore_mem>> -> memref<1x!tpu.dma_semaphore, #tpu.memory_space<semaphore_mem>>
    %dma_start3A_220 = tpu.memref_squeeze %dma_start3A_219 : memref<1x!tpu.dma_semaphore, #tpu.memory_space<semaphore_mem>> -> memref<!tpu.dma_semaphore, #tpu.memory_space<semaphore_mem>>
    %dma_start3A_221 = arith.constant 0 : i32
    %dma_start3A_222 = arith.constant 0 : i32
    %dma_start3A_223 = arith.constant 0 : i32
    %dma_start3A_224 = tpu.memref_slice %arg4[%add3A, %dma_start3A_221, %dma_start3A_222, %dma_start3A_223] : memref<32x100x64x128xf32, #tpu.memory_space<hbm>> -> memref<1x100x64x128xf32, #tpu.memory_space<hbm>>
    %dma_start3A_225 = tpu.memref_squeeze %dma_start3A_224 : memref<1x100x64x128xf32, #tpu.memory_space<hbm>> -> memref<100x64x128xf32, #tpu.memory_space<hbm>>
    %dma_start3A_226 = arith.constant 0 : i32
    %dma_start3A_227 = arith.constant 0 : i32
    %dma_start3A_228 = tpu.memref_slice %dma_start3A_225[%dma_start3A_204, %dma_start3A_226, %dma_start3A_227] : memref<100x64x128xf32, #tpu.memory_space<hbm>> -> memref<1x64x128xf32, #tpu.memory_space<hbm>>
    %dma_start3A_229 = tpu.memref_squeeze %dma_start3A_228 : memref<1x64x128xf32, #tpu.memory_space<hbm>> -> memref<64x128xf32, #tpu.memory_space<hbm>>
    %dma_start3A_230 = arith.constant 0 : i32
    %dma_start3A_231 = arith.constant 0 : i32
    %dma_start3A_232 = tpu.memref_slice %arg6[%dma_start3A_203, %dma_start3A_230, %dma_start3A_231] : memref<14x64x128xf32, #tpu.memory_space<vmem>> -> memref<1x64x128xf32, #tpu.memory_space<vmem>>
    %dma_start3A_233 = tpu.memref_squeeze %dma_start3A_232 : memref<1x64x128xf32, #tpu.memory_space<vmem>> -> memref<64x128xf32, #tpu.memory_space<vmem>>
    tpu.enqueue_dma source(%dma_start3A_233 : memref<64x128xf32, #tpu.memory_space<vmem>>) target(%dma_start3A_229 : memref<64x128xf32, #tpu.memory_space<hbm>>) target_semaphore(%dma_start3A_220 : memref<!tpu.dma_semaphore, #tpu.memory_space<semaphore_mem>>)
    %dma_wait3A_234 = arith.constant 1 : i32
    %dma_wait3A_235 = arith.constant 1 : i32
    %dma_wait3A_236 = arith.constant 0 : i32
    %dma_wait3A_237 = arith.constant 0 : i32
    %dma_wait3A_238 = tpu.memref_slice %arg6[%dma_wait3A_234, %dma_wait3A_236, %dma_wait3A_237] : memref<14x64x128xf32, #tpu.memory_space<vmem>> -> memref<1x64x128xf32, #tpu.memory_space<vmem>>
    %dma_wait3A_239 = tpu.memref_squeeze %dma_wait3A_238 : memref<1x64x128xf32, #tpu.memory_space<vmem>> -> memref<64x128xf32, #tpu.memory_space<vmem>>
    %dma_wait3A_240 = arith.constant 0 : i32
    %dma_wait3A_241 = arith.constant 0 : i32
    %dma_wait3A_242 = tpu.memref_slice %arg3[%dma_wait3A_240, %dma_wait3A_241] : memref<100000x128xf32, #tpu.memory_space<hbm>> -> memref<64x128xf32, #tpu.memory_space<hbm>>
    %dma_wait3A_243 = tpu.memref_slice %arg7[%dma_wait3A_235] : memref<14x!tpu.dma_semaphore, #tpu.memory_space<semaphore_mem>> -> memref<1x!tpu.dma_semaphore, #tpu.memory_space<semaphore_mem>>
    %dma_wait3A_244 = tpu.memref_squeeze %dma_wait3A_243 : memref<1x!tpu.dma_semaphore, #tpu.memory_space<semaphore_mem>> -> memref<!tpu.dma_semaphore, #tpu.memory_space<semaphore_mem>>
    %dma_wait3A_245 = arith.constant 0 : i32
    %dma_wait3A_246 = arith.constant 0 : i32
    %dma_wait3A_247 = tpu.memref_slice %arg6[%dma_wait3A_234, %dma_wait3A_245, %dma_wait3A_246] : memref<14x64x128xf32, #tpu.memory_space<vmem>> -> memref<1x64x128xf32, #tpu.memory_space<vmem>>
    %dma_wait3A_248 = tpu.memref_squeeze %dma_wait3A_247 : memref<1x64x128xf32, #tpu.memory_space<vmem>> -> memref<64x128xf32, #tpu.memory_space<vmem>>
    %dma_wait3A_249 = arith.constant 0 : i32
    %dma_wait3A_250 = arith.constant 0 : i32
    %dma_wait3A_251 = tpu.memref_slice %arg3[%dma_wait3A_249, %dma_wait3A_250] : memref<100000x128xf32, #tpu.memory_space<hbm>> -> memref<64x128xf32, #tpu.memory_space<hbm>>
    tpu.wait_dma2 semaphore(%dma_wait3A_244 : memref<!tpu.dma_semaphore, #tpu.memory_space<semaphore_mem>>) src(%dma_wait3A_251 : memref<64x128xf32, #tpu.memory_space<hbm>>) dst(%dma_wait3A_248 : memref<64x128xf32, #tpu.memory_space<vmem>>)
    %dma_start3A_252 = arith.constant 1 : i32
    %dma_start3A_253 = arith.constant 99 : i32
    %dma_start3A_254 = arith.constant 1 : i32
    %dma_start3A_255 = arith.constant 0 : i32
    %dma_start3A_256 = arith.constant 0 : i32
    %dma_start3A_257 = tpu.memref_slice %arg6[%dma_start3A_252, %dma_start3A_255, %dma_start3A_256] : memref<14x64x128xf32, #tpu.memory_space<vmem>> -> memref<1x64x128xf32, #tpu.memory_space<vmem>>
    %dma_start3A_258 = tpu.memref_squeeze %dma_start3A_257 : memref<1x64x128xf32, #tpu.memory_space<vmem>> -> memref<64x128xf32, #tpu.memory_space<vmem>>
    %dma_start3A_259 = arith.constant 0 : i32
    %dma_start3A_260 = arith.constant 0 : i32
    %dma_start3A_261 = arith.constant 0 : i32
    %dma_start3A_262 = tpu.memref_slice %arg4[%add3A, %dma_start3A_259, %dma_start3A_260, %dma_start3A_261] : memref<32x100x64x128xf32, #tpu.memory_space<hbm>> -> memref<1x100x64x128xf32, #tpu.memory_space<hbm>>
    %dma_start3A_263 = tpu.memref_squeeze %dma_start3A_262 : memref<1x100x64x128xf32, #tpu.memory_space<hbm>> -> memref<100x64x128xf32, #tpu.memory_space<hbm>>
    %dma_start3A_264 = arith.constant 0 : i32
    %dma_start3A_265 = arith.constant 0 : i32
    %dma_start3A_266 = tpu.memref_slice %dma_start3A_263[%dma_start3A_253, %dma_start3A_264, %dma_start3A_265] : memref<100x64x128xf32, #tpu.memory_space<hbm>> -> memref<1x64x128xf32, #tpu.memory_space<hbm>>
    %dma_start3A_267 = tpu.memref_squeeze %dma_start3A_266 : memref<1x64x128xf32, #tpu.memory_space<hbm>> -> memref<64x128xf32, #tpu.memory_space<hbm>>
    %dma_start3A_268 = tpu.memref_slice %arg8[%dma_start3A_254] : memref<14x!tpu.dma_semaphore, #tpu.memory_space<semaphore_mem>> -> memref<1x!tpu.dma_semaphore, #tpu.memory_space<semaphore_mem>>
    %dma_start3A_269 = tpu.memref_squeeze %dma_start3A_268 : memref<1x!tpu.dma_semaphore, #tpu.memory_space<semaphore_mem>> -> memref<!tpu.dma_semaphore, #tpu.memory_space<semaphore_mem>>
    %dma_start3A_270 = arith.constant 0 : i32
    %dma_start3A_271 = arith.constant 0 : i32
    %dma_start3A_272 = arith.constant 0 : i32
    %dma_start3A_273 = tpu.memref_slice %arg4[%add3A, %dma_start3A_270, %dma_start3A_271, %dma_start3A_272] : memref<32x100x64x128xf32, #tpu.memory_space<hbm>> -> memref<1x100x64x128xf32, #tpu.memory_space<hbm>>
    %dma_start3A_274 = tpu.memref_squeeze %dma_start3A_273 : memref<1x100x64x128xf32, #tpu.memory_space<hbm>> -> memref<100x64x128xf32, #tpu.memory_space<hbm>>
    %dma_start3A_275 = arith.constant 0 : i32
    %dma_start3A_276 = arith.constant 0 : i32
    %dma_start3A_277 = tpu.memref_slice %dma_start3A_274[%dma_start3A_253, %dma_start3A_275, %dma_start3A_276] : memref<100x64x128xf32, #tpu.memory_space<hbm>> -> memref<1x64x128xf32, #tpu.memory_space<hbm>>
    %dma_start3A_278 = tpu.memref_squeeze %dma_start3A_277 : memref<1x64x128xf32, #tpu.memory_space<hbm>> -> memref<64x128xf32, #tpu.memory_space<hbm>>
    %dma_start3A_279 = arith.constant 0 : i32
    %dma_start3A_280 = arith.constant 0 : i32
    %dma_start3A_281 = tpu.memref_slice %arg6[%dma_start3A_252, %dma_start3A_279, %dma_start3A_280] : memref<14x64x128xf32, #tpu.memory_space<vmem>> -> memref<1x64x128xf32, #tpu.memory_space<vmem>>
    %dma_start3A_282 = tpu.memref_squeeze %dma_start3A_281 : memref<1x64x128xf32, #tpu.memory_space<vmem>> -> memref<64x128xf32, #tpu.memory_space<vmem>>
    tpu.enqueue_dma source(%dma_start3A_282 : memref<64x128xf32, #tpu.memory_space<vmem>>) target(%dma_start3A_278 : memref<64x128xf32, #tpu.memory_space<hbm>>) target_semaphore(%dma_start3A_269 : memref<!tpu.dma_semaphore, #tpu.memory_space<semaphore_mem>>)
    %dma_wait3A_283 = arith.constant 0 : i32
    %dma_wait3A_284 = arith.constant 0 : i32
    %dma_wait3A_285 = arith.constant 0 : i32
    %dma_wait3A_286 = arith.constant 0 : i32
    %dma_wait3A_287 = arith.constant 0 : i32
    %dma_wait3A_288 = tpu.memref_slice %arg6[%dma_wait3A_283, %dma_wait3A_286, %dma_wait3A_287] : memref<14x64x128xf32, #tpu.memory_space<vmem>> -> memref<1x64x128xf32, #tpu.memory_space<vmem>>
    %dma_wait3A_289 = tpu.memref_squeeze %dma_wait3A_288 : memref<1x64x128xf32, #tpu.memory_space<vmem>> -> memref<64x128xf32, #tpu.memory_space<vmem>>
    %dma_wait3A_290 = arith.constant 0 : i32
    %dma_wait3A_291 = arith.constant 0 : i32
    %dma_wait3A_292 = arith.constant 0 : i32
    %dma_wait3A_293 = tpu.memref_slice %arg4[%add3A, %dma_wait3A_290, %dma_wait3A_291, %dma_wait3A_292] : memref<32x100x64x128xf32, #tpu.memory_space<hbm>> -> memref<1x100x64x128xf32, #tpu.memory_space<hbm>>
    %dma_wait3A_294 = tpu.memref_squeeze %dma_wait3A_293 : memref<1x100x64x128xf32, #tpu.memory_space<hbm>> -> memref<100x64x128xf32, #tpu.memory_space<hbm>>
    %dma_wait3A_295 = arith.constant 0 : i32
    %dma_wait3A_296 = arith.constant 0 : i32
    %dma_wait3A_297 = tpu.memref_slice %dma_wait3A_294[%dma_wait3A_284, %dma_wait3A_295, %dma_wait3A_296] : memref<100x64x128xf32, #tpu.memory_space<hbm>> -> memref<1x64x128xf32, #tpu.memory_space<hbm>>
    %dma_wait3A_298 = tpu.memref_squeeze %dma_wait3A_297 : memref<1x64x128xf32, #tpu.memory_space<hbm>> -> memref<64x128xf32, #tpu.memory_space<hbm>>
    %dma_wait3A_299 = tpu.memref_slice %arg8[%dma_wait3A_285] : memref<14x!tpu.dma_semaphore, #tpu.memory_space<semaphore_mem>> -> memref<1x!tpu.dma_semaphore, #tpu.memory_space<semaphore_mem>>
    %dma_wait3A_300 = tpu.memref_squeeze %dma_wait3A_299 : memref<1x!tpu.dma_semaphore, #tpu.memory_space<semaphore_mem>> -> memref<!tpu.dma_semaphore, #tpu.memory_space<semaphore_mem>>
    %dma_wait3A_301 = arith.constant 0 : i32
    %dma_wait3A_302 = arith.constant 0 : i32
    %dma_wait3A_303 = arith.constant 0 : i32
    %dma_wait3A_304 = tpu.memref_slice %arg4[%add3A, %dma_wait3A_301, %dma_wait3A_302, %dma_wait3A_303] : memref<32x100x64x128xf32, #tpu.memory_space<hbm>> -> memref<1x100x64x128xf32, #tpu.memory_space<hbm>>
    %dma_wait3A_305 = tpu.memref_squeeze %dma_wait3A_304 : memref<1x100x64x128xf32, #tpu.memory_space<hbm>> -> memref<100x64x128xf32, #tpu.memory_space<hbm>>
    %dma_wait3A_306 = arith.constant 0 : i32
    %dma_wait3A_307 = arith.constant 0 : i32
    %dma_wait3A_308 = tpu.memref_slice %dma_wait3A_305[%dma_wait3A_284, %dma_wait3A_306, %dma_wait3A_307] : memref<100x64x128xf32, #tpu.memory_space<hbm>> -> memref<1x64x128xf32, #tpu.memory_space<hbm>>
    %dma_wait3A_309 = tpu.memref_squeeze %dma_wait3A_308 : memref<1x64x128xf32, #tpu.memory_space<hbm>> -> memref<64x128xf32, #tpu.memory_space<hbm>>
    %dma_wait3A_310 = arith.constant 0 : i32
    %dma_wait3A_311 = arith.constant 0 : i32
    %dma_wait3A_312 = tpu.memref_slice %arg6[%dma_wait3A_283, %dma_wait3A_310, %dma_wait3A_311] : memref<14x64x128xf32, #tpu.memory_space<vmem>> -> memref<1x64x128xf32, #tpu.memory_space<vmem>>
    %dma_wait3A_313 = tpu.memref_squeeze %dma_wait3A_312 : memref<1x64x128xf32, #tpu.memory_space<vmem>> -> memref<64x128xf32, #tpu.memory_space<vmem>>
    tpu.wait_dma2 semaphore(%dma_wait3A_300 : memref<!tpu.dma_semaphore, #tpu.memory_space<semaphore_mem>>) src(%dma_wait3A_313 : memref<64x128xf32, #tpu.memory_space<vmem>>) dst(%dma_wait3A_309 : memref<64x128xf32, #tpu.memory_space<hbm>>)
    %dma_wait3A_314 = arith.constant 1 : i32
    %dma_wait3A_315 = arith.constant 0 : i32
    %dma_wait3A_316 = arith.constant 1 : i32
    %dma_wait3A_317 = arith.constant 0 : i32
    %dma_wait3A_318 = arith.constant 0 : i32
    %dma_wait3A_319 = tpu.memref_slice %arg6[%dma_wait3A_314, %dma_wait3A_317, %dma_wait3A_318] : memref<14x64x128xf32, #tpu.memory_space<vmem>> -> memref<1x64x128xf32, #tpu.memory_space<vmem>>
    %dma_wait3A_320 = tpu.memref_squeeze %dma_wait3A_319 : memref<1x64x128xf32, #tpu.memory_space<vmem>> -> memref<64x128xf32, #tpu.memory_space<vmem>>
    %dma_wait3A_321 = arith.constant 0 : i32
    %dma_wait3A_322 = arith.constant 0 : i32
    %dma_wait3A_323 = arith.constant 0 : i32
    %dma_wait3A_324 = tpu.memref_slice %arg4[%add3A, %dma_wait3A_321, %dma_wait3A_322, %dma_wait3A_323] : memref<32x100x64x128xf32, #tpu.memory_space<hbm>> -> memref<1x100x64x128xf32, #tpu.memory_space<hbm>>
    %dma_wait3A_325 = tpu.memref_squeeze %dma_wait3A_324 : memref<1x100x64x128xf32, #tpu.memory_space<hbm>> -> memref<100x64x128xf32, #tpu.memory_space<hbm>>
    %dma_wait3A_326 = arith.constant 0 : i32
    %dma_wait3A_327 = arith.constant 0 : i32
    %dma_wait3A_328 = tpu.memref_slice %dma_wait3A_325[%dma_wait3A_315, %dma_wait3A_326, %dma_wait3A_327] : memref<100x64x128xf32, #tpu.memory_space<hbm>> -> memref<1x64x128xf32, #tpu.memory_space<hbm>>
    %dma_wait3A_329 = tpu.memref_squeeze %dma_wait3A_328 : memref<1x64x128xf32, #tpu.memory_space<hbm>> -> memref<64x128xf32, #tpu.memory_space<hbm>>
    %dma_wait3A_330 = tpu.memref_slice %arg8[%dma_wait3A_316] : memref<14x!tpu.dma_semaphore, #tpu.memory_space<semaphore_mem>> -> memref<1x!tpu.dma_semaphore, #tpu.memory_space<semaphore_mem>>
    %dma_wait3A_331 = tpu.memref_squeeze %dma_wait3A_330 : memref<1x!tpu.dma_semaphore, #tpu.memory_space<semaphore_mem>> -> memref<!tpu.dma_semaphore, #tpu.memory_space<semaphore_mem>>
    %dma_wait3A_332 = arith.constant 0 : i32
    %dma_wait3A_333 = arith.constant 0 : i32
    %dma_wait3A_334 = arith.constant 0 : i32
    %dma_wait3A_335 = tpu.memref_slice %arg4[%add3A, %dma_wait3A_332, %dma_wait3A_333, %dma_wait3A_334] : memref<32x100x64x128xf32, #tpu.memory_space<hbm>> -> memref<1x100x64x128xf32, #tpu.memory_space<hbm>>
    %dma_wait3A_336 = tpu.memref_squeeze %dma_wait3A_335 : memref<1x100x64x128xf32, #tpu.memory_space<hbm>> -> memref<100x64x128xf32, #tpu.memory_space<hbm>>
    %dma_wait3A_337 = arith.constant 0 : i32
    %dma_wait3A_338 = arith.constant 0 : i32
    %dma_wait3A_339 = tpu.memref_slice %dma_wait3A_336[%dma_wait3A_315, %dma_wait3A_337, %dma_wait3A_338] : memref<100x64x128xf32, #tpu.memory_space<hbm>> -> memref<1x64x128xf32, #tpu.memory_space<hbm>>
    %dma_wait3A_340 = tpu.memref_squeeze %dma_wait3A_339 : memref<1x64x128xf32, #tpu.memory_space<hbm>> -> memref<64x128xf32, #tpu.memory_space<hbm>>
    %dma_wait3A_341 = arith.constant 0 : i32
    %dma_wait3A_342 = arith.constant 0 : i32
    %dma_wait3A_343 = tpu.memref_slice %arg6[%dma_wait3A_314, %dma_wait3A_341, %dma_wait3A_342] : memref<14x64x128xf32, #tpu.memory_space<vmem>> -> memref<1x64x128xf32, #tpu.memory_space<vmem>>
    %dma_wait3A_344 = tpu.memref_squeeze %dma_wait3A_343 : memref<1x64x128xf32, #tpu.memory_space<vmem>> -> memref<64x128xf32, #tpu.memory_space<vmem>>
    tpu.wait_dma2 semaphore(%dma_wait3A_331 : memref<!tpu.dma_semaphore, #tpu.memory_space<semaphore_mem>>) src(%dma_wait3A_344 : memref<64x128xf32, #tpu.memory_space<vmem>>) dst(%dma_wait3A_340 : memref<64x128xf32, #tpu.memory_space<hbm>>)
    return
  }
}

</mosaic_0001>

<sc_bundles>
// kernel: kernel.3.cloned.1.call-start
scs
__scs_entry_jumppad:
0x0: {  	(pc) =	sbr.rel $0x88, $3  }
0x1: {  	(tag) =	ssettag $0x0;
	lr =	simm.s32 $0x1  }
0x2: {  	[smem:$0x3F9F] =	sst lr;
	_ =	strace $0xD0000000  }
0x3: {  	_ = 	snop  }
0x4: {  	_ = 	snop  }
0x5: {  	_ = 	snop  }
0x6: {  	_ = 	snop  }
0x7: {  	_ = 	snop  }
__scs_overlays_trampoline_lowered:
0x8: {  	[smem:$0x3FAE] =	sst s0  }
0x9: {  	[smem:$0x3FAF] =	sst s1  }
0xa: {  	[smem:$0x3FB0] =	sst s2  }
0xb: {  	[smem:$0x3FB1] =	sst s3  }
0xc: {  	[smem:$0x3FB2] =	sst s4  }
0xd: {  	[smem:$0x3FB3] =	sst s5  }
0xe: {  	[smem:$0x3FB4] =	sst s6  }
0xf: {  	[smem:$0x3FB5] =	sst s7  }
0x10: {  	[smem:$0x3FB6] =	sst s8  }
0x11: {  	[smem:$0x3FB7] =	sst s9;
	s0 =	simm.s32 @!p0 $0x0  }
0x12: {  	s1 =	sld [smem:$0x3F9D];
	s0 =	simm.s32 @p0 $0x1  }
0x13: {  	[smem:$0x3FB8] =	sst s0;
	s0 =	simm.s32 @!p1 $0x0  }
0x14: {  	s2 =	sld [smem:$0x3F9C];
	s0 =	simm.s32 @p1 $0x1  }
0x15: {  	[smem:$0x3FB9] =	sst s0;
	s0 =	simm.s32 @!p2 $0x0  }
0x16: {  	s3 =	sld [smem:$0x3FDB];
	s0 =	simm.s32 @p2 $0x1  }
0x17: {  	s4 =	simm.s32 $0x1BF5;
	[smem:$0x3FBB] =	sst s0  }
0x18: {  	s0 =	sld [smem:$0x3F9E];
	_ =	swait.ge [sflag:s4], $0x0  }
0x19: {  	s7 =	sld [smem:$0x3F9F]  }
0x1a: {  	s8 =	sadd.s32 $0xFFFFE003, lr  }
0x1b: {  	s9 =	sadd.s32 $0xFFFFFEF7, lr;
	s5 =	simm.s32 $0xFFFFFFFF;
	p2 =	slt.u32 s8, $0xFFFFF086  }
0x1c: {  	p1 =	slt.u32 s9, $0xF7A;
	s5 =	simm.s32 @!p2 $0x0  }
0x1d: {  	s5 =	simm.s32 @p1 $0x1;
	p0 =	seq.s32 s7, s2  }
0x1e: {  	s7 =	smul.u32 @!p0 $0xF7A, s2;
	p2 =	seq.s32 @!p0 s5, $0x0  }
0x1f: {  	s9 =	smul.u32 $0xF7A, s1;
	s8 =	simm.s32 @!p0 $0x1BF5;
	p2 =	por !p2, p0  }
0x20: {  	[sflag:s8] =	ssyncset.s32 @!p0 $0xFFFFF086;
	s6 =	sadd.s32 @!p0 s3, s7;
	s7 =	simm.s32 @!p0 $0x108  }
0x21: {  	s3 =	sadd.s32 s3, s9;
	s6 =	sadd.s32 @!p0 $0x88, s6;
	s7 =	simm.s32 @p2 $0x1082  }
0x22: {  	[simem:s7], [sflag:s8] =	dma.local @!p0 [hbm:s6], $0xF7A  }
0x23: {  	s9 =	sor.u32 $0xD0000000, s2;
	s6 =	simm.s32 $0x108;
	_ =	swait.ge @!p0 [sflag:s8], $0x0  }
0x24: {  	s3 =	sadd.s32 $0x88, s3;
	s6 =	simm.s32 @!p1 $0x1082;
	[sflag:s4] =	ssyncset.s32 $0xFFFFF086  }
0x25: {  	[simem:s6], [sflag:s4] =	dma.local [hbm:s3], $0xF7A  }
0x26: {  	[smem:$0x3F9F] =	sst s1;
	(tag) =	ssettag s2;
	_ =	strace s9  }
0x27: {  	s1 =	sld [smem:$0x3FAF]  }
0x28: {  	s2 =	sld [smem:$0x3FB0]  }
0x29: {  	s4 =	sld [smem:$0x3FB2]  }
0x2a: {  	p0 =	seq.s32 s5, $0x0;
	s5 =	sld [smem:$0x3FB3]  }
0x2b: {  	s6 =	sld [smem:$0x3FB4]  }
0x2c: {  	s7 =	sld [smem:$0x3FB5]  }
0x2d: {  	s3 =	simm.s32 $0x108;
	s8 =	sld [smem:$0x3FB6]  }
0x2e: {  	s3 =	simm.s32 @!p0 $0x1082;
	s9 =	sld [smem:$0x3FB7]  }
0x2f: {  	lr =	sadd.s32 s0, s3;
	s0 =	sld [smem:$0x3FAE]  }
0x30: {  	s3 =	sld [smem:$0x3FB1]  }
0x31: {  	[smem:$0x3FBA] =	sst s10  }
0x32: {  	s10 =	sld [smem:$0x3FB8];
	_ =	sdelay $0x3  }
0x33: {  	p0 =	seq.s32 s10, $0x1;
	s10 =	sld [smem:$0x3FBA];
	_ =	sdelay $0x3  }
0x34: {  	[smem:$0x3FBA] =	sst s10  }
0x35: {  	s10 =	sld [smem:$0x3FB9];
	_ =	sdelay $0x3  }
0x36: {  	p1 =	seq.s32 s10, $0x1;
	s10 =	sld [smem:$0x3FBA];
	_ =	sdelay $0x3  }
0x37: {  	[smem:$0x3FBA] =	sst s10  }
0x38: {  	s10 =	sld [smem:$0x3FBB]  }
0x39: {  	_ = 	snop;
	(pc) =	sbr.ind lr, $3  }
0x3a: {  	_ = 	snop  }
0x3b: {  	_ = 	snop  }
0x3c: {  	p2 =	seq.s32 s10, $0x1;
	s10 =	sld [smem:$0x3FBA]  }
0x3d: {  	_ =	shalt  }
0x3e: {  	_ =	shalt  }
0x3f: {  	_ =	shalt  }
0x40: {  	_ =	shalt  }
0x41: {  	_ =	shalt  }
0x42: {  	_ =	shalt  }
0x43: {  	_ =	shalt  }
0x44: {  	_ =	shalt  }
0x45: {  	_ =	shalt  }
0x46: {  	_ =	shalt  }
0x47: {  	_ =	shalt  }
0x48: {  	_ =	shalt  }
0x49: {  	_ =	shalt  }
0x4a: {  	_ =	shalt  }
0x4b: {  	_ =	shalt  }
0x4c: {  	_ =	shalt  }
0x4d: {  	_ =	shalt  }
0x4e: {  	_ =	shalt  }
0x4f: {  	_ =	shalt  }
0x50: {  	_ =	shalt  }
0x51: {  	_ =	shalt  }
0x52: {  	_ =	shalt  }
0x53: {  	_ =	shalt  }
0x54: {  	_ =	shalt  }
0x55: {  	_ =	shalt  }
0x56: {  	_ =	shalt  }
0x57: {  	_ =	shalt  }
0x58: {  	_ =	shalt  }
0x59: {  	_ =	shalt  }
0x5a: {  	_ =	shalt  }
0x5b: {  	_ =	shalt  }
0x5c: {  	_ =	shalt  }
0x5d: {  	_ =	shalt  }
0x5e: {  	_ =	shalt  }
0x5f: {  	_ =	shalt  }
0x60: {  	_ =	shalt  }
0x61: {  	_ =	shalt  }
0x62: {  	_ =	shalt  }
0x63: {  	_ =	shalt  }
0x64: {  	_ =	shalt  }
0x65: {  	_ =	shalt  }
0x66: {  	_ =	shalt  }
0x67: {  	_ =	shalt  }
0x68: {  	_ =	shalt  }
0x69: {  	_ =	shalt  }
0x6a: {  	_ =	shalt  }
0x6b: {  	_ =	shalt  }
0x6c: {  	_ =	shalt  }
0x6d: {  	_ =	shalt  }
0x6e: {  	_ =	shalt  }
0x6f: {  	_ =	shalt  }
0x70: {  	_ =	shalt  }
0x71: {  	_ =	shalt  }
0x72: {  	_ =	shalt  }
0x73: {  	_ =	shalt  }
0x74: {  	_ =	shalt  }
0x75: {  	_ =	shalt  }
0x76: {  	_ =	shalt  }
0x77: {  	_ =	shalt  }
0x78: {  	_ =	shalt  }
0x79: {  	_ =	shalt  }
0x7a: {  	_ =	shalt  }
0x7b: {  	_ =	shalt  }
0x7c: {  	_ =	shalt  }
0x7d: {  	_ =	shalt  }
0x7e: {  	_ =	shalt  }
0x7f: {  	_ =	shalt  }
0x80: {  	_ =	shalt  }
0x81: {  	_ =	shalt  }
0x82: {  	_ =	shalt  }
0x83: {  	_ =	shalt  }
0x84: {  	_ =	shalt  }
0x85: {  	_ =	shalt  }
0x86: {  	_ =	shalt  }
0x87: {  	_ =	shalt  }
.Lfunc_end0:
.L_simem_size_0:
called_computation.1_lowered:
.L_overlay_start_0:
0x88: {  	s2 =	sld [smem:$0x3FD9]  }
0x89: {  	s3 =	sld [smem:$0x3FFE];
	_ =	sdelay $0x1  }
0x8a: {  	s1 =	srdreg.scid  }
0x8b: {  	s0 =	sand.u32 $0x1, s1  }
0x8c: {  	s17 =	sshll.u32 s0, $0xA;
	s2 =	sadd.s32 s3, s2  }
0x8d: {  	s2 =	sadd.s32 s2, s17  }
0x8e: {  	[smem:$0x3FC6] =	sst s2  }
0x8f: {  	_ = 	snop  }
0x90: {  	s2 =	sld [smem:$0x3FC8]  }
0x91: {  	s18 =	sld [smem:$0x3FD0];
	(tm) =	ssettm $0x1  }
0x92: {  	s4 =	sld [smem:$0x3FFB];
	_ =	sdelay $0x3  }
0x93: {  	_ =	strace s4  }
0x94: {  	s4 =	sld [smem:$0x3FFC];
	_ =	sdelay $0x3  }
0x95: {  	_ =	strace s4  }
0x96: {  	s4 =	sld [smem:$0x3FFD];
	_ =	sdelay $0x3  }
0x97: {  	_ =	strace s4  }
0x98: {  	_ =	strace $0x8FFFFFFF  }
0x99: {  	s19 =	sld [smem:$0x3FDB];
	_ =	sdelay $0x1  }
0x9a: {  	s5 =	simm.s32 $_scs_section_size  }
0x9b: {  	s6 =	simm.s32 $_size__tile_overlayer_lowered;
	s7 =	simm.s32 $_tile_overlayer_lowered  }
0x9c: {  	s22 =	simm.s32 $0x1BFF;
	s21 =	sshll.u32 s7, $0x1;
	s4 =	sadd.s32 s5, s19  }
0x9d: {  	s8 =	simm.s32 $0x0;
	s20 =	sshll.u32 s6, $0x1;
	s6 =	sadd.s32 s21, s4  }
0x9e: {  	[timem:s8], [sflag:s22] =	dma.local [hbm:s6], s20  }
0x9f: {  	_ =	swait.ge [sflag:s22], s20  }
0xa0: {  	s5 =	ssub.s32 $0x0, s20;
	[sflag:s22] =	ssyncset.done $0x0  }
0xa1: {  	[sflag:s22] =	ssyncadd.s32 s5;
	_ =	sdelay $0x1  }
0xa2: {  	s23 =	simm.s32 $0x1B8B  }
0xa3: {  	_ =	swait.ge [sflag:s23], $0x1  }
0xa4: {  	[sflag:s23] =	ssyncset.done $0x0  }
0xa5: {  	s25 =	simm.s32 $0x1B8E;
	s24 =	sld [smem:$0x3FFE];
	[sflag:s23] =	ssyncadd.s32 $0xFFFFFFFF  }
0xa6: {  	s26 =	simm.s32 $execute0_lowered;
	[smem:$0x3FD2] =	sst s25  }
0xa7: {  	s6 =	sshll.u32 s26, $0x1;
	_ =	strace $0x80000046;
	[dreg:$0x1] =	wrdreg $0xFFFFFFFF  }
0xa8: {  	s28 =	simm.s32 $_size_execute0_lowered;
	s4 =	sadd.s32 s4, s6;
	[dreg:$0x0] =	wrdreg $0x0  }
0xa9: {  	s6 =	sshll.u32 s28, $0x1;
	[dreg:$0x2] =	wrdreg s4  }
0xaa: {  	[dreg:$0x3] =	wrdreg s6  }
0xab: {  	[dreg:$0x4] =	wrdreg $0xC0  }
0xac: {  	_ =	task [dreg:s8], $0x5FFFF  }
0xad: {  	[dreg:$0x1] =	wrdreg $0xFFFFFFFF  }
0xae: {  	[dreg:$0x0] =	wrdreg $0x60  }
0xaf: {  	[dreg:$0x2] =	wrdreg s24  }
0xb0: {  	[dreg:$0x3] =	wrdreg s2  }
0xb1: {  	[dreg:$0x4] =	wrdreg s18  }
0xb2: {  	[dreg:$0x5] =	wrdreg $0x9  }
0xb3: {  	_ =	task.clear_ibuf [dreg:s8], $0x6FFFF;
	_ =	strace $0x90000046  }
0xb4: {  	s29 =	simm.s32 $0x9;
	_ =	strace $0x80000048  }
0xb5: {  	_ =	swait.ge [sflag:s29], $0x1  }
0xb6: {  	[sflag:s29] =	ssyncadd.s32 $0xFFFFFFFF  }
0xb7: {  	_ =	strace $0x90000048  }
0xb8: {  	_ =	sfence  }
0xb9: {  	s30 =	sld [smem:$0x0];
	_ =	sdelay $0x2  }
0xba: {  	s31 =	sshll.u32 s1, $0xD;
	s1 =	sshrl.u32 s1, $0x2  }
0xbb: {  	s3 =	sand.u32 $0x4000, s31;
	s1 =	sadd.s32 s1, s30  }
0xbc: {  	s0 =	sor.u32 s3, s0;
	s1 =	sshll.u32 s1, $0x11  }
0xbd: {  	s0 =	sor.u32 s1, s0  }
0xbe: {  	s0 =	sadd.s32 $0x8F2B, s0  }
0xbf: {  	[sflag:s0] =	ssyncadd.remote.s32 $0x1  }
0xc0: {  	_ =	sfence.sel $0xFFFF  }
0xc1: {  	[dreg:$0x0] =	wrdreg $0xFFFFFFFF;
	(pc) =	sbr.abs _section_cstart, $3  }
0xc2: {  	[dreg:$0x1] =	wrdreg $0xFFFFFFFF  }
0xc3: {  	_ =	task.clear_ibuf [dreg:s8], $0x2FFFF;
	_ =	strace $0x9FFFFFFF  }
0xc4: {  	(tm) =	ssettm $0x7FFFFFFF  }
0xc5: {  	_ =	shalt  }
tec
execute0_lowered:
.L_overlay_start_1:
0x0: {  	(tag) =	ssettag $0x1  }
0x1: {  	s0 =	srdreg.scid;
	s4 =	rddreg [dreg:$0x0]  }
0x2: {  	s2 =	stileid.u32;
	s6 =	rddreg [dreg:$0x2]  }
0x3: {  	s10 =	simm.s32 $0x40;
	s31 =	simm.s32 $0x5900;
	s29 =	simm.s32 $0x7900  }
0x4: {  	s20 =	simm.s32 $0xB900;
	s9 =	simm.s32 $0x11900;
	s13 =	simm.s32 $0x13900  }
0x5: {  	s19 =	simm.s32 $0x15900;
	s11 =	simm.s32 $0x17900;
	s15 =	simm.s32 $0xF  }
0x6: {  	s17 =	simm.s32 $0x10;
	s12 =	simm.s32 $0x14;
	s23 =	simm.s32 $0x15  }
0x7: {  	s28 =	simm.s32 $0x18;
	s30 =	simm.s32 $0x19;
	s8 =	simm.s32 $0x1B  }
0x8: {  	s16 =	simm.s32 $0x1C;
	s0 =	sand.u32 $0x1, s0;
	s1 =	sshll.u32 s2, $0x1  }
0x9: {  	s3 =	sshrl.u32 s2, $0x2;
	s2 =	rddreg [dreg:$0x1];
	s1 =	sor.u32 s0, s1  }
0xa: {  	s5 =	smul.u32 $0xC800, s3;
	s3 =	simm.s32 $0x0;
	s0 =	ssub.s32 $0x2, s0  }
0xb: {  	s25 =	sshll.u32 s1, $0x7;
	[smem:$0x7FF] =	sst s3;
	s26 =	sshrl.u32 s0, $0x1  }
0xc: {  	s1 =	smul.u32 $0x19000, s1;
	s7 =	sand.u32 $0x380, s25;
	_ =	strace $0x80000047  }
0xd: {  	s0 =	ssub.s32 s0, s26;
	s25 =	simm.s32 $0x17;
	s5 =	sor.u32 s5, s7  }
.Ltmp0:
0xe: {  	s1 =	sadd.s32 s6, s1;
	s0 =	smax.u32 s0, $0x1;
	(pc) =	sbr.rel .LBB2_1-.Ltmp0, $4  }
0xf: {  	s7 =	simm.s32 $0x9900;
	s5 =	sshrl.u32 s5, $0x3;
	[dreg:$0x5] =	wrdreg s1  }
0x10: {  	s6 =	simm.s32 $0xF900;
	[dreg:$0x6] =	wrdreg s0;
	s4 =	sadd.s32 s5, s4  }
0x11: {  	s1 =	simm.s32 $0x1A;
	s0 =	simm.s32 $0x0;
	s4 =	sadd.s32 $0x800, s4  }
0x12: {  	s5 =	simm.s32 $0x16;
	[dreg:$0x4] =	wrdreg s4;
	s4 =	simm.s32 $0xD900  }
.LBB2_4:
0x13: {  	s0 =	simm.s32 $0x12  }
0x14: {  	_ =	swait.ge [sflag:s0], $0x2000  }
0x15: {  	[sflag:s0] =	ssyncset.done $0x0  }
0x16: {  	s14 =	simm.s32 $0x13;
	[sflag:s0] =	ssyncadd.s32 $0xFFFFE000  }
0x17: {  	_ =	swait.ge [sflag:s14], $0x2000  }
0x18: {  	[sflag:s14] =	ssyncset.done $0x0  }
0x19: {  	[sflag:s14] =	ssyncadd.s32 $0xFFFFE000  }
0x1a: {  	_ =	swait.ge [sflag:s12], $0x2000  }
0x1b: {  	[sflag:s12] =	ssyncset.done $0x0  }
0x1c: {  	[sflag:s12] =	ssyncadd.s32 $0xFFFFE000  }
0x1d: {  	_ =	swait.ge [sflag:s23], $0x2000  }
0x1e: {  	[sflag:s23] =	ssyncset.done $0x0  }
0x1f: {  	[sflag:s23] =	ssyncadd.s32 $0xFFFFE000  }
0x20: {  	_ =	swait.ge [sflag:s5], $0x2000  }
0x21: {  	[sflag:s5] =	ssyncset.done $0x0  }
0x22: {  	[sflag:s5] =	ssyncadd.s32 $0xFFFFE000  }
0x23: {  	_ =	swait.ge [sflag:s25], $0x2000  }
0x24: {  	[sflag:s25] =	ssyncset.done $0x0  }
0x25: {  	[sflag:s25] =	ssyncadd.s32 $0xFFFFE000  }
0x26: {  	_ =	swait.ge [sflag:s28], $0x2000  }
0x27: {  	[sflag:s28] =	ssyncset.done $0x0  }
0x28: {  	[sflag:s28] =	ssyncadd.s32 $0xFFFFE000  }
0x29: {  	_ =	swait.ge [sflag:s30], $0x2000  }
0x2a: {  	[sflag:s30] =	ssyncset.done $0x0  }
0x2b: {  	[sflag:s30] =	ssyncadd.s32 $0xFFFFE000  }
0x2c: {  	_ =	swait.ge [sflag:s1], $0x2000  }
0x2d: {  	[sflag:s1] =	ssyncset.done $0x0  }
0x2e: {  	[sflag:s1] =	ssyncadd.s32 $0xFFFFE000  }
0x2f: {  	_ =	swait.ge [sflag:s8], $0x2000  }
0x30: {  	[sflag:s8] =	ssyncset.done $0x0  }
0x31: {  	[sflag:s8] =	ssyncadd.s32 $0xFFFFE000  }
0x32: {  	_ =	swait.ge [sflag:s16], $0x2000  }
0x33: {  	[sflag:s16] =	ssyncset.done $0x0  }
0x34: {  	s18 =	simm.s32 $0x1;
	[sflag:s16] =	ssyncadd.s32 $0xFFFFE000  }
0x35: {  	_ =	swait.ge [sflag:s18], $0x2000  }
0x36: {  	s26 =	simm.s32 $0x1900;
	[sflag:s18] =	ssyncset.done $0x0;
	s24 =	rddreg [dreg:$0x5]  }
0x37: {  	s19 =	simm.s32 $0x2;
	[sflag:s18] =	ssyncadd.s32 $0xFFFFE000;
	s22 =	sadd.s32 $0x18800, s24  }
0x38: {  	[hbm4b:s22+s3] =	stream.linear.scatter [tilespmem:s26], [sflag:$0xF], $0x2000, $0x38;
	[tilespmem:$0x1D900] =	vst v63  }
0x39: {  	_ =	swait.ge [sflag:s19], $0x2000  }
0x3a: {  	[sflag:s19] =	ssyncset.done $0x0  }
0x3b: {  	s21 =	simm.s32 $0x3900;
	s20 =	sadd.s32 $0x18C00, s24;
	[sflag:s19] =	ssyncadd.s32 $0xFFFFE000  }
0x3c: {  	[hbm4b:s20+s3] =	stream.linear.scatter [tilespmem:s21], [sflag:$0x10], $0x2000, $0x38;
	[tilespmem:$0x1D900] =	vst v63  }
0x3d: {  	_ =	swait.ge [sflag:s15], $0x2000  }
0x3e: {  	[sflag:s15] =	ssyncset.done $0x0  }
0x3f: {  	[sflag:s15] =	ssyncadd.s32 $0xFFFFE000  }
0x40: {  	_ =	swait.ge [sflag:s17], $0x2000  }
0x41: {  	s24 =	rddreg [dreg:$0x7]  }
0x42: {  	s26 =	rddreg [dreg:$0x6];
	s0 =	sadd.s32 $0x1, s24  }
0x43: {  	p0 =	sne.s32 s0, s26  }
.Ltmp1:
0x44: {  	_ = 	snop;
	(pc) =	sbr.rel @!p0 .LBB2_5-.Ltmp1, $4  }
0x45: {  	s31 =	simm.s32 $0x5900;
	s29 =	simm.s32 $0x7900;
	s7 =	simm.s32 $0x9900  }
0x46: {  	s4 =	simm.s32 $0xD900;
	s6 =	simm.s32 $0xF900;
	s9 =	simm.s32 $0x11900  }
0x47: {  	s13 =	simm.s32 $0x13900;
	s11 =	simm.s32 $0x17900;
	[sflag:s17] =	ssyncset.done $0x0  }
0x48: {  	s19 =	simm.s32 $0x15900;
	s20 =	simm.s32 $0xB900;
	[sflag:s17] =	ssyncadd.s32 $0xFFFFE000  }
.LBB2_1:
0x49: {  	s22 =	rddreg [dreg:$0x4];
	s24 =	simm.s32 $0x80;
	s26 =	simm.s32 $0x400  }
0x4a: {  	[tilespmem:s3], [sflag:$0x1D] =	stream.strided.gather [hbm4b:s22+s24], $0x1900, s26, s24, $0x38;
	[tilespmem:$0x1D900] =	vst v63  }
0x4b: {  	[dreg:$0x7] =	wrdreg s0;
	s26 =	simm.s32 $0x1D  }
0x4c: {  	_ =	swait.ge [sflag:s26], $0x1900  }
0x4d: {  	[sflag:s26] =	ssyncset.done $0x0  }
0x4e: {  	s0 =	simm.s32 $0x1900;
	[sflag:s26] =	ssyncadd.s32 $0xFFFFE700  }
0x4f: {  	[tilespmem:s0], [sflag:$0x1] =	stream.indirect.gather [hbm4b:s2+s10], $0x80, s3, s10, $0xb8;
	[tilespmem:$0x1D900] =	vst v63  }
0x50: {  	s21 =	simm.s32 $0x3900  }
0x51: {  	[tilespmem:s21], [sflag:$0x2] =	stream.indirect.gather [hbm4b:s2+s10], $0x80, s10, s10, $0xb8;
	[tilespmem:$0x1D900] =	vst v63  }
0x52: {  	_ = 	snop  }
0x53: {  	[tilespmem:s31], [sflag:$0x3] =	stream.indirect.gather [hbm4b:s2+s10], $0x80, s24, s10, $0xb8;
	[tilespmem:$0x1D900] =	vst v63  }
0x54: {  	s26 =	simm.s32 $0xC0  }
0x55: {  	[tilespmem:s29], [sflag:$0x4] =	stream.indirect.gather [hbm4b:s2+s10], $0x80, s26, s10, $0xb8;
	[tilespmem:$0x1D900] =	vst v63  }
0x56: {  	s29 =	simm.s32 $0x100  }
0x57: {  	[tilespmem:s7], [sflag:$0x5] =	stream.indirect.gather [hbm4b:s2+s10], $0x80, s29, s10, $0xb8;
	[tilespmem:$0x1D900] =	vst v63  }
0x58: {  	s31 =	simm.s32 $0x140  }
0x59: {  	[tilespmem:s20], [sflag:$0x6] =	stream.indirect.gather [hbm4b:s2+s10], $0x80, s31, s10, $0xb8;
	[tilespmem:$0x1D900] =	vst v63  }
0x5a: {  	s7 =	simm.s32 $0x180  }
0x5b: {  	[tilespmem:s4], [sflag:$0x7] =	stream.indirect.gather [hbm4b:s2+s10], $0x80, s7, s10, $0xb8;
	[tilespmem:$0x1D900] =	vst v63  }
0x5c: {  	s20 =	simm.s32 $0x1C0  }
0x5d: {  	[tilespmem:s6], [sflag:$0x8] =	stream.indirect.gather [hbm4b:s2+s10], $0x80, s20, s10, $0xb8;
	[tilespmem:$0x1D900] =	vst v63  }
0x5e: {  	s18 =	simm.s32 $0x1B900;
	s14 =	simm.s32 $0x19900;
	s21 =	simm.s32 $0x200  }
0x5f: {  	[tilespmem:s9], [sflag:$0x9] =	stream.indirect.gather [hbm4b:s2+s10], $0x80, s21, s10, $0xb8;
	[tilespmem:$0x1D900] =	vst v63  }
0x60: {  	s22 =	simm.s32 $0x240;
	s24 =	simm.s32 $0x280;
	s26 =	simm.s32 $0x2C0  }
0x61: {  	[tilespmem:s13], [sflag:$0xA] =	stream.indirect.gather [hbm4b:s2+s10], $0x80, s22, s10, $0xb8;
	[tilespmem:$0x1D900] =	vst v63  }
0x62: {  	s29 =	simm.s32 $0x300;
	s31 =	simm.s32 $0x340;
	s7 =	simm.s32 $0x9900  }
0x63: {  	[tilespmem:s19], [sflag:$0xB] =	stream.indirect.gather [hbm4b:s2+s10], $0x80, s24, s10, $0xb8;
	[tilespmem:$0x1D900] =	vst v63  }
0x64: {  	s4 =	simm.s32 $0xD900;
	s20 =	simm.s32 $0xB900;
	s6 =	simm.s32 $0xF900  }
0x65: {  	[tilespmem:s11], [sflag:$0xC] =	stream.indirect.gather [hbm4b:s2+s10], $0x80, s26, s10, $0xb8;
	[tilespmem:$0x1D900] =	vst v63  }
0x66: {  	s9 =	simm.s32 $0x11900;
	s22 =	simm.s32 $0x3400;
	s13 =	simm.s32 $0x13900  }
0x67: {  	[tilespmem:s14], [sflag:$0xD] =	stream.indirect.gather [hbm4b:s2+s10], $0x80, s29, s10, $0xb8;
	[tilespmem:$0x1D900] =	vst v63  }
0x68: {  	s24 =	simm.s32 $0x6C0;
	s19 =	simm.s32 $0x15900;
	s11 =	simm.s32 $0x17900  }
0x69: {  	[tilespmem:s18], [sflag:$0xE] =	stream.indirect.gather [hbm4b:s2+s10], $0x80, s31, s10, $0xb8;
	[tilespmem:$0x1D900] =	vst v63  }
.LBB2_2:
0x6a: {  	s0 =	simm.s32 $0x1  }
0x6b: {  	_ =	swait.ge [sflag:s0], $0x2000  }
0x6c: {  	s26 =	rddreg [dreg:$0x5]  }
0x6d: {  	[sflag:s0] =	ssyncset.done $0x0;
	s26 =	sadd.s32 s22, s26  }
0x6e: {  	s31 =	simm.s32 $0x1900;
	[sflag:s0] =	ssyncadd.s32 $0xFFFFE000;
	s29 =	sadd.s32 $0xFFFFCC00, s26  }
0x6f: {  	[hbm4b:s29+s3] =	stream.linear.scatter [tilespmem:s31], [sflag:$0xF], $0x2000, $0x38;
	[tilespmem:$0x1D900] =	vst v63  }
0x70: {  	s29 =	simm.s32 $0x2  }
0x71: {  	_ =	swait.ge [sflag:s29], $0x2000  }
0x72: {  	[sflag:s29] =	ssyncset.done $0x0  }
0x73: {  	s0 =	simm.s32 $0x3900;
	s21 =	sadd.s32 $0xFFFFD000, s26;
	[sflag:s29] =	ssyncadd.s32 $0xFFFFE000  }
0x74: {  	[hbm4b:s21+s3] =	stream.linear.scatter [tilespmem:s0], [sflag:$0x10], $0x2000, $0x38;
	[tilespmem:$0x1D900] =	vst v63  }
0x75: {  	s21 =	simm.s32 $0x3  }
0x76: {  	_ =	swait.ge [sflag:s21], $0x2000  }
0x77: {  	[sflag:s21] =	ssyncset.done $0x0  }
0x78: {  	s29 =	sadd.s32 $0xFFFFD400, s26;
	[sflag:s21] =	ssyncadd.s32 $0xFFFFE000;
	s21 =	simm.s32 $0x5900  }
0x79: {  	[hbm4b:s29+s3] =	stream.linear.scatter [tilespmem:s21], [sflag:$0x11], $0x2000, $0x38;
	[tilespmem:$0x1D900] =	vst v63  }
0x7a: {  	s21 =	simm.s32 $0x4  }
0x7b: {  	_ =	swait.ge [sflag:s21], $0x2000  }
0x7c: {  	[sflag:s21] =	ssyncset.done $0x0  }
0x7d: {  	s29 =	sadd.s32 $0xFFFFD800, s26;
	[sflag:s21] =	ssyncadd.s32 $0xFFFFE000;
	s21 =	simm.s32 $0x7900  }
0x7e: {  	[hbm4b:s29+s3] =	stream.linear.scatter [tilespmem:s21], [sflag:$0x12], $0x2000, $0x38;
	[tilespmem:$0x1D900] =	vst v63  }
0x7f: {  	s21 =	simm.s32 $0x5  }
0x80: {  	_ =	swait.ge [sflag:s21], $0x2000  }
0x81: {  	[sflag:s21] =	ssyncset.done $0x0  }
0x82: {  	[sflag:s21] =	ssyncadd.s32 $0xFFFFE000;
	s21 =	sadd.s32 $0xFFFFDC00, s26  }
0x83: {  	[hbm4b:s21+s3] =	stream.linear.scatter [tilespmem:s7], [sflag:$0x13], $0x2000, $0x38;
	[tilespmem:$0x1D900] =	vst v63  }
0x84: {  	s21 =	simm.s32 $0x6  }
0x85: {  	_ =	swait.ge [sflag:s21], $0x2000  }
0x86: {  	[sflag:s21] =	ssyncset.done $0x0  }
0x87: {  	[sflag:s21] =	ssyncadd.s32 $0xFFFFE000;
	s21 =	sadd.s32 $0xFFFFE000, s26  }
0x88: {  	[hbm4b:s21+s3] =	stream.linear.scatter [tilespmem:s20], [sflag:$0x14], $0x2000, $0x38;
	[tilespmem:$0x1D900] =	vst v63  }
0x89: {  	s21 =	simm.s32 $0x7  }
0x8a: {  	_ =	swait.ge [sflag:s21], $0x2000  }
0x8b: {  	[sflag:s21] =	ssyncset.done $0x0  }
0x8c: {  	[sflag:s21] =	ssyncadd.s32 $0xFFFFE000;
	s21 =	sadd.s32 $0xFFFFE400, s26  }
0x8d: {  	[hbm4b:s21+s3] =	stream.linear.scatter [tilespmem:s4], [sflag:$0x15], $0x2000, $0x38;
	[tilespmem:$0x1D900] =	vst v63  }
0x8e: {  	s21 =	simm.s32 $0x8  }
0x8f: {  	_ =	swait.ge [sflag:s21], $0x2000  }
0x90: {  	[sflag:s21] =	ssyncset.done $0x0  }
0x91: {  	[sflag:s21] =	ssyncadd.s32 $0xFFFFE000;
	s21 =	sadd.s32 $0xFFFFE800, s26  }
0x92: {  	[hbm4b:s21+s3] =	stream.linear.scatter [tilespmem:s6], [sflag:$0x16], $0x2000, $0x38;
	[tilespmem:$0x1D900] =	vst v63  }
0x93: {  	s21 =	simm.s32 $0x9  }
0x94: {  	_ =	swait.ge [sflag:s21], $0x2000  }
0x95: {  	[sflag:s21] =	ssyncset.done $0x0  }
0x96: {  	[sflag:s21] =	ssyncadd.s32 $0xFFFFE000;
	s21 =	sadd.s32 $0xFFFFEC00, s26  }
0x97: {  	[hbm4b:s21+s3] =	stream.linear.scatter [tilespmem:s9], [sflag:$0x17], $0x2000, $0x38;
	[tilespmem:$0x1D900] =	vst v63  }
0x98: {  	s21 =	simm.s32 $0xA  }
0x99: {  	_ =	swait.ge [sflag:s21], $0x2000  }
0x9a: {  	[sflag:s21] =	ssyncset.done $0x0  }
0x9b: {  	[sflag:s21] =	ssyncadd.s32 $0xFFFFE000;
	s21 =	sadd.s32 $0xFFFFF000, s26  }
0x9c: {  	[hbm4b:s21+s3] =	stream.linear.scatter [tilespmem:s13], [sflag:$0x18], $0x2000, $0x38;
	[tilespmem:$0x1D900] =	vst v63  }
0x9d: {  	s21 =	simm.s32 $0xB  }
0x9e: {  	_ =	swait.ge [sflag:s21], $0x2000  }
0x9f: {  	[sflag:s21] =	ssyncset.done $0x0  }
0xa0: {  	[sflag:s21] =	ssyncadd.s32 $0xFFFFE000;
	s21 =	sadd.s32 $0xFFFFF400, s26  }
0xa1: {  	[hbm4b:s21+s3] =	stream.linear.scatter [tilespmem:s19], [sflag:$0x19], $0x2000, $0x38;
	[tilespmem:$0x1D900] =	vst v63  }
0xa2: {  	s21 =	simm.s32 $0xC  }
0xa3: {  	_ =	swait.ge [sflag:s21], $0x2000  }
0xa4: {  	[sflag:s21] =	ssyncset.done $0x0  }
0xa5: {  	[sflag:s21] =	ssyncadd.s32 $0xFFFFE000;
	s21 =	sadd.s32 $0xFFFFF800, s26  }
0xa6: {  	[hbm4b:s21+s3] =	stream.linear.scatter [tilespmem:s11], [sflag:$0x1A], $0x2000, $0x38;
	[tilespmem:$0x1D900] =	vst v63  }
0xa7: {  	s21 =	simm.s32 $0xD  }
0xa8: {  	_ =	swait.ge [sflag:s21], $0x2000  }
0xa9: {  	[sflag:s21] =	ssyncset.done $0x0  }
0xaa: {  	s29 =	simm.s32 $0xE;
	[sflag:s21] =	ssyncadd.s32 $0xFFFFE000;
	s21 =	sadd.s32 $0xFFFFFC00, s26  }
0xab: {  	[hbm4b:s21+s3] =	stream.linear.scatter [tilespmem:s14], [sflag:$0x1B], $0x2000, $0x38;
	[tilespmem:$0x1D900] =	vst v63  }
0xac: {  	_ =	swait.ge [sflag:s29], $0x2000  }
0xad: {  	[sflag:s29] =	ssyncset.done $0x0  }
0xae: {  	[sflag:s29] =	ssyncadd.s32 $0xFFFFE000  }
0xaf: {  	[hbm4b:s26+s3] =	stream.linear.scatter [tilespmem:s18], [sflag:$0x1C], $0x2000, $0x38;
	[tilespmem:$0x1D900] =	vst v63  }
0xb0: {  	_ =	swait.ge [sflag:s15], $0x2000  }
0xb1: {  	[sflag:s15] =	ssyncset.done $0x0  }
0xb2: {  	s21 =	sadd.s32 $0xFFFFFCC0, s24;
	[sflag:s15] =	ssyncadd.s32 $0xFFFFE000  }
0xb3: {  	[tilespmem:s31], [sflag:$0x1] =	stream.indirect.gather [hbm4b:s2+s10], $0x80, s21, s10, $0xb8;
	[tilespmem:$0x1D900] =	vst v63  }
0xb4: {  	_ =	swait.ge [sflag:s17], $0x2000  }
0xb5: {  	p0 =	seq.s32 s22, $0x18400;
	s29 =	sadd.s32 $0xFFFFFD00, s24;
	[sflag:s17] =	ssyncset.done $0x0  }
.Ltmp2:
0xb6: {  	s31 =	simm.s32 $0x11;
	[sflag:s17] =	ssyncadd.s32 $0xFFFFE000;
	(pc) =	sbr.rel @p0 .LBB2_4-.Ltmp2, $4  }
0xb7: {  	[tilespmem:s0], [sflag:$0x2] =	stream.indirect.gather [hbm4b:s2+s10], $0x80, s29, s10, $0xb8;
	[tilespmem:$0x1D900] =	vst v63  }
0xb8: {  	_ =	swait.ge [sflag:s31], $0x2000  }
0xb9: {  	[sflag:s31] =	ssyncset.done $0x0  }
0xba: {  	s14 =	simm.s32 $0x1B900;
	s0 =	simm.s32 $0x19900;
	[sflag:s31] =	ssyncadd.s32 $0xFFFFE000  }
0xbb: {  	s26 =	sadd.s32 $0xFFFFFD40, s24;
	s18 =	simm.s32 $0x5900;
	s31 =	simm.s32 $0x12  }
0xbc: {  	[tilespmem:s18], [sflag:$0x3] =	stream.indirect.gather [hbm4b:s2+s10], $0x80, s26, s10, $0xb8;
	[tilespmem:$0x1D900] =	vst v63  }
0xbd: {  	_ =	swait.ge [sflag:s31], $0x2000  }
0xbe: {  	s21 =	simm.s32 $0x7900;
	[sflag:s31] =	ssyncset.done $0x0  }
0xbf: {  	s29 =	simm.s32 $0x13;
	s18 =	sadd.s32 $0xFFFFFD80, s24;
	[sflag:s31] =	ssyncadd.s32 $0xFFFFE000  }
0xc0: {  	[tilespmem:s21], [sflag:$0x4] =	stream.indirect.gather [hbm4b:s2+s10], $0x80, s18, s10, $0xb8;
	[tilespmem:$0x1D900] =	vst v63  }
0xc1: {  	_ =	swait.ge [sflag:s29], $0x2000  }
0xc2: {  	[sflag:s29] =	ssyncset.done $0x0  }
0xc3: {  	s31 =	sadd.s32 $0xFFFFFDC0, s24;
	[sflag:s29] =	ssyncadd.s32 $0xFFFFE000  }
0xc4: {  	[tilespmem:s7], [sflag:$0x5] =	stream.indirect.gather [hbm4b:s2+s10], $0x80, s31, s10, $0xb8;
	[tilespmem:$0x1D900] =	vst v63  }
0xc5: {  	_ =	swait.ge [sflag:s12], $0x2000  }
0xc6: {  	[sflag:s12] =	ssyncset.done $0x0  }
0xc7: {  	s18 =	sadd.s32 $0xFFFFFE00, s24;
	[sflag:s12] =	ssyncadd.s32 $0xFFFFE000  }
0xc8: {  	[tilespmem:s20], [sflag:$0x6] =	stream.indirect.gather [hbm4b:s2+s10], $0x80, s18, s10, $0xb8;
	[tilespmem:$0x1D900] =	vst v63  }
0xc9: {  	_ =	swait.ge [sflag:s23], $0x2000  }
0xca: {  	[sflag:s23] =	ssyncset.done $0x0  }
0xcb: {  	s21 =	sadd.s32 $0xFFFFFE40, s24;
	[sflag:s23] =	ssyncadd.s32 $0xFFFFE000  }
0xcc: {  	[tilespmem:s4], [sflag:$0x7] =	stream.indirect.gather [hbm4b:s2+s10], $0x80, s21, s10, $0xb8;
	[tilespmem:$0x1D900] =	vst v63  }
0xcd: {  	_ =	swait.ge [sflag:s5], $0x2000  }
0xce: {  	[sflag:s5] =	ssyncset.done $0x0  }
0xcf: {  	s29 =	sadd.s32 $0xFFFFFE80, s24;
	[sflag:s5] =	ssyncadd.s32 $0xFFFFE000  }
0xd0: {  	[tilespmem:s6], [sflag:$0x8] =	stream.indirect.gather [hbm4b:s2+s10], $0x80, s29, s10, $0xb8;
	[tilespmem:$0x1D900] =	vst v63  }
0xd1: {  	_ =	swait.ge [sflag:s25], $0x2000  }
0xd2: {  	[sflag:s25] =	ssyncset.done $0x0  }
0xd3: {  	s31 =	sadd.s32 $0xFFFFFEC0, s24;
	[sflag:s25] =	ssyncadd.s32 $0xFFFFE000  }
0xd4: {  	[tilespmem:s9], [sflag:$0x9] =	stream.indirect.gather [hbm4b:s2+s10], $0x80, s31, s10, $0xb8;
	[tilespmem:$0x1D900] =	vst v63  }
0xd5: {  	_ =	swait.ge [sflag:s28], $0x2000  }
0xd6: {  	[sflag:s28] =	ssyncset.done $0x0  }
0xd7: {  	s18 =	sadd.s32 $0xFFFFFF00, s24;
	[sflag:s28] =	ssyncadd.s32 $0xFFFFE000  }
0xd8: {  	[tilespmem:s13], [sflag:$0xA] =	stream.indirect.gather [hbm4b:s2+s10], $0x80, s18, s10, $0xb8;
	[tilespmem:$0x1D900] =	vst v63  }
0xd9: {  	_ =	swait.ge [sflag:s30], $0x2000  }
0xda: {  	[sflag:s30] =	ssyncset.done $0x0  }
0xdb: {  	s21 =	sadd.s32 $0xFFFFFF40, s24;
	[sflag:s30] =	ssyncadd.s32 $0xFFFFE000  }
0xdc: {  	[tilespmem:s19], [sflag:$0xB] =	stream.indirect.gather [hbm4b:s2+s10], $0x80, s21, s10, $0xb8;
	[tilespmem:$0x1D900] =	vst v63  }
0xdd: {  	_ =	swait.ge [sflag:s1], $0x2000  }
0xde: {  	[sflag:s1] =	ssyncset.done $0x0  }
0xdf: {  	s29 =	sadd.s32 $0xFFFFFF80, s24;
	[sflag:s1] =	ssyncadd.s32 $0xFFFFE000  }
0xe0: {  	[tilespmem:s11], [sflag:$0xC] =	stream.indirect.gather [hbm4b:s2+s10], $0x80, s29, s10, $0xb8;
	[tilespmem:$0x1D900] =	vst v63  }
0xe1: {  	_ =	swait.ge [sflag:s8], $0x2000  }
0xe2: {  	[sflag:s8] =	ssyncset.done $0x0  }
0xe3: {  	s31 =	sadd.s32 $0xFFFFFFC0, s24;
	[sflag:s8] =	ssyncadd.s32 $0xFFFFE000  }
0xe4: {  	[tilespmem:s0], [sflag:$0xD] =	stream.indirect.gather [hbm4b:s2+s10], $0x80, s31, s10, $0xb8;
	[tilespmem:$0x1D900] =	vst v63  }
.Ltmp3:
0xe5: {  	_ =	swait.ge [sflag:s16], $0x2000;
	(pc) =	sbr.rel .LBB2_2-.Ltmp3, $4  }
0xe6: {  	[sflag:s16] =	ssyncset.done $0x0  }
0xe7: {  	s22 =	sadd.s32 $0x3800, s22;
	[sflag:s16] =	ssyncadd.s32 $0xFFFFE000  }
0xe8: {  	[tilespmem:s14], [sflag:$0xE] =	stream.indirect.gather [hbm4b:s2+s10], $0x80, s24, s10, $0xb8;
	[tilespmem:$0x1D900] =	vst v63  }
0xe9: {  	s18 =	simm.s32 $0x1B900;
	s24 =	sadd.s32 $0x380, s24;
	s14 =	simm.s32 $0x19900  }
.LBB2_5:
0xea: {  	_ =	sfence.sel $0x180000  }
0xeb: {  	[bflag:$0x0] =	sbarrier.arrive $0xFFFF  }
0xec: {  	_ =	strace $0x90000047  }
0xed: {  	s0 =	stileid.u32;
	[bflag:$0x2] =	sbarrier.arrive $0xFFFF  }
0xee: {  	p0 =	sne.s32 s0, $0x0;
	s0 =	rddreg [dreg:$0x3]  }
0xef: {  	s0 =	sadd.s32 @!p0 $0x100000, s0  }
0xf0: {  	[sflag:s0] =	ssyncadd.tile.s32 @!p0 $0x1;
	_ =	shalt  }
.Lfunc_end2:
_tile_overlayer_lowered:
.L_overlay_start_2:
0xf1: {  	(tag) =	ssettag $0x2  }
0xf2: {  	s0 =	rddreg [dreg:$0x0];
	s2 =	stileid.u32  }
0xf3: {  	s1 =	rddreg [dreg:$0x1];
	p0 =	sne.s32 s2, $0x0  }
0xf4: {  	s3 =	rddreg [dreg:$0x2];
	[bflag:$0x3] =	sbarrier.arrive $0xFFFF;
	s2 =	simm.s32 @!p0 $0x1C1D  }
0xf5: {  	[timem:s3], [sflag:s2] =	dma.local @!p0 [hbm:s0], s1  }
0xf6: {  	s0 =	simm.s32 @!p0 $0x1D  }
0xf7: {  	_ =	swait.ge @!p0 [sflag:s0], s1  }
0xf8: {  	s1 =	ssub.s32 @!p0 $0x0, s1;
	[sflag:s0] =	ssyncset.done @!p0 $0x0  }
0xf9: {  	[sflag:s0] =	ssyncadd.s32 @!p0 s1  }
0xfa: {  	[bflag:$0x3] =	sbarrier.arrive $0xFFFF  }
0xfb: {  	_ =	shalt  }

// kernel: sparse-core-data-format-call.cloned.1.call-start
scs
called_computation_lowered:
.L_overlay_start_0:
0x0: {  	s2 =	sld [smem:$0x3FD9]  }
0x1: {  	s3 =	sld [smem:$0x3FFE];
	_ =	sdelay $0x1  }
0x2: {  	s1 =	srdreg.scid  }
0x3: {  	s0 =	sand.u32 $0x1, s1  }
0x4: {  	s18 =	sshll.u32 s0, $0xA;
	s2 =	sadd.s32 s3, s2  }
0x5: {  	s2 =	sadd.s32 s2, s18  }
0x6: {  	[smem:$0x3FC6] =	sst s2  }
0x7: {  	_ = 	snop  }
0x8: {  	s2 =	sld [smem:$0x3FD0];
	(tm) =	ssettm $0x1  }
0x9: {  	s19 =	sld [smem:$0x3FFB];
	_ =	sdelay $0x3  }
0xa: {  	_ =	strace s19  }
0xb: {  	s3 =	sld [smem:$0x3FFC];
	_ =	sdelay $0x3  }
0xc: {  	_ =	strace s3  }
0xd: {  	s3 =	sld [smem:$0x3FFD];
	_ =	sdelay $0x3  }
0xe: {  	_ =	strace s3  }
0xf: {  	_ =	strace $0x8FFFFFFF  }
0x10: {  	s20 =	sld [smem:$0x3FDB];
	_ =	sdelay $0x1  }
0x11: {  	s4 =	simm.s32 $_scs_section_size  }
0x12: {  	s5 =	simm.s32 $_size__tile_overlayer_lowered;
	s6 =	simm.s32 $_tile_overlayer_lowered  }
0x13: {  	s23 =	simm.s32 $0x1BFF;
	s22 =	sshll.u32 s6, $0x1;
	s3 =	sadd.s32 s4, s20  }
0x14: {  	s7 =	simm.s32 $0x0;
	s21 =	sshll.u32 s5, $0x1;
	s5 =	sadd.s32 s22, s3  }
0x15: {  	[timem:s7], [sflag:s23] =	dma.local [hbm:s5], s21  }
0x16: {  	_ =	swait.ge [sflag:s23], s21  }
0x17: {  	s4 =	ssub.s32 $0x0, s21;
	[sflag:s23] =	ssyncset.done $0x0  }
0x18: {  	[sflag:s23] =	ssyncadd.s32 s4;
	_ =	sdelay $0x1  }
0x19: {  	s24 =	simm.s32 $0x1B8B  }
0x1a: {  	_ =	swait.ge [sflag:s24], $0x1  }
0x1b: {  	[sflag:s24] =	ssyncset.done $0x0  }
0x1c: {  	s26 =	simm.s32 $0x1B8E;
	s25 =	sld [smem:$0x3FFE];
	[sflag:s24] =	ssyncadd.s32 $0xFFFFFFFF  }
0x1d: {  	s27 =	simm.s32 $execute0_lowered;
	[smem:$0x3FD2] =	sst s26  }
0x1e: {  	s5 =	sshll.u32 s27, $0x1;
	_ =	strace $0x80000049;
	[dreg:$0x1] =	wrdreg $0xFFFFFFFF  }
0x1f: {  	s28 =	simm.s32 $_size_execute0_lowered;
	s3 =	sadd.s32 s3, s5;
	[dreg:$0x0] =	wrdreg $0x0  }
0x20: {  	s5 =	sshll.u32 s28, $0x1;
	[dreg:$0x2] =	wrdreg s3  }
0x21: {  	[dreg:$0x3] =	wrdreg s5  }
0x22: {  	[dreg:$0x4] =	wrdreg $0xC0  }
0x23: {  	_ =	task [dreg:s7], $0x5FFFF  }
0x24: {  	[dreg:$0x1] =	wrdreg $0xFFFFFFFF  }
0x25: {  	[dreg:$0x0] =	wrdreg $0x60  }
0x26: {  	[dreg:$0x2] =	wrdreg s25  }
0x27: {  	[dreg:$0x3] =	wrdreg s2  }
0x28: {  	[dreg:$0x4] =	wrdreg $0x9  }
0x29: {  	_ =	task.clear_ibuf [dreg:s7], $0x5FFFF;
	_ =	strace $0x90000049  }
0x2a: {  	s29 =	simm.s32 $0x9;
	_ =	strace $0x8000004B  }
0x2b: {  	_ =	swait.ge [sflag:s29], $0x1  }
0x2c: {  	[sflag:s29] =	ssyncadd.s32 $0xFFFFFFFF  }
0x2d: {  	_ =	strace $0x9000004B  }
0x2e: {  	_ =	sfence  }
0x2f: {  	s30 =	sld [smem:$0x0];
	_ =	sdelay $0x2  }
0x30: {  	s31 =	sshll.u32 s1, $0xD;
	s1 =	sshrl.u32 s1, $0x2  }
0x31: {  	s3 =	sand.u32 $0x4000, s31;
	s1 =	sadd.s32 s1, s30  }
0x32: {  	s0 =	sor.u32 s3, s0;
	s1 =	sshll.u32 s1, $0x11  }
0x33: {  	s0 =	sor.u32 s1, s0  }
0x34: {  	s0 =	sadd.s32 $0x8F2B, s0  }
0x35: {  	[sflag:s0] =	ssyncadd.remote.s32 $0x1  }
0x36: {  	_ =	sfence.sel $0xFFFF  }
0x37: {  	[dreg:$0x0] =	wrdreg $0xFFFFFFFF;
	(pc) =	sbr.abs _section_cstart, $3  }
0x38: {  	[dreg:$0x1] =	wrdreg $0xFFFFFFFF  }
0x39: {  	_ =	task.clear_ibuf [dreg:s7], $0x2FFFF;
	_ =	strace $0x9FFFFFFF  }
0x3a: {  	(tm) =	ssettm $0x7FFFFFFF  }
0x3b: {  	_ =	shalt  }
tec
execute0_lowered:
.L_overlay_start_1:
0x0: {  	(tag) =	ssettag $0x1  }
0x1: {  	s0 =	srdreg.scid  }
0x2: {  	s1 =	sshll.u32 s0, $0x4  }
0x3: {  	s0 =	stileid.u32;
	s1 =	sand.u32 $0x10, s1  }
0x4: {  	s1 =	sor.u32 s0, s1  }
0x5: {  	s6 =	rddreg [dreg:$0x0];
	s4 =	simm.s32 $0x1;
	s2 =	sshll.u32 s1, $0x6  }
0x6: {  	s7 =	simm.s32 $0x2;
	s13 =	simm.s32 $0x0;
	s1 =	ssub.s32 $0x1000, s2  }
0x7: {  	s8 =	simm.s32 $0x2000;
	s9 =	simm.s32 $0x80000;
	s3 =	sand.u32 $0x7C0, s1  }
0x8: {  	s14 =	simm.s32 $0x0;
	s5 =	sshrl.u32 s1, $0xB;
	p0 =	sne.s32 s3, $0x0  }
.Ltmp0:
0x9: {  	s1 =	rddreg [dreg:$0x2];
	s4 =	simm.s32 @!p0 $0x0;
	(pc) =	sbr.rel .LBB1_1-.Ltmp0, $4  }
0xa: {  	s10 =	simm.s32 $0x0;
	s3 =	rddreg [dreg:$0x1];
	s5 =	sadd.s32 s4, s5  }
0xb: {  	_ =	strace $0x8000004A;
	s4 =	simm.s32 $0x1;
	s5 =	smul.u32 $0x19, s5  }
0xc: {  	s12 =	simm.s32 $0x0;
	s6 =	sadd.s32 $0x800, s6;
	[sflag:s4] =	ssyncpa.u1 $0x0  }
0xd: {  	s11 =	smov.u32 s2;
	[sflag:s7] =	ssyncpa.u1 $0x0;
	s7 =	sadd.s32 $0x1, s5  }
.LBB1_7:
0xe: {  	s15 =	sadd.s32 $0x2, s10  }
0xf: {  	s13 =	sadd.s32 $0x800, s11;
	s17 =	smov.u32 s11;
	p1 =	sgt.s32 s15, $0x31  }
0x10: {  	s17 =	smov.u32 @p1 s13  }
0x11: {  	s15 =	simm.s32 @p1 $0x0;
	p1 =	sgt.s32 s17, $0xFFF  }
0x12: {  	s17 =	smov.u32 @p1 s2;
	p1 =	sne.s32 s12, s7  }
.Ltmp1:
0x13: {  	p0 =	slt.u32 s12, $0x2;
	(pc) =	sbr.rel @!p1 .LBB1_8-.Ltmp1, $4  }
0x14: {  	s16 =	simm.s32 @!p0 $0x2  }
0x15: {  	s14 =	smov.u32 s11;
	_ =	swait.ge @!p0 [sflag:s16], $0x4000  }
0x16: {  	s13 =	smov.u32 s10;
	[sflag:s16] =	ssyncset.done @!p0 $0x0;
	s10 =	smov.u32 s15  }
0x17: {  	s12 =	sadd.s32 $0x1, s12;
	[sflag:s16] =	ssyncadd.s32 @!p0 $0xFFFFC000;
	s11 =	smov.u32 s17  }
.LBB1_1:
0x18: {  	p0 =	sge.u32 s12, s5  }
0x19: {  	s15 =	sand.u32 @!p0 $0x1FFFFFF, s10  }
0x1a: {  	s16 =	smulhi.u32 @!p0 $0x4924925, s15;
	_ =	sdelay $0x1  }
0x1b: {  	s16 =	smul.u32 @!p0 $0x38, s16  }
0x1c: {  	s17 =	sxor.u32 @!p0 $0xFFFFFFFF, s12;
	s18 =	smul.u32 @!p0 $0x380, s11  }
0x1d: {  	s31 =	sadd.s32 $0xFFFFFFFF, s12;
	s17 =	sshll.u32 @!p0 s17, $0xE;
	s15 =	ssub.s32 @!p0 s15, s16  }
0x1e: {  	s16 =	sand.u32 @!p0 $0x4000, s17;
	s17 =	sadd.s32 @!p0 s6, s18;
	s15 =	sshll.u32 @!p0 s15, $0x4  }
0x1f: {  	s18 =	simm.s32 @!p0 $0x1C00;
	s15 =	sadd.s32 @!p0 s15, s17;
	s17 =	simm.s32 @!p0 $0x100  }
0x20: {  	[tilespmem:s16], [sflag:$0x1] =	stream.strided.gather @!p0 [hbm4b:s15+s17], $0x4000, s18, s17, $0x38;
	[tilespmem:$0x10000] =	vst v63  }
0x21: {  	p0 =	sge.u32 s31, s5  }
.Ltmp2:
0x22: {  	_ = 	snop;
	(pc) =	sbr.rel @p0 .LBB1_7-.Ltmp2, $1  }
0x23: {  	_ =	sdelay $0x3  }
0x24: {  	_ =	swait.ge [sflag:s4], $0x4000;
	s15 =	sshll.u32 s12, $0xE  }
0x25: {  	[sflag:s4] =	ssyncset.done $0x0;
	s16 =	sand.u32 $0x4000, s15  }
0x26: {  	s17 =	simm.s32 $0x0;
	[sflag:s4] =	ssyncadd.s32 $0xFFFFC000;
	s15 =	sor.u32 $0x8000, s16  }
.LBB1_3:
0x27: {  	s18 =	sshll.u32 s17, $0x8  }
0x28: {  	s18 =	sand.u32 $0x3FFFFF00, s18  }
0x29: {  	s19 =	sshll.u32 s17, $0x7;
	s18 =	sadd.s32 s18, s16  }
0x2a: {  	s19 =	sand.u32 $0x3FFFFF80, s19;
	v0 =	vmov s18  }
0x2b: {  	s19 =	sadd.s32 s19, s15  }
0x2c: {  	p0 =	por $0x1, $0x1;
	v1 =	vmov s19;
	s18 =	simm.s32 $0x0  }
.LBB1_4:
0x2d: {  	s19 =	sshll.u32 s18, $0x7  }
0x2e: {  	s19 =	sand.u32 $0x3FFFFF80, s19  }
0x2f: {  	v2 =	vld.idx.msk [tilespmem:v0+s19+$0x0 ss:$0x1], $0xffff  }
0x30: {  	v3 =	vld.idx.msk [tilespmem:v0+s19+$0x10 ss:$0x1], $0xffff  }
0x31: {  	v4 =	vld.idx.msk [tilespmem:v0+s19+$0x20 ss:$0x1], $0xffff  }
0x32: {  	s31 =	sshll.u32 s18, $0xD;
	v5 =	vld.idx.msk [tilespmem:v0+s19+$0x30 ss:$0x1], $0xffff  }
0x33: {  	s18 =	sand.u32 $0x3FFFE000, s31;
	v6 =	vld.idx.msk [tilespmem:v0+s19+$0x40 ss:$0x1], $0xffff  }
0x34: {  	v63 =	vld.idx.msk [tilespmem:v0+s19+$0x70 ss:$0x1], $0xffff;
	[tilespmem:v1+s18+$0x0 ss:$0x1] =	vst.idx.msk $0xffff, v2  }
0x35: {  	v2 =	vld.idx.msk [tilespmem:v0+s19+$0x50 ss:$0x1], $0xffff;
	[tilespmem:v1+s18+$0x10 ss:$0x1] =	vst.idx.msk $0xffff, v3  }
0x36: {  	p1 =	por p0, p0;
	v3 =	vld.idx.msk [tilespmem:v0+s19+$0x60 ss:$0x1], $0xffff;
	[tilespmem:v1+s18+$0x20 ss:$0x1] =	vst.idx.msk $0xffff, v4  }
.Ltmp3:
0x37: {  	[tilespmem:v1+s18+$0x30 ss:$0x1] =	vst.idx.msk $0xffff, v5;
	(pc) =	sbr.rel @p1 .LBB1_4-.Ltmp3, $4  }
0x38: {  	[tilespmem:v1+s18+$0x40 ss:$0x1] =	vst.idx.msk $0xffff, v6  }
0x39: {  	[tilespmem:v1+s18+$0x70 ss:$0x1] =	vst.idx.msk $0xffff, v63  }
0x3a: {  	[tilespmem:v1+s18+$0x50 ss:$0x1] =	vst.idx.msk $0xffff, v2  }
0x3b: {  	p0 =	por $0x0, $0x0;
	[tilespmem:v1+s18+$0x60 ss:$0x1] =	vst.idx.msk $0xffff, v3;
	s18 =	simm.s32 $0x1  }
0x3c: {  	s17 =	sadd.s32 $0x1, s17  }
0x3d: {  	p0 =	sne.s32 s17, $0x40  }
.Ltmp4:
0x3e: {  	_ = 	snop;
	(pc) =	sbr.rel @p0 .LBB1_3-.Ltmp4, $1  }
0x3f: {  	_ =	sdelay $0x3  }
.Ltmp5:
0x40: {  	s14 =	sshll.u32 s14, $0x4;
	(pc) =	sbr.rel .LBB1_7-.Ltmp5, $4  }
0x41: {  	s14 =	sand.u32 $0xFFF0, s14  }
0x42: {  	s13 =	sshll.u32 s13, $0x10;
	s14 =	sadd.s32 s3, s14  }
0x43: {  	s13 =	sadd.s32 s13, s14  }
0x44: {  	[hbm4b:s13+s8] =	stream.strided.scatter [tilespmem:s15], [sflag:$0x2], $0x4000, s9, s8, $0x38;
	[tilespmem:$0x10000] =	vst v63  }
.LBB1_8:
0x45: {  	_ =	sfence.sel $0x180000  }
0x46: {  	s2 =	simm.s32 $0x1;
	[bflag:$0x0] =	sbarrier.arrive $0xFFFF  }
0x47: {  	s31 =	simm.s32 $0x2;
	[sflag:s2] =	ssyncpa.u1 $0x1  }
0x48: {  	[sflag:s31] =	ssyncpa.u1 $0x1  }
0x49: {  	p0 =	sne.s32 s0, $0x0;
	_ =	strace $0x9000004A  }
0x4a: {  	s0 =	sadd.s32 @!p0 $0x100000, s1;
	[bflag:$0x2] =	sbarrier.arrive $0xFFFF  }
0x4b: {  	[sflag:s0] =	ssyncadd.tile.s32 @!p0 $0x1;
	_ =	shalt  }
.Lfunc_end1:
_tile_overlayer_lowered:
.L_overlay_start_2:
0x4c: {  	(tag) =	ssettag $0x2  }
0x4d: {  	s0 =	rddreg [dreg:$0x0];
	s2 =	stileid.u32  }
0x4e: {  	s1 =	rddreg [dreg:$0x1];
	p0 =	sne.s32 s2, $0x0  }
0x4f: {  	s3 =	rddreg [dreg:$0x2];
	[bflag:$0x3] =	sbarrier.arrive $0xFFFF;
	s2 =	simm.s32 @!p0 $0x1C01  }
0x50: {  	[timem:s3], [sflag:s2] =	dma.local @!p0 [hbm:s0], s1  }
0x51: {  	s0 =	simm.s32 @!p0 $0x1  }
0x52: {  	_ =	swait.ge @!p0 [sflag:s0], s1  }
0x53: {  	s1 =	ssub.s32 @!p0 $0x0, s1;
	[sflag:s0] =	ssyncset.done @!p0 $0x0  }
0x54: {  	[sflag:s0] =	ssyncadd.s32 @!p0 s1  }
0x55: {  	[bflag:$0x3] =	sbarrier.arrive $0xFFFF  }
0x56: {  	_ =	shalt  }

</sc_bundles>
